<compile_context>
chip_gen: v7x
topology: tpu7x:2x2x1
jax: 0.10.2.dev20260603
libtpu: 0.0.44.dev20260713+nightly
codegen_flags: <defaults>
</compile_context>

<pallas_src>
import functools

import jax
import jax.numpy as jnp
from jax import lax
from jax.experimental import pallas as pl
from jax.experimental.pallas import tpu as pltpu
from jax.experimental.pallas import tpu_sc as plsc

N = 10000
D_IN = 128
D_OUT = 64
E = 320000

NC = 2
NS = 16
NW = NC * NS

EC = 128
NB = 80
NBE = NB * EC
EPAD = NW * NBE
NPAD = 10240
ROWS_PER_TILE = NPAD // NS
BLK = ROWS_PER_TILE // EC
NDUMMY = NPAD - N
NBUF = 3
VL = 16


def _prep_body(x_ref, w_ref, dst_ref, msk_ref, y_ref, dstm_ref):
    y_ref[...] = lax.dot_general(
        x_ref[...], w_ref[...],
        (((1,), (1,)), ((), ())),
        preferred_element_type=jnp.float32,
    )
    r = lax.broadcasted_iota(jnp.int32, (EPAD // EC, EC), 0)
    cc = lax.broadcasted_iota(jnp.int32, (EPAD // EC, EC), 1)
    dummy = N + lax.rem(r * EC + cc, NDUMMY)
    dstm_ref[...] = jnp.where(msk_ref[...] != 0, dst_ref[...], dummy)


def _prep(x_pad, w, dst_f, msk_f):
    return pl.pallas_call(
        _prep_body,
        out_shape=(
            jax.ShapeDtypeStruct((NPAD, D_OUT), jnp.float32),
            jax.ShapeDtypeStruct((EPAD // EC, EC), jnp.int32),
        ),
    )(x_pad, w, dst_f, msk_f)


_MESH = plsc.VectorSubcoreMesh(
    core_axis_name="c", subcore_axis_name="s", num_cores=NC, num_subcores=NS
)
_CPARAMS = pltpu.CompilerParams(use_tc_tiling_on_sc=False)

_SC_SCRATCH = [
    pltpu.VMEM((NBE,), jnp.int32),
    pltpu.VMEM((NB, EC), jnp.int32),
    pltpu.VMEM((EC, D_OUT), jnp.float32),
    pltpu.VMEM((EC, D_OUT), jnp.float32),
    pltpu.VMEM((EC, D_OUT), jnp.float32),
    pltpu.VMEM((BLK, EC), jnp.int32),
    pltpu.VMEM_SHARED((NPAD, D_OUT), jnp.float32),
    pltpu.VMEM_SHARED((NPAD, D_OUT), jnp.float32),
    pltpu.SemaphoreType.DMA,
    pltpu.SemaphoreType.DMA,
    pltpu.SemaphoreType.DMA,
    pltpu.SemaphoreType.DMA,
    pltpu.SemaphoreType.DMA,
    pltpu.SemaphoreType.DMA,
]


def _zero_buf(buf):
    z = jnp.zeros((VL,), jnp.float32)

    def zrow(i, carry):
        for f in range(D_OUT // VL):
            buf[i, pl.ds(f * VL, VL)] = z
        return carry

    lax.fori_loop(0, EC, zrow, jnp.int32(0))


def _zero_accum(accum, r0, row0):
    for blk in range(BLK):
        pltpu.sync_copy(r0, accum.at[pl.ds(row0 + blk * EC, EC)])


def _fill_rowidx(idx2, row0):
    lanes = lax.broadcasted_iota(jnp.int32, (VL,), 0)
    for blk in range(BLK):
        for k in range(EC // VL):
            idx2[blk, pl.ds(k * VL, VL)] = row0 + blk * EC + k * VL + lanes


def _ring_loop(ysp, accum, src_v, dst_v, rows, gsems, ssems):

    def issue_gather(j, b):
        pltpu.async_copy(ysp.at[src_v.at[pl.ds(j * EC, EC)]], rows[b],
                         gsems[b])

    def wait(sem):
        pltpu.make_async_copy(ysp.at[pl.ds(0, EC)], rows[0], sem).wait()

    for b in range(NBUF):
        issue_gather(b, b)

    def gbody(gi, carry):
        g = gi * NBUF
        for b in range(NBUF):
            j = g + b
            bprev = (b - 1) % NBUF
            @pl.when((j >= 1) & (j - 1 + NBUF < NB))
            def _(j=j, bprev=bprev):
                wait(ssems[bprev])
                issue_gather(j - 1 + NBUF, bprev)

            @pl.when(j < NB)
            def _(j=j, b=b):
                wait(gsems[b])
                pltpu.async_copy(rows[b], accum.at[dst_v.at[j]], ssems[b],
                                 add=True)
        return carry

    lax.fori_loop(0, (NB + NBUF - 1) // NBUF, gbody, jnp.int32(0))
    for b in range(NBUF):
        wait(ssems[b])


@functools.partial(
    pl.kernel,
    out_type=jax.ShapeDtypeStruct((NC, NS, ROWS_PER_TILE, D_OUT), jnp.float32),
    mesh=_MESH,
    scratch_types=_SC_SCRATCH,
    compiler_params=_CPARAMS,
)
def _propagate1(y_hbm, src_hbm, dst_hbm, out_hbm,
                src_v, dst_v, r0, r1, r2, idx2, ysp, accum,
                g0, g1, g2, s0, s1, s2):
    c = lax.axis_index("c")
    s = lax.axis_index("s")
    wid = c * NS + s
    row0 = s * ROWS_PER_TILE
    pltpu.async_copy(y_hbm.at[pl.ds(row0, ROWS_PER_TILE)],
                     ysp.at[pl.ds(row0, ROWS_PER_TILE)], g0)
    pltpu.async_copy(src_hbm.at[wid], src_v, g1)
    pltpu.async_copy(dst_hbm.at[wid], dst_v, g2)
    _zero_buf(r0)
    _zero_accum(accum, r0, row0)
    pltpu.make_async_copy(y_hbm.at[pl.ds(row0, ROWS_PER_TILE)],
                          ysp.at[pl.ds(row0, ROWS_PER_TILE)], g0).wait()
    pltpu.make_async_copy(src_hbm.at[wid], src_v, g1).wait()
    pltpu.make_async_copy(dst_hbm.at[wid], dst_v, g2).wait()
    plsc.subcore_barrier()
    _ring_loop(ysp, accum, src_v, dst_v, [r0, r1, r2], [g0, g1, g2],
               [s0, s1, s2])
    plsc.subcore_barrier()
    pltpu.sync_copy(accum.at[pl.ds(row0, ROWS_PER_TILE)], out_hbm.at[c, s])


@functools.partial(
    pl.kernel,
    out_type=jax.ShapeDtypeStruct((NC, NS, ROWS_PER_TILE, D_OUT), jnp.float32),
    mesh=_MESH,
    scratch_types=_SC_SCRATCH,
    compiler_params=_CPARAMS,
)
def _propagate2(part_hbm, src_hbm, dst_hbm, out_hbm,
                src_v, dst_v, r0, r1, r2, idx2, ysp, accum,
                g0, g1, g2, s0, s1, s2):
    c = lax.axis_index("c")
    s = lax.axis_index("s")
    wid = c * NS + s
    row0 = s * ROWS_PER_TILE
    pltpu.async_copy(src_hbm.at[wid], src_v, g1)
    pltpu.async_copy(dst_hbm.at[wid], dst_v, g2)
    _fill_rowidx(idx2, row0)
    for blk in range(BLK):
        pltpu.sync_copy(part_hbm.at[0, s, pl.ds(blk * EC, EC)], r0)
        pltpu.sync_copy(r0, ysp.at[pl.ds(row0 + blk * EC, EC)])
    for blk in range(BLK):
        pltpu.sync_copy(part_hbm.at[1, s, pl.ds(blk * EC, EC)], r1)
        pltpu.async_copy(r1, ysp.at[idx2.at[blk]], s0, add=True)
        pltpu.make_async_copy(part_hbm.at[0, 0, pl.ds(0, EC)], r1, s0).wait()
    _zero_buf(r0)
    _zero_accum(accum, r0, row0)
    pltpu.make_async_copy(src_hbm.at[wid], src_v, g1).wait()
    pltpu.make_async_copy(dst_hbm.at[wid], dst_v, g2).wait()
    plsc.subcore_barrier()
    _ring_loop(ysp, accum, src_v, dst_v, [r0, r1, r2], [g0, g1, g2],
               [s0, s1, s2])
    plsc.subcore_barrier()
    pltpu.sync_copy(accum.at[pl.ds(row0, ROWS_PER_TILE)], out_hbm.at[c, s])


def _finish_body(p_ref, b_ref, o_ref):
    logits = p_ref[0, :N] + p_ref[1, :N] + b_ref[...]
    m = jnp.max(logits, axis=1, keepdims=True)
    lse = m + jnp.log(jnp.sum(jnp.exp(logits - m), axis=1, keepdims=True))
    o_ref[...] = logits - lse


def _finish(parts, b):
    return pl.pallas_call(
        _finish_body,
        out_shape=jax.ShapeDtypeStruct((N, D_OUT), jnp.float32),
    )(parts, b)


def kernel(x, edge_index, edge_mask, vertex_cnt, rule_cnt, W, b):
    del vertex_cnt, rule_cnt
    src = edge_index[0].astype(jnp.int32)
    dst = edge_index[1].astype(jnp.int32)
    msk = edge_mask.astype(jnp.int32)
    pad = EPAD - E
    src_f = jnp.pad(src, (0, pad)).reshape(NW, NBE)
    dst_f = jnp.pad(dst, (0, pad)).reshape(EPAD // EC, EC)
    msk_f = jnp.pad(msk, (0, pad)).reshape(EPAD // EC, EC)
    x_pad = jnp.pad(x, ((0, NPAD - N), (0, 0)))

    y, dst_m = _prep(x_pad, W, dst_f, msk_f)
    dst_m = dst_m.reshape(NW, NB, EC)

    p1 = _propagate1(y, src_f, dst_m)
    p2 = _propagate2(p1, src_f, dst_m)
    return _finish(p2.reshape(NC, NPAD, D_OUT), b.reshape(1, D_OUT))

# --- scband reference (transcript-rebuilt; emitter-appended) ---
"""Pipeline reference for scband-sgc-33208687133424 (READ-ONLY COPY).

The authoritative reference and input builder live on the scoring server;
editing this copy changes nothing except your own understanding.
"""

import jax, jax.numpy as jnp
import numpy as np

K = 2

def setup_inputs(seed: int = 0) -> dict:
    key = jax.random.key(seed)
    k1, k2, k3, k4, k5 = jax.random.split(key, 5)
    n_nodes = 10000
    n_edges = 320000
    d_in = 128
    d_out = 64
    x = jax.random.normal(k1, (n_nodes, d_in), dtype=jnp.float32)
    edge_index = jax.random.randint(k2, (2, n_edges), 0, n_nodes, dtype=jnp.int64)
    edge_mask = jax.random.randint(k3, (n_edges,), 0, 2, dtype=jnp.int32).astype(jnp.bool_)
    # Linear layer params (PyTorch nn.Linear default init approximated)
    bound = 1.0 / np.sqrt(d_in)
    W = jax.random.uniform(k4, (d_out, d_in), minval=-bound, maxval=bound, dtype=jnp.float32)
    b = jax.random.uniform(k5, (d_out,), minval=-bound, maxval=bound, dtype=jnp.float32)
    return {"x": x, "edge_index": edge_index, "edge_mask": edge_mask, "vertex_cnt": n_nodes, "rule_cnt": 0, "W": W, "b": b}

def reference(x, edge_index, edge_mask, vertex_cnt, rule_cnt, W, b):
    # KPUPropagate with normalize=False, add_self_loops=False: K rounds of
    # masked scatter-add message passing (SGC-style A^K x, edges gated by edge_mask).
    src = edge_index[0]
    dst = edge_index[1]
    m = edge_mask.astype(x.dtype)
    h = x
    num_segments = x.shape[0]
    for _ in range(K):
        msgs = jnp.take(h, src, axis=0) * m[:, None]
        h = jax.ops.segment_sum(msgs, dst, num_segments=num_segments)
    # transform: linear + log_softmax
    logits = h @ W.T + b
    logits = logits + (jnp.asarray(vertex_cnt) - num_segments + jnp.asarray(rule_cnt)).astype(logits.dtype)
    return jax.nn.log_softmax(logits, axis=1)

if __name__ == "__main__":
    import jax
    _d = setup_inputs()
    print(jax.jit(kernel)(*tuple(_d.values())))

</pallas_src>

<mosaic_0001>
#map = affine_map<(d0, d1) -> (0, 0)>
#map1 = affine_map<(d0, d1) -> (0, 0, 0)>
#map2 = affine_map<(d0, d1) -> (0, 0, 0, 0)>
module attributes {stable_mosaic.version = 14 : i64} {
  func.func @_propagate1(%arg0: i32, %arg1: i32, %arg2: memref<10240x64xf32, #tpu.memory_space<hbm>>, %arg3: memref<32x10240xi32, #tpu.memory_space<hbm>>, %arg4: memref<32x80x128xi32, #tpu.memory_space<hbm>>, %arg5: memref<2x16x640x64xf32, #tpu.memory_space<hbm>>, %arg6: memref<10240xi32, #tpu.memory_space<vmem>>, %arg7: memref<80x128xi32, #tpu.memory_space<vmem>>, %arg8: memref<128x64xf32, #tpu.memory_space<vmem>>, %arg9: memref<128x64xf32, #tpu.memory_space<vmem>>, %arg10: memref<128x64xf32, #tpu.memory_space<vmem>>, %arg11: memref<5x128xi32, #tpu.memory_space<vmem>>, %arg12: memref<10240x64xf32, #tpu.memory_space<vmem_shared>>, %arg13: memref<10240x64xf32, #tpu.memory_space<vmem_shared>>, %arg14: memref<!tpu.dma_semaphore, #tpu.memory_space<semaphore_mem>>, %arg15: memref<!tpu.dma_semaphore, #tpu.memory_space<semaphore_mem>>, %arg16: memref<!tpu.dma_semaphore, #tpu.memory_space<semaphore_mem>>, %arg17: memref<!tpu.dma_semaphore, #tpu.memory_space<semaphore_mem>>, %arg18: memref<!tpu.dma_semaphore, #tpu.memory_space<semaphore_mem>>, %arg19: memref<!tpu.dma_semaphore, #tpu.memory_space<semaphore_mem>>) attributes {dimension_semantics = [#tpu.dimension_semantics<core_parallel>, #tpu.dimension_semantics<subcore_parallel>], iteration_bounds = array<i64: 2, 16>, scalar_prefetch = 0 : i64, scratch_operands = 14 : i64, tpu.core_type = #tpu.core_type<sc_vector_subcore>, window_params = [{transform_indices = #map}, {transform_indices = #map}, {transform_indices = #map1}, {transform_indices = #map2}]} {
    %mul3A = arith.constant 16 : i32
    %mul3A_0 = arith.muli %arg0, %mul3A : i32
    %add3A = arith.addi %mul3A_0, %arg1 : i32
    %mul3A_1 = arith.constant 640 : i32
    %mul3A_2 = arith.muli %arg1, %mul3A_1 : i32
    %dma_start3A = arith.constant 0 : i32
    %dma_start3A_3 = tpu.memref_slice %arg12[%mul3A_2, %dma_start3A] : memref<10240x64xf32, #tpu.memory_space<vmem_shared>> -> memref<640x64xf32, #tpu.memory_space<vmem_shared>>
    %dma_start3A_4 = arith.constant 0 : i32
    %dma_start3A_5 = tpu.memref_slice %arg2[%mul3A_2, %dma_start3A_4] : memref<10240x64xf32, #tpu.memory_space<hbm>> -> memref<640x64xf32, #tpu.memory_space<hbm>>
    tpu.enqueue_dma source(%dma_start3A_5 : memref<640x64xf32, #tpu.memory_space<hbm>>) target(%dma_start3A_3 : memref<640x64xf32, #tpu.memory_space<vmem_shared>>) target_semaphore(%arg14 : memref<!tpu.dma_semaphore, #tpu.memory_space<semaphore_mem>>)
    %dma_start3A_6 = arith.constant 0 : i32
    %dma_start3A_7 = tpu.memref_slice %arg3[%add3A, %dma_start3A_6] : memref<32x10240xi32, #tpu.memory_space<hbm>> -> memref<1x10240xi32, #tpu.memory_space<hbm>>
    %dma_start3A_8 = tpu.memref_squeeze %dma_start3A_7 : memref<1x10240xi32, #tpu.memory_space<hbm>> -> memref<10240xi32, #tpu.memory_space<hbm>>
    %dma_start3A_9 = arith.constant 0 : i32
    %dma_start3A_10 = tpu.memref_slice %arg3[%add3A, %dma_start3A_9] : memref<32x10240xi32, #tpu.memory_space<hbm>> -> memref<1x10240xi32, #tpu.memory_space<hbm>>
    %dma_start3A_11 = tpu.memref_squeeze %dma_start3A_10 : memref<1x10240xi32, #tpu.memory_space<hbm>> -> memref<10240xi32, #tpu.memory_space<hbm>>
    tpu.enqueue_dma source(%dma_start3A_11 : memref<10240xi32, #tpu.memory_space<hbm>>) target(%arg6 : memref<10240xi32, #tpu.memory_space<vmem>>) target_semaphore(%arg15 : memref<!tpu.dma_semaphore, #tpu.memory_space<semaphore_mem>>)
    %dma_start3A_12 = arith.constant 0 : i32
    %dma_start3A_13 = arith.constant 0 : i32
    %dma_start3A_14 = tpu.memref_slice %arg4[%add3A, %dma_start3A_12, %dma_start3A_13] : memref<32x80x128xi32, #tpu.memory_space<hbm>> -> memref<1x80x128xi32, #tpu.memory_space<hbm>>
    %dma_start3A_15 = tpu.memref_squeeze %dma_start3A_14 : memref<1x80x128xi32, #tpu.memory_space<hbm>> -> memref<80x128xi32, #tpu.memory_space<hbm>>
    %dma_start3A_16 = arith.constant 0 : i32
    %dma_start3A_17 = arith.constant 0 : i32
    %dma_start3A_18 = tpu.memref_slice %arg4[%add3A, %dma_start3A_16, %dma_start3A_17] : memref<32x80x128xi32, #tpu.memory_space<hbm>> -> memref<1x80x128xi32, #tpu.memory_space<hbm>>
    %dma_start3A_19 = tpu.memref_squeeze %dma_start3A_18 : memref<1x80x128xi32, #tpu.memory_space<hbm>> -> memref<80x128xi32, #tpu.memory_space<hbm>>
    tpu.enqueue_dma source(%dma_start3A_19 : memref<80x128xi32, #tpu.memory_space<hbm>>) target(%arg7 : memref<80x128xi32, #tpu.memory_space<vmem>>) target_semaphore(%arg16 : memref<!tpu.dma_semaphore, #tpu.memory_space<semaphore_mem>>)
    %broadcast_in_dim3A = arith.constant 0.000000e+00 : f32
    %broadcast_in_dim3A_20 = vector.broadcast %broadcast_in_dim3A : f32 to vector<16xf32>
    %scan3A = arith.constant 0 : i32
    %scan3A_21 = arith.constant 0 : i32
    %scan3A_22 = arith.constant 128 : i32
    %scan3A_23 = arith.addi %scan3A_21, %scan3A_22 : i32
    %scan3A_24 = arith.constant 1 : i32
    scf.for %scan3A_93 = %scan3A_21 to %scan3A_23 step %scan3A_24  : i32 {
      %swap3A = arith.index_cast %scan3A_93 : i32 to index
      %swap3A_94 = arith.constant 0 : index
      %swap3A_95 = tpu.vector_load %arg8[%swap3A, %swap3A_94] {strides = array<i32>} : memref<128x64xf32, #tpu.memory_space<vmem>>, vector<1x16xf32>,
      %swap3A_96 = vector.shape_cast %swap3A_95 : vector<1x16xf32> to vector<16xf32>
      %swap3A_97 = vector.shape_cast %broadcast_in_dim3A_20 : vector<16xf32> to vector<1x16xf32>
      tpu.vector_store %arg8[%swap3A, %swap3A_94], %swap3A_97 {strides = array<i32>} : memref<128x64xf32, #tpu.memory_space<vmem>>, vector<1x16xf32>,
      %swap3A_98 = arith.index_cast %scan3A_93 : i32 to index
      %swap3A_99 = arith.constant 16 : index
      %swap3A_100 = tpu.vector_load %arg8[%swap3A_98, %swap3A_99] {strides = array<i32>} : memref<128x64xf32, #tpu.memory_space<vmem>>, vector<1x16xf32>,
      %swap3A_101 = vector.shape_cast %swap3A_100 : vector<1x16xf32> to vector<16xf32>
      %swap3A_102 = vector.shape_cast %broadcast_in_dim3A_20 : vector<16xf32> to vector<1x16xf32>
      tpu.vector_store %arg8[%swap3A_98, %swap3A_99], %swap3A_102 {strides = array<i32>} : memref<128x64xf32, #tpu.memory_space<vmem>>, vector<1x16xf32>,
      %swap3A_103 = arith.index_cast %scan3A_93 : i32 to index
      %swap3A_104 = arith.constant 32 : index
      %swap3A_105 = tpu.vector_load %arg8[%swap3A_103, %swap3A_104] {strides = array<i32>} : memref<128x64xf32, #tpu.memory_space<vmem>>, vector<1x16xf32>,
      %swap3A_106 = vector.shape_cast %swap3A_105 : vector<1x16xf32> to vector<16xf32>
      %swap3A_107 = vector.shape_cast %broadcast_in_dim3A_20 : vector<16xf32> to vector<1x16xf32>
      tpu.vector_store %arg8[%swap3A_103, %swap3A_104], %swap3A_107 {strides = array<i32>} : memref<128x64xf32, #tpu.memory_space<vmem>>, vector<1x16xf32>,
      %swap3A_108 = arith.index_cast %scan3A_93 : i32 to index
      %swap3A_109 = arith.constant 48 : index
      %swap3A_110 = tpu.vector_load %arg8[%swap3A_108, %swap3A_109] {strides = array<i32>} : memref<128x64xf32, #tpu.memory_space<vmem>>, vector<1x16xf32>,
      %swap3A_111 = vector.shape_cast %swap3A_110 : vector<1x16xf32> to vector<16xf32>
      %swap3A_112 = vector.shape_cast %broadcast_in_dim3A_20 : vector<16xf32> to vector<1x16xf32>
      tpu.vector_store %arg8[%swap3A_108, %swap3A_109], %swap3A_112 {strides = array<i32>} : memref<128x64xf32, #tpu.memory_space<vmem>>, vector<1x16xf32>,
    }
    %scan3A_25 = arith.constant 128 : i32
    %add3A_26 = arith.constant 0 : i32
    %add3A_27 = arith.addi %mul3A_2, %add3A_26 : i32
    "tpu.region"() ({
      %run_scoped3A = tpu.sem_alloc : memref<!tpu.dma_semaphore, #tpu.memory_space<semaphore_mem>>
      %dma_start3A_93 = arith.constant 0 : i32
      %dma_start3A_94 = tpu.memref_slice %arg13[%add3A_27, %dma_start3A_93] : memref<10240x64xf32, #tpu.memory_space<vmem_shared>> -> memref<128x64xf32, #tpu.memory_space<vmem_shared>>
      %dma_start3A_95 = arith.constant 0 : i32
      %dma_start3A_96 = tpu.memref_slice %arg13[%add3A_27, %dma_start3A_95] : memref<10240x64xf32, #tpu.memory_space<vmem_shared>> -> memref<128x64xf32, #tpu.memory_space<vmem_shared>>
      tpu.enqueue_dma source(%arg8 : memref<128x64xf32, #tpu.memory_space<vmem>>) target(%dma_start3A_96 : memref<128x64xf32, #tpu.memory_space<vmem_shared>>) target_semaphore(%run_scoped3A : memref<!tpu.dma_semaphore, #tpu.memory_space<semaphore_mem>>)
      %dma_wait3A_97 = arith.constant 0 : i32
      %dma_wait3A_98 = tpu.memref_slice %arg13[%add3A_27, %dma_wait3A_97] : memref<10240x64xf32, #tpu.memory_space<vmem_shared>> -> memref<128x64xf32, #tpu.memory_space<vmem_shared>>
      %dma_wait3A_99 = arith.constant 0 : i32
      %dma_wait3A_100 = tpu.memref_slice %arg13[%add3A_27, %dma_wait3A_99] : memref<10240x64xf32, #tpu.memory_space<vmem_shared>> -> memref<128x64xf32, #tpu.memory_space<vmem_shared>>
      tpu.wait_dma2 semaphore(%run_scoped3A : memref<!tpu.dma_semaphore, #tpu.memory_space<semaphore_mem>>) src(%arg8 : memref<128x64xf32, #tpu.memory_space<vmem>>) dst(%dma_wait3A_100 : memref<128x64xf32, #tpu.memory_space<vmem_shared>>)
      tpu.yield
    }) : () -> ()
    %add3A_28 = arith.constant 128 : i32
    %add3A_29 = arith.addi %mul3A_2, %add3A_28 : i32
    "tpu.region"() ({
      %run_scoped3A = tpu.sem_alloc : memref<!tpu.dma_semaphore, #tpu.memory_space<semaphore_mem>>
      %dma_start3A_93 = arith.constant 0 : i32
      %dma_start3A_94 = tpu.memref_slice %arg13[%add3A_29, %dma_start3A_93] : memref<10240x64xf32, #tpu.memory_space<vmem_shared>> -> memref<128x64xf32, #tpu.memory_space<vmem_shared>>
      %dma_start3A_95 = arith.constant 0 : i32
      %dma_start3A_96 = tpu.memref_slice %arg13[%add3A_29, %dma_start3A_95] : memref<10240x64xf32, #tpu.memory_space<vmem_shared>> -> memref<128x64xf32, #tpu.memory_space<vmem_shared>>
      tpu.enqueue_dma source(%arg8 : memref<128x64xf32, #tpu.memory_space<vmem>>) target(%dma_start3A_96 : memref<128x64xf32, #tpu.memory_space<vmem_shared>>) target_semaphore(%run_scoped3A : memref<!tpu.dma_semaphore, #tpu.memory_space<semaphore_mem>>)
      %dma_wait3A_97 = arith.constant 0 : i32
      %dma_wait3A_98 = tpu.memref_slice %arg13[%add3A_29, %dma_wait3A_97] : memref<10240x64xf32, #tpu.memory_space<vmem_shared>> -> memref<128x64xf32, #tpu.memory_space<vmem_shared>>
      %dma_wait3A_99 = arith.constant 0 : i32
      %dma_wait3A_100 = tpu.memref_slice %arg13[%add3A_29, %dma_wait3A_99] : memref<10240x64xf32, #tpu.memory_space<vmem_shared>> -> memref<128x64xf32, #tpu.memory_space<vmem_shared>>
      tpu.wait_dma2 semaphore(%run_scoped3A : memref<!tpu.dma_semaphore, #tpu.memory_space<semaphore_mem>>) src(%arg8 : memref<128x64xf32, #tpu.memory_space<vmem>>) dst(%dma_wait3A_100 : memref<128x64xf32, #tpu.memory_space<vmem_shared>>)
      tpu.yield
    }) : () -> ()
    %add3A_30 = arith.constant 256 : i32
    %add3A_31 = arith.addi %mul3A_2, %add3A_30 : i32
    "tpu.region"() ({
      %run_scoped3A = tpu.sem_alloc : memref<!tpu.dma_semaphore, #tpu.memory_space<semaphore_mem>>
      %dma_start3A_93 = arith.constant 0 : i32
      %dma_start3A_94 = tpu.memref_slice %arg13[%add3A_31, %dma_start3A_93] : memref<10240x64xf32, #tpu.memory_space<vmem_shared>> -> memref<128x64xf32, #tpu.memory_space<vmem_shared>>
      %dma_start3A_95 = arith.constant 0 : i32
      %dma_start3A_96 = tpu.memref_slice %arg13[%add3A_31, %dma_start3A_95] : memref<10240x64xf32, #tpu.memory_space<vmem_shared>> -> memref<128x64xf32, #tpu.memory_space<vmem_shared>>
      tpu.enqueue_dma source(%arg8 : memref<128x64xf32, #tpu.memory_space<vmem>>) target(%dma_start3A_96 : memref<128x64xf32, #tpu.memory_space<vmem_shared>>) target_semaphore(%run_scoped3A : memref<!tpu.dma_semaphore, #tpu.memory_space<semaphore_mem>>)
      %dma_wait3A_97 = arith.constant 0 : i32
      %dma_wait3A_98 = tpu.memref_slice %arg13[%add3A_31, %dma_wait3A_97] : memref<10240x64xf32, #tpu.memory_space<vmem_shared>> -> memref<128x64xf32, #tpu.memory_space<vmem_shared>>
      %dma_wait3A_99 = arith.constant 0 : i32
      %dma_wait3A_100 = tpu.memref_slice %arg13[%add3A_31, %dma_wait3A_99] : memref<10240x64xf32, #tpu.memory_space<vmem_shared>> -> memref<128x64xf32, #tpu.memory_space<vmem_shared>>
      tpu.wait_dma2 semaphore(%run_scoped3A : memref<!tpu.dma_semaphore, #tpu.memory_space<semaphore_mem>>) src(%arg8 : memref<128x64xf32, #tpu.memory_space<vmem>>) dst(%dma_wait3A_100 : memref<128x64xf32, #tpu.memory_space<vmem_shared>>)
      tpu.yield
    }) : () -> ()
    %add3A_32 = arith.constant 384 : i32
    %add3A_33 = arith.addi %mul3A_2, %add3A_32 : i32
    "tpu.region"() ({
      %run_scoped3A = tpu.sem_alloc : memref<!tpu.dma_semaphore, #tpu.memory_space<semaphore_mem>>
      %dma_start3A_93 = arith.constant 0 : i32
      %dma_start3A_94 = tpu.memref_slice %arg13[%add3A_33, %dma_start3A_93] : memref<10240x64xf32, #tpu.memory_space<vmem_shared>> -> memref<128x64xf32, #tpu.memory_space<vmem_shared>>
      %dma_start3A_95 = arith.constant 0 : i32
      %dma_start3A_96 = tpu.memref_slice %arg13[%add3A_33, %dma_start3A_95] : memref<10240x64xf32, #tpu.memory_space<vmem_shared>> -> memref<128x64xf32, #tpu.memory_space<vmem_shared>>
      tpu.enqueue_dma source(%arg8 : memref<128x64xf32, #tpu.memory_space<vmem>>) target(%dma_start3A_96 : memref<128x64xf32, #tpu.memory_space<vmem_shared>>) target_semaphore(%run_scoped3A : memref<!tpu.dma_semaphore, #tpu.memory_space<semaphore_mem>>)
      %dma_wait3A_97 = arith.constant 0 : i32
      %dma_wait3A_98 = tpu.memref_slice %arg13[%add3A_33, %dma_wait3A_97] : memref<10240x64xf32, #tpu.memory_space<vmem_shared>> -> memref<128x64xf32, #tpu.memory_space<vmem_shared>>
      %dma_wait3A_99 = arith.constant 0 : i32
      %dma_wait3A_100 = tpu.memref_slice %arg13[%add3A_33, %dma_wait3A_99] : memref<10240x64xf32, #tpu.memory_space<vmem_shared>> -> memref<128x64xf32, #tpu.memory_space<vmem_shared>>
      tpu.wait_dma2 semaphore(%run_scoped3A : memref<!tpu.dma_semaphore, #tpu.memory_space<semaphore_mem>>) src(%arg8 : memref<128x64xf32, #tpu.memory_space<vmem>>) dst(%dma_wait3A_100 : memref<128x64xf32, #tpu.memory_space<vmem_shared>>)
      tpu.yield
    }) : () -> ()
    %add3A_34 = arith.constant 512 : i32
    %add3A_35 = arith.addi %mul3A_2, %add3A_34 : i32
    "tpu.region"() ({
      %run_scoped3A = tpu.sem_alloc : memref<!tpu.dma_semaphore, #tpu.memory_space<semaphore_mem>>
      %dma_start3A_93 = arith.constant 0 : i32
      %dma_start3A_94 = tpu.memref_slice %arg13[%add3A_35, %dma_start3A_93] : memref<10240x64xf32, #tpu.memory_space<vmem_shared>> -> memref<128x64xf32, #tpu.memory_space<vmem_shared>>
      %dma_start3A_95 = arith.constant 0 : i32
      %dma_start3A_96 = tpu.memref_slice %arg13[%add3A_35, %dma_start3A_95] : memref<10240x64xf32, #tpu.memory_space<vmem_shared>> -> memref<128x64xf32, #tpu.memory_space<vmem_shared>>
      tpu.enqueue_dma source(%arg8 : memref<128x64xf32, #tpu.memory_space<vmem>>) target(%dma_start3A_96 : memref<128x64xf32, #tpu.memory_space<vmem_shared>>) target_semaphore(%run_scoped3A : memref<!tpu.dma_semaphore, #tpu.memory_space<semaphore_mem>>)
      %dma_wait3A_97 = arith.constant 0 : i32
      %dma_wait3A_98 = tpu.memref_slice %arg13[%add3A_35, %dma_wait3A_97] : memref<10240x64xf32, #tpu.memory_space<vmem_shared>> -> memref<128x64xf32, #tpu.memory_space<vmem_shared>>
      %dma_wait3A_99 = arith.constant 0 : i32
      %dma_wait3A_100 = tpu.memref_slice %arg13[%add3A_35, %dma_wait3A_99] : memref<10240x64xf32, #tpu.memory_space<vmem_shared>> -> memref<128x64xf32, #tpu.memory_space<vmem_shared>>
      tpu.wait_dma2 semaphore(%run_scoped3A : memref<!tpu.dma_semaphore, #tpu.memory_space<semaphore_mem>>) src(%arg8 : memref<128x64xf32, #tpu.memory_space<vmem>>) dst(%dma_wait3A_100 : memref<128x64xf32, #tpu.memory_space<vmem_shared>>)
      tpu.yield
    }) : () -> ()
    %dma_wait3A = arith.constant 0 : i32
    %dma_wait3A_36 = tpu.memref_slice %arg12[%mul3A_2, %dma_wait3A] : memref<10240x64xf32, #tpu.memory_space<vmem_shared>> -> memref<640x64xf32, #tpu.memory_space<vmem_shared>>
    %dma_wait3A_37 = arith.constant 0 : i32
    %dma_wait3A_38 = tpu.memref_slice %arg2[%mul3A_2, %dma_wait3A_37] : memref<10240x64xf32, #tpu.memory_space<hbm>> -> memref<640x64xf32, #tpu.memory_space<hbm>>
    tpu.wait_dma2 semaphore(%arg14 : memref<!tpu.dma_semaphore, #tpu.memory_space<semaphore_mem>>) src(%dma_wait3A_38 : memref<640x64xf32, #tpu.memory_space<hbm>>) dst(%dma_wait3A_36 : memref<640x64xf32, #tpu.memory_space<vmem_shared>>)
    %dma_wait3A_39 = arith.constant 0 : i32
    %dma_wait3A_40 = tpu.memref_slice %arg3[%add3A, %dma_wait3A_39] : memref<32x10240xi32, #tpu.memory_space<hbm>> -> memref<1x10240xi32, #tpu.memory_space<hbm>>
    %dma_wait3A_41 = tpu.memref_squeeze %dma_wait3A_40 : memref<1x10240xi32, #tpu.memory_space<hbm>> -> memref<10240xi32, #tpu.memory_space<hbm>>
    %dma_wait3A_42 = arith.constant 0 : i32
    %dma_wait3A_43 = tpu.memref_slice %arg3[%add3A, %dma_wait3A_42] : memref<32x10240xi32, #tpu.memory_space<hbm>> -> memref<1x10240xi32, #tpu.memory_space<hbm>>
    %dma_wait3A_44 = tpu.memref_squeeze %dma_wait3A_43 : memref<1x10240xi32, #tpu.memory_space<hbm>> -> memref<10240xi32, #tpu.memory_space<hbm>>
    tpu.wait_dma2 semaphore(%arg15 : memref<!tpu.dma_semaphore, #tpu.memory_space<semaphore_mem>>) src(%dma_wait3A_44 : memref<10240xi32, #tpu.memory_space<hbm>>) dst(%arg6 : memref<10240xi32, #tpu.memory_space<vmem>>)
    %dma_wait3A_45 = arith.constant 0 : i32
    %dma_wait3A_46 = arith.constant 0 : i32
    %dma_wait3A_47 = tpu.memref_slice %arg4[%add3A, %dma_wait3A_45, %dma_wait3A_46] : memref<32x80x128xi32, #tpu.memory_space<hbm>> -> memref<1x80x128xi32, #tpu.memory_space<hbm>>
    %dma_wait3A_48 = tpu.memref_squeeze %dma_wait3A_47 : memref<1x80x128xi32, #tpu.memory_space<hbm>> -> memref<80x128xi32, #tpu.memory_space<hbm>>
    %dma_wait3A_49 = arith.constant 0 : i32
    %dma_wait3A_50 = arith.constant 0 : i32
    %dma_wait3A_51 = tpu.memref_slice %arg4[%add3A, %dma_wait3A_49, %dma_wait3A_50] : memref<32x80x128xi32, #tpu.memory_space<hbm>> -> memref<1x80x128xi32, #tpu.memory_space<hbm>>
    %dma_wait3A_52 = tpu.memref_squeeze %dma_wait3A_51 : memref<1x80x128xi32, #tpu.memory_space<hbm>> -> memref<80x128xi32, #tpu.memory_space<hbm>>
    tpu.wait_dma2 semaphore(%arg16 : memref<!tpu.dma_semaphore, #tpu.memory_space<semaphore_mem>>) src(%dma_wait3A_52 : memref<80x128xi32, #tpu.memory_space<hbm>>) dst(%arg7 : memref<80x128xi32, #tpu.memory_space<vmem>>)
    %barrier3A = arith.constant 0 : index
    tpu.barrier barrier_id(%barrier3A)
    %dma_start3A_53 = arith.constant 0 : i32
    %dma_start3A_54 = tpu.memref_slice %arg6[%dma_start3A_53] : memref<10240xi32, #tpu.memory_space<vmem>> -> memref<128xi32, #tpu.memory_space<vmem>>
    %dma_start3A_55 = arith.constant 0 : i32
    %dma_start3A_56 = arith.constant 0 : i32
    %dma_start3A_57 = tpu.memref_slice %arg12[%dma_start3A_55, %dma_start3A_56] : memref<10240x64xf32, #tpu.memory_space<vmem_shared>> -> memref<10240x64xf32, #tpu.memory_space<vmem_shared>>
    tpu.enqueue_indirect_dma source(%dma_start3A_57 : memref<10240x64xf32, #tpu.memory_space<vmem_shared>>) target(%arg8 : memref<128x64xf32, #tpu.memory_space<vmem>>) offsets(%dma_start3A_54 : memref<128xi32, #tpu.memory_space<vmem>>) semaphore(%arg14 : memref<!tpu.dma_semaphore, #tpu.memory_space<semaphore_mem>>)
    %dma_start3A_58 = arith.constant 128 : i32
    %dma_start3A_59 = tpu.memref_slice %arg6[%dma_start3A_58] : memref<10240xi32, #tpu.memory_space<vmem>> -> memref<128xi32, #tpu.memory_space<vmem>>
    %dma_start3A_60 = arith.constant 0 : i32
    %dma_start3A_61 = arith.constant 0 : i32
    %dma_start3A_62 = tpu.memref_slice %arg12[%dma_start3A_60, %dma_start3A_61] : memref<10240x64xf32, #tpu.memory_space<vmem_shared>> -> memref<10240x64xf32, #tpu.memory_space<vmem_shared>>
    tpu.enqueue_indirect_dma source(%dma_start3A_62 : memref<10240x64xf32, #tpu.memory_space<vmem_shared>>) target(%arg9 : memref<128x64xf32, #tpu.memory_space<vmem>>) offsets(%dma_start3A_59 : memref<128xi32, #tpu.memory_space<vmem>>) semaphore(%arg15 : memref<!tpu.dma_semaphore, #tpu.memory_space<semaphore_mem>>)
    %dma_start3A_63 = arith.constant 256 : i32
    %dma_start3A_64 = tpu.memref_slice %arg6[%dma_start3A_63] : memref<10240xi32, #tpu.memory_space<vmem>> -> memref<128xi32, #tpu.memory_space<vmem>>
    %dma_start3A_65 = arith.constant 0 : i32
    %dma_start3A_66 = arith.constant 0 : i32
    %dma_start3A_67 = tpu.memref_slice %arg12[%dma_start3A_65, %dma_start3A_66] : memref<10240x64xf32, #tpu.memory_space<vmem_shared>> -> memref<10240x64xf32, #tpu.memory_space<vmem_shared>>
    tpu.enqueue_indirect_dma source(%dma_start3A_67 : memref<10240x64xf32, #tpu.memory_space<vmem_shared>>) target(%arg10 : memref<128x64xf32, #tpu.memory_space<vmem>>) offsets(%dma_start3A_64 : memref<128xi32, #tpu.memory_space<vmem>>) semaphore(%arg16 : memref<!tpu.dma_semaphore, #tpu.memory_space<semaphore_mem>>)
    %scan3A_68 = arith.constant 0 : i32
    %scan3A_69 = arith.constant 0 : i32
    %scan3A_70 = arith.constant 27 : i32
    %scan3A_71 = arith.addi %scan3A_69, %scan3A_70 : i32
    %scan3A_72 = arith.constant 1 : i32
    scf.for %scan3A_93 = %scan3A_69 to %scan3A_71 step %scan3A_72  : i32 {
      %mul3A_94 = arith.constant 3 : i32
      %mul3A_95 = arith.muli %scan3A_93, %mul3A_94 : i32
      %add3A_96 = arith.constant 0 : i32
      %add3A_97 = arith.addi %mul3A_95, %add3A_96 : i32
      %ge3A = arith.constant 1 : i32
      %ge3A_98 = arith.cmpi sge, %add3A_97, %ge3A : i32
      %sub3A = arith.constant 1 : i32
      %sub3A_99 = arith.subi %add3A_97, %sub3A : i32
      %add3A_100 = arith.constant 3 : i32
      %add3A_101 = arith.addi %sub3A_99, %add3A_100 : i32
      %lt3A = arith.constant 80 : i32
      %lt3A_102 = arith.cmpi slt, %add3A_101, %lt3A : i32
      %and3A = arith.andi %ge3A_98, %lt3A_102 : i1
      %convert_element_type3A = arith.extui %and3A : i1 to i32
      %cond3A = arith.constant 0 : i32
      %cond3A_103 = arith.cmpi ne, %convert_element_type3A, %cond3A : i32
      scf.if %cond3A_103 {
        %dma_wait3A_147 = arith.constant 0 : i32
        %dma_wait3A_148 = arith.constant 0 : i32
        %dma_wait3A_149 = tpu.memref_slice %arg12[%dma_wait3A_147, %dma_wait3A_148] : memref<10240x64xf32, #tpu.memory_space<vmem_shared>> -> memref<128x64xf32, #tpu.memory_space<vmem_shared>>
        %dma_wait3A_150 = arith.constant 0 : i32
        %dma_wait3A_151 = arith.constant 0 : i32
        %dma_wait3A_152 = tpu.memref_slice %arg12[%dma_wait3A_150, %dma_wait3A_151] : memref<10240x64xf32, #tpu.memory_space<vmem_shared>> -> memref<128x64xf32, #tpu.memory_space<vmem_shared>>
        tpu.wait_dma2 semaphore(%arg19 : memref<!tpu.dma_semaphore, #tpu.memory_space<semaphore_mem>>) src(%dma_wait3A_152 : memref<128x64xf32, #tpu.memory_space<vmem_shared>>) dst(%arg8 : memref<128x64xf32, #tpu.memory_space<vmem>>)
        %sub3A_153 = arith.constant 1 : i32
        %sub3A_154 = arith.subi %add3A_97, %sub3A_153 : i32
        %add3A_155 = arith.constant 3 : i32
        %add3A_156 = arith.addi %sub3A_154, %add3A_155 : i32
        %mul3A_157 = arith.constant 128 : i32
        %mul3A_158 = arith.muli %add3A_156, %mul3A_157 : i32
        %dma_start3A_159 = tpu.memref_slice %arg6[%mul3A_158] : memref<10240xi32, #tpu.memory_space<vmem>> -> memref<128xi32, #tpu.memory_space<vmem>>
        %dma_start3A_160 = arith.constant 0 : i32
        %dma_start3A_161 = arith.constant 0 : i32
        %dma_start3A_162 = tpu.memref_slice %arg12[%dma_start3A_160, %dma_start3A_161] : memref<10240x64xf32, #tpu.memory_space<vmem_shared>> -> memref<10240x64xf32, #tpu.memory_space<vmem_shared>>
        tpu.enqueue_indirect_dma source(%dma_start3A_162 : memref<10240x64xf32, #tpu.memory_space<vmem_shared>>) target(%arg10 : memref<128x64xf32, #tpu.memory_space<vmem>>) offsets(%dma_start3A_159 : memref<128xi32, #tpu.memory_space<vmem>>) semaphore(%arg16 : memref<!tpu.dma_semaphore, #tpu.memory_space<semaphore_mem>>)
      } else {
      }
      %lt3A_104 = arith.constant 80 : i32
      %lt3A_105 = arith.cmpi slt, %add3A_97, %lt3A_104 : i32
      %convert_element_type3A_106 = arith.extui %lt3A_105 : i1 to i32
      %cond3A_107 = arith.constant 0 : i32
      %cond3A_108 = arith.cmpi ne, %convert_element_type3A_106, %cond3A_107 : i32
      scf.if %cond3A_108 {
        %dma_wait3A_147 = arith.constant 0 : i32
        %dma_wait3A_148 = arith.constant 0 : i32
        %dma_wait3A_149 = tpu.memref_slice %arg12[%dma_wait3A_147, %dma_wait3A_148] : memref<10240x64xf32, #tpu.memory_space<vmem_shared>> -> memref<128x64xf32, #tpu.memory_space<vmem_shared>>
        %dma_wait3A_150 = arith.constant 0 : i32
        %dma_wait3A_151 = arith.constant 0 : i32
        %dma_wait3A_152 = tpu.memref_slice %arg12[%dma_wait3A_150, %dma_wait3A_151] : memref<10240x64xf32, #tpu.memory_space<vmem_shared>> -> memref<128x64xf32, #tpu.memory_space<vmem_shared>>
        tpu.wait_dma2 semaphore(%arg14 : memref<!tpu.dma_semaphore, #tpu.memory_space<semaphore_mem>>) src(%dma_wait3A_152 : memref<128x64xf32, #tpu.memory_space<vmem_shared>>) dst(%arg8 : memref<128x64xf32, #tpu.memory_space<vmem>>)
        %dma_start3A_153 = arith.constant 0 : i32
        %dma_start3A_154 = tpu.memref_slice %arg7[%add3A_97, %dma_start3A_153] : memref<80x128xi32, #tpu.memory_space<vmem>> -> memref<1x128xi32, #tpu.memory_space<vmem>>
        %dma_start3A_155 = tpu.memref_squeeze %dma_start3A_154 : memref<1x128xi32, #tpu.memory_space<vmem>> -> memref<128xi32, #tpu.memory_space<vmem>>
        %dma_start3A_156 = arith.constant 0 : i32
        %dma_start3A_157 = arith.constant 0 : i32
        %dma_start3A_158 = tpu.memref_slice %arg13[%dma_start3A_156, %dma_start3A_157] : memref<10240x64xf32, #tpu.memory_space<vmem_shared>> -> memref<10240x64xf32, #tpu.memory_space<vmem_shared>>
        tpu.enqueue_indirect_dma source(%arg8 : memref<128x64xf32, #tpu.memory_space<vmem>>) target(%dma_start3A_158 : memref<10240x64xf32, #tpu.memory_space<vmem_shared>>) offsets(%dma_start3A_155 : memref<128xi32, #tpu.memory_space<vmem>>) semaphore(%arg17 : memref<!tpu.dma_semaphore, #tpu.memory_space<semaphore_mem>>) {add = true}
      } else {
      }
      %add3A_109 = arith.constant 1 : i32
      %add3A_110 = arith.addi %mul3A_95, %add3A_109 : i32
      %ge3A_111 = arith.constant 1 : i32
      %ge3A_112 = arith.cmpi sge, %add3A_110, %ge3A_111 : i32
      %sub3A_113 = arith.constant 1 : i32
      %sub3A_114 = arith.subi %add3A_110, %sub3A_113 : i32
      %add3A_115 = arith.constant 3 : i32
      %add3A_116 = arith.addi %sub3A_114, %add3A_115 : i32
      %lt3A_117 = arith.constant 80 : i32
      %lt3A_118 = arith.cmpi slt, %add3A_116, %lt3A_117 : i32
      %and3A_119 = arith.andi %ge3A_112, %lt3A_118 : i1
      %convert_element_type3A_120 = arith.extui %and3A_119 : i1 to i32
      %cond3A_121 = arith.constant 0 : i32
      %cond3A_122 = arith.cmpi ne, %convert_element_type3A_120, %cond3A_121 : i32
      scf.if %cond3A_122 {
        %dma_wait3A_147 = arith.constant 0 : i32
        %dma_wait3A_148 = arith.constant 0 : i32
        %dma_wait3A_149 = tpu.memref_slice %arg12[%dma_wait3A_147, %dma_wait3A_148] : memref<10240x64xf32, #tpu.memory_space<vmem_shared>> -> memref<128x64xf32, #tpu.memory_space<vmem_shared>>
        %dma_wait3A_150 = arith.constant 0 : i32
        %dma_wait3A_151 = arith.constant 0 : i32
        %dma_wait3A_152 = tpu.memref_slice %arg12[%dma_wait3A_150, %dma_wait3A_151] : memref<10240x64xf32, #tpu.memory_space<vmem_shared>> -> memref<128x64xf32, #tpu.memory_space<vmem_shared>>
        tpu.wait_dma2 semaphore(%arg17 : memref<!tpu.dma_semaphore, #tpu.memory_space<semaphore_mem>>) src(%dma_wait3A_152 : memref<128x64xf32, #tpu.memory_space<vmem_shared>>) dst(%arg8 : memref<128x64xf32, #tpu.memory_space<vmem>>)
        %sub3A_153 = arith.constant 1 : i32
        %sub3A_154 = arith.subi %add3A_110, %sub3A_153 : i32
        %add3A_155 = arith.constant 3 : i32
        %add3A_156 = arith.addi %sub3A_154, %add3A_155 : i32
        %mul3A_157 = arith.constant 128 : i32
        %mul3A_158 = arith.muli %add3A_156, %mul3A_157 : i32
        %dma_start3A_159 = tpu.memref_slice %arg6[%mul3A_158] : memref<10240xi32, #tpu.memory_space<vmem>> -> memref<128xi32, #tpu.memory_space<vmem>>
        %dma_start3A_160 = arith.constant 0 : i32
        %dma_start3A_161 = arith.constant 0 : i32
        %dma_start3A_162 = tpu.memref_slice %arg12[%dma_start3A_160, %dma_start3A_161] : memref<10240x64xf32, #tpu.memory_space<vmem_shared>> -> memref<10240x64xf32, #tpu.memory_space<vmem_shared>>
        tpu.enqueue_indirect_dma source(%dma_start3A_162 : memref<10240x64xf32, #tpu.memory_space<vmem_shared>>) target(%arg8 : memref<128x64xf32, #tpu.memory_space<vmem>>) offsets(%dma_start3A_159 : memref<128xi32, #tpu.memory_space<vmem>>) semaphore(%arg14 : memref<!tpu.dma_semaphore, #tpu.memory_space<semaphore_mem>>)
      } else {
      }
      %lt3A_123 = arith.constant 80 : i32
      %lt3A_124 = arith.cmpi slt, %add3A_110, %lt3A_123 : i32
      %convert_element_type3A_125 = arith.extui %lt3A_124 : i1 to i32
      %cond3A_126 = arith.constant 0 : i32
      %cond3A_127 = arith.cmpi ne, %convert_element_type3A_125, %cond3A_126 : i32
      scf.if %cond3A_127 {
        %dma_wait3A_147 = arith.constant 0 : i32
        %dma_wait3A_148 = arith.constant 0 : i32
        %dma_wait3A_149 = tpu.memref_slice %arg12[%dma_wait3A_147, %dma_wait3A_148] : memref<10240x64xf32, #tpu.memory_space<vmem_shared>> -> memref<128x64xf32, #tpu.memory_space<vmem_shared>>
        %dma_wait3A_150 = arith.constant 0 : i32
        %dma_wait3A_151 = arith.constant 0 : i32
        %dma_wait3A_152 = tpu.memref_slice %arg12[%dma_wait3A_150, %dma_wait3A_151] : memref<10240x64xf32, #tpu.memory_space<vmem_shared>> -> memref<128x64xf32, #tpu.memory_space<vmem_shared>>
        tpu.wait_dma2 semaphore(%arg15 : memref<!tpu.dma_semaphore, #tpu.memory_space<semaphore_mem>>) src(%dma_wait3A_152 : memref<128x64xf32, #tpu.memory_space<vmem_shared>>) dst(%arg8 : memref<128x64xf32, #tpu.memory_space<vmem>>)
        %dma_start3A_153 = arith.constant 0 : i32
        %dma_start3A_154 = tpu.memref_slice %arg7[%add3A_110, %dma_start3A_153] : memref<80x128xi32, #tpu.memory_space<vmem>> -> memref<1x128xi32, #tpu.memory_space<vmem>>
        %dma_start3A_155 = tpu.memref_squeeze %dma_start3A_154 : memref<1x128xi32, #tpu.memory_space<vmem>> -> memref<128xi32, #tpu.memory_space<vmem>>
        %dma_start3A_156 = arith.constant 0 : i32
        %dma_start3A_157 = arith.constant 0 : i32
        %dma_start3A_158 = tpu.memref_slice %arg13[%dma_start3A_156, %dma_start3A_157] : memref<10240x64xf32, #tpu.memory_space<vmem_shared>> -> memref<10240x64xf32, #tpu.memory_space<vmem_shared>>
        tpu.enqueue_indirect_dma source(%arg9 : memref<128x64xf32, #tpu.memory_space<vmem>>) target(%dma_start3A_158 : memref<10240x64xf32, #tpu.memory_space<vmem_shared>>) offsets(%dma_start3A_155 : memref<128xi32, #tpu.memory_space<vmem>>) semaphore(%arg18 : memref<!tpu.dma_semaphore, #tpu.memory_space<semaphore_mem>>) {add = true}
      } else {
      }
      %add3A_128 = arith.constant 2 : i32
      %add3A_129 = arith.addi %mul3A_95, %add3A_128 : i32
      %ge3A_130 = arith.constant 1 : i32
      %ge3A_131 = arith.cmpi sge, %add3A_129, %ge3A_130 : i32
      %sub3A_132 = arith.constant 1 : i32
      %sub3A_133 = arith.subi %add3A_129, %sub3A_132 : i32
      %add3A_134 = arith.constant 3 : i32
      %add3A_135 = arith.addi %sub3A_133, %add3A_134 : i32
      %lt3A_136 = arith.constant 80 : i32
      %lt3A_137 = arith.cmpi slt, %add3A_135, %lt3A_136 : i32
      %and3A_138 = arith.andi %ge3A_131, %lt3A_137 : i1
      %convert_element_type3A_139 = arith.extui %and3A_138 : i1 to i32
      %cond3A_140 = arith.constant 0 : i32
      %cond3A_141 = arith.cmpi ne, %convert_element_type3A_139, %cond3A_140 : i32
      scf.if %cond3A_141 {
        %dma_wait3A_147 = arith.constant 0 : i32
        %dma_wait3A_148 = arith.constant 0 : i32
        %dma_wait3A_149 = tpu.memref_slice %arg12[%dma_wait3A_147, %dma_wait3A_148] : memref<10240x64xf32, #tpu.memory_space<vmem_shared>> -> memref<128x64xf32, #tpu.memory_space<vmem_shared>>
        %dma_wait3A_150 = arith.constant 0 : i32
        %dma_wait3A_151 = arith.constant 0 : i32
        %dma_wait3A_152 = tpu.memref_slice %arg12[%dma_wait3A_150, %dma_wait3A_151] : memref<10240x64xf32, #tpu.memory_space<vmem_shared>> -> memref<128x64xf32, #tpu.memory_space<vmem_shared>>
        tpu.wait_dma2 semaphore(%arg18 : memref<!tpu.dma_semaphore, #tpu.memory_space<semaphore_mem>>) src(%dma_wait3A_152 : memref<128x64xf32, #tpu.memory_space<vmem_shared>>) dst(%arg8 : memref<128x64xf32, #tpu.memory_space<vmem>>)
        %sub3A_153 = arith.constant 1 : i32
        %sub3A_154 = arith.subi %add3A_129, %sub3A_153 : i32
        %add3A_155 = arith.constant 3 : i32
        %add3A_156 = arith.addi %sub3A_154, %add3A_155 : i32
        %mul3A_157 = arith.constant 128 : i32
        %mul3A_158 = arith.muli %add3A_156, %mul3A_157 : i32
        %dma_start3A_159 = tpu.memref_slice %arg6[%mul3A_158] : memref<10240xi32, #tpu.memory_space<vmem>> -> memref<128xi32, #tpu.memory_space<vmem>>
        %dma_start3A_160 = arith.constant 0 : i32
        %dma_start3A_161 = arith.constant 0 : i32
        %dma_start3A_162 = tpu.memref_slice %arg12[%dma_start3A_160, %dma_start3A_161] : memref<10240x64xf32, #tpu.memory_space<vmem_shared>> -> memref<10240x64xf32, #tpu.memory_space<vmem_shared>>
        tpu.enqueue_indirect_dma source(%dma_start3A_162 : memref<10240x64xf32, #tpu.memory_space<vmem_shared>>) target(%arg9 : memref<128x64xf32, #tpu.memory_space<vmem>>) offsets(%dma_start3A_159 : memref<128xi32, #tpu.memory_space<vmem>>) semaphore(%arg15 : memref<!tpu.dma_semaphore, #tpu.memory_space<semaphore_mem>>)
      } else {
      }
      %lt3A_142 = arith.constant 80 : i32
      %lt3A_143 = arith.cmpi slt, %add3A_129, %lt3A_142 : i32
      %convert_element_type3A_144 = arith.extui %lt3A_143 : i1 to i32
      %cond3A_145 = arith.constant 0 : i32
      %cond3A_146 = arith.cmpi ne, %convert_element_type3A_144, %cond3A_145 : i32
      scf.if %cond3A_146 {
        %dma_wait3A_147 = arith.constant 0 : i32
        %dma_wait3A_148 = arith.constant 0 : i32
        %dma_wait3A_149 = tpu.memref_slice %arg12[%dma_wait3A_147, %dma_wait3A_148] : memref<10240x64xf32, #tpu.memory_space<vmem_shared>> -> memref<128x64xf32, #tpu.memory_space<vmem_shared>>
        %dma_wait3A_150 = arith.constant 0 : i32
        %dma_wait3A_151 = arith.constant 0 : i32
        %dma_wait3A_152 = tpu.memref_slice %arg12[%dma_wait3A_150, %dma_wait3A_151] : memref<10240x64xf32, #tpu.memory_space<vmem_shared>> -> memref<128x64xf32, #tpu.memory_space<vmem_shared>>
        tpu.wait_dma2 semaphore(%arg16 : memref<!tpu.dma_semaphore, #tpu.memory_space<semaphore_mem>>) src(%dma_wait3A_152 : memref<128x64xf32, #tpu.memory_space<vmem_shared>>) dst(%arg8 : memref<128x64xf32, #tpu.memory_space<vmem>>)
        %dma_start3A_153 = arith.constant 0 : i32
        %dma_start3A_154 = tpu.memref_slice %arg7[%add3A_129, %dma_start3A_153] : memref<80x128xi32, #tpu.memory_space<vmem>> -> memref<1x128xi32, #tpu.memory_space<vmem>>
        %dma_start3A_155 = tpu.memref_squeeze %dma_start3A_154 : memref<1x128xi32, #tpu.memory_space<vmem>> -> memref<128xi32, #tpu.memory_space<vmem>>
        %dma_start3A_156 = arith.constant 0 : i32
        %dma_start3A_157 = arith.constant 0 : i32
        %dma_start3A_158 = tpu.memref_slice %arg13[%dma_start3A_156, %dma_start3A_157] : memref<10240x64xf32, #tpu.memory_space<vmem_shared>> -> memref<10240x64xf32, #tpu.memory_space<vmem_shared>>
        tpu.enqueue_indirect_dma source(%arg10 : memref<128x64xf32, #tpu.memory_space<vmem>>) target(%dma_start3A_158 : memref<10240x64xf32, #tpu.memory_space<vmem_shared>>) offsets(%dma_start3A_155 : memref<128xi32, #tpu.memory_space<vmem>>) semaphore(%arg19 : memref<!tpu.dma_semaphore, #tpu.memory_space<semaphore_mem>>) {add = true}
      } else {
      }
    }
    %scan3A_73 = arith.constant 27 : i32
    %dma_wait3A_74 = arith.constant 0 : i32
    %dma_wait3A_75 = arith.constant 0 : i32
    %dma_wait3A_76 = tpu.memref_slice %arg12[%dma_wait3A_74, %dma_wait3A_75] : memref<10240x64xf32, #tpu.memory_space<vmem_shared>> -> memref<128x64xf32, #tpu.memory_space<vmem_shared>>
    %dma_wait3A_77 = arith.constant 0 : i32
    %dma_wait3A_78 = arith.constant 0 : i32
    %dma_wait3A_79 = tpu.memref_slice %arg12[%dma_wait3A_77, %dma_wait3A_78] : memref<10240x64xf32, #tpu.memory_space<vmem_shared>> -> memref<128x64xf32, #tpu.memory_space<vmem_shared>>
    tpu.wait_dma2 semaphore(%arg17 : memref<!tpu.dma_semaphore, #tpu.memory_space<semaphore_mem>>) src(%dma_wait3A_79 : memref<128x64xf32, #tpu.memory_space<vmem_shared>>) dst(%arg8 : memref<128x64xf32, #tpu.memory_space<vmem>>)
    %dma_wait3A_80 = arith.constant 0 : i32
    %dma_wait3A_81 = arith.constant 0 : i32
    %dma_wait3A_82 = tpu.memref_slice %arg12[%dma_wait3A_80, %dma_wait3A_81] : memref<10240x64xf32, #tpu.memory_space<vmem_shared>> -> memref<128x64xf32, #tpu.memory_space<vmem_shared>>
    %dma_wait3A_83 = arith.constant 0 : i32
    %dma_wait3A_84 = arith.constant 0 : i32
    %dma_wait3A_85 = tpu.memref_slice %arg12[%dma_wait3A_83, %dma_wait3A_84] : memref<10240x64xf32, #tpu.memory_space<vmem_shared>> -> memref<128x64xf32, #tpu.memory_space<vmem_shared>>
    tpu.wait_dma2 semaphore(%arg18 : memref<!tpu.dma_semaphore, #tpu.memory_space<semaphore_mem>>) src(%dma_wait3A_85 : memref<128x64xf32, #tpu.memory_space<vmem_shared>>) dst(%arg8 : memref<128x64xf32, #tpu.memory_space<vmem>>)
    %dma_wait3A_86 = arith.constant 0 : i32
    %dma_wait3A_87 = arith.constant 0 : i32
    %dma_wait3A_88 = tpu.memref_slice %arg12[%dma_wait3A_86, %dma_wait3A_87] : memref<10240x64xf32, #tpu.memory_space<vmem_shared>> -> memref<128x64xf32, #tpu.memory_space<vmem_shared>>
    %dma_wait3A_89 = arith.constant 0 : i32
    %dma_wait3A_90 = arith.constant 0 : i32
    %dma_wait3A_91 = tpu.memref_slice %arg12[%dma_wait3A_89, %dma_wait3A_90] : memref<10240x64xf32, #tpu.memory_space<vmem_shared>> -> memref<128x64xf32, #tpu.memory_space<vmem_shared>>
    tpu.wait_dma2 semaphore(%arg19 : memref<!tpu.dma_semaphore, #tpu.memory_space<semaphore_mem>>) src(%dma_wait3A_91 : memref<128x64xf32, #tpu.memory_space<vmem_shared>>) dst(%arg8 : memref<128x64xf32, #tpu.memory_space<vmem>>)
    %barrier3A_92 = arith.constant 0 : index
    tpu.barrier barrier_id(%barrier3A_92)
    "tpu.region"() ({
      %run_scoped3A = tpu.sem_alloc : memref<!tpu.dma_semaphore, #tpu.memory_space<semaphore_mem>>
      %dma_start3A_93 = arith.constant 0 : i32
      %dma_start3A_94 = arith.constant 0 : i32
      %dma_start3A_95 = tpu.memref_slice %arg5[%arg0, %arg1, %dma_start3A_93, %dma_start3A_94] : memref<2x16x640x64xf32, #tpu.memory_space<hbm>> -> memref<1x1x640x64xf32, #tpu.memory_space<hbm>>
      %dma_start3A_96 = tpu.memref_squeeze %dma_start3A_95 : memref<1x1x640x64xf32, #tpu.memory_space<hbm>> -> memref<640x64xf32, #tpu.memory_space<hbm>>
      %dma_start3A_97 = arith.constant 0 : i32
      %dma_start3A_98 = tpu.memref_slice %arg13[%mul3A_2, %dma_start3A_97] : memref<10240x64xf32, #tpu.memory_space<vmem_shared>> -> memref<640x64xf32, #tpu.memory_space<vmem_shared>>
      tpu.enqueue_dma source(%dma_start3A_98 : memref<640x64xf32, #tpu.memory_space<vmem_shared>>) target(%dma_start3A_96 : memref<640x64xf32, #tpu.memory_space<hbm>>) target_semaphore(%run_scoped3A : memref<!tpu.dma_semaphore, #tpu.memory_space<semaphore_mem>>)
      %dma_wait3A_99 = arith.constant 0 : i32
      %dma_wait3A_100 = arith.constant 0 : i32
      %dma_wait3A_101 = tpu.memref_slice %arg5[%arg0, %arg1, %dma_wait3A_99, %dma_wait3A_100] : memref<2x16x640x64xf32, #tpu.memory_space<hbm>> -> memref<1x1x640x64xf32, #tpu.memory_space<hbm>>
      %dma_wait3A_102 = tpu.memref_squeeze %dma_wait3A_101 : memref<1x1x640x64xf32, #tpu.memory_space<hbm>> -> memref<640x64xf32, #tpu.memory_space<hbm>>
      %dma_wait3A_103 = arith.constant 0 : i32
      %dma_wait3A_104 = tpu.memref_slice %arg13[%mul3A_2, %dma_wait3A_103] : memref<10240x64xf32, #tpu.memory_space<vmem_shared>> -> memref<640x64xf32, #tpu.memory_space<vmem_shared>>
      tpu.wait_dma2 semaphore(%run_scoped3A : memref<!tpu.dma_semaphore, #tpu.memory_space<semaphore_mem>>) src(%dma_wait3A_104 : memref<640x64xf32, #tpu.memory_space<vmem_shared>>) dst(%dma_wait3A_102 : memref<640x64xf32, #tpu.memory_space<hbm>>)
      tpu.yield
    }) : () -> ()
    return
  }
}

#map = affine_map<(d0, d1) -> (0, 0, 0, 0)>
#map1 = affine_map<(d0, d1) -> (0, 0)>
#map2 = affine_map<(d0, d1) -> (0, 0, 0)>
module attributes {stable_mosaic.version = 14 : i64} {
  func.func @_propagate2(%arg0: i32, %arg1: i32, %arg2: memref<2x16x640x64xf32, #tpu.memory_space<hbm>>, %arg3: memref<32x10240xi32, #tpu.memory_space<hbm>>, %arg4: memref<32x80x128xi32, #tpu.memory_space<hbm>>, %arg5: memref<2x16x640x64xf32, #tpu.memory_space<hbm>>, %arg6: memref<10240xi32, #tpu.memory_space<vmem>>, %arg7: memref<80x128xi32, #tpu.memory_space<vmem>>, %arg8: memref<128x64xf32, #tpu.memory_space<vmem>>, %arg9: memref<128x64xf32, #tpu.memory_space<vmem>>, %arg10: memref<128x64xf32, #tpu.memory_space<vmem>>, %arg11: memref<5x128xi32, #tpu.memory_space<vmem>>, %arg12: memref<10240x64xf32, #tpu.memory_space<vmem_shared>>, %arg13: memref<10240x64xf32, #tpu.memory_space<vmem_shared>>, %arg14: memref<!tpu.dma_semaphore, #tpu.memory_space<semaphore_mem>>, %arg15: memref<!tpu.dma_semaphore, #tpu.memory_space<semaphore_mem>>, %arg16: memref<!tpu.dma_semaphore, #tpu.memory_space<semaphore_mem>>, %arg17: memref<!tpu.dma_semaphore, #tpu.memory_space<semaphore_mem>>, %arg18: memref<!tpu.dma_semaphore, #tpu.memory_space<semaphore_mem>>, %arg19: memref<!tpu.dma_semaphore, #tpu.memory_space<semaphore_mem>>) attributes {dimension_semantics = [#tpu.dimension_semantics<core_parallel>, #tpu.dimension_semantics<subcore_parallel>], iteration_bounds = array<i64: 2, 16>, scalar_prefetch = 0 : i64, scratch_operands = 14 : i64, tpu.core_type = #tpu.core_type<sc_vector_subcore>, window_params = [{transform_indices = #map}, {transform_indices = #map1}, {transform_indices = #map2}, {transform_indices = #map}]} {
    %mul3A = arith.constant 16 : i32
    %mul3A_0 = arith.muli %arg0, %mul3A : i32
    %add3A = arith.addi %mul3A_0, %arg1 : i32
    %mul3A_1 = arith.constant 640 : i32
    %mul3A_2 = arith.muli %arg1, %mul3A_1 : i32
    %dma_start3A = arith.constant 0 : i32
    %dma_start3A_3 = tpu.memref_slice %arg3[%add3A, %dma_start3A] : memref<32x10240xi32, #tpu.memory_space<hbm>> -> memref<1x10240xi32, #tpu.memory_space<hbm>>
    %dma_start3A_4 = tpu.memref_squeeze %dma_start3A_3 : memref<1x10240xi32, #tpu.memory_space<hbm>> -> memref<10240xi32, #tpu.memory_space<hbm>>
    %dma_start3A_5 = arith.constant 0 : i32
    %dma_start3A_6 = tpu.memref_slice %arg3[%add3A, %dma_start3A_5] : memref<32x10240xi32, #tpu.memory_space<hbm>> -> memref<1x10240xi32, #tpu.memory_space<hbm>>
    %dma_start3A_7 = tpu.memref_squeeze %dma_start3A_6 : memref<1x10240xi32, #tpu.memory_space<hbm>> -> memref<10240xi32, #tpu.memory_space<hbm>>
    tpu.enqueue_dma source(%dma_start3A_7 : memref<10240xi32, #tpu.memory_space<hbm>>) target(%arg6 : memref<10240xi32, #tpu.memory_space<vmem>>) target_semaphore(%arg15 : memref<!tpu.dma_semaphore, #tpu.memory_space<semaphore_mem>>)
    %dma_start3A_8 = arith.constant 0 : i32
    %dma_start3A_9 = arith.constant 0 : i32
    %dma_start3A_10 = tpu.memref_slice %arg4[%add3A, %dma_start3A_8, %dma_start3A_9] : memref<32x80x128xi32, #tpu.memory_space<hbm>> -> memref<1x80x128xi32, #tpu.memory_space<hbm>>
    %dma_start3A_11 = tpu.memref_squeeze %dma_start3A_10 : memref<1x80x128xi32, #tpu.memory_space<hbm>> -> memref<80x128xi32, #tpu.memory_space<hbm>>
    %dma_start3A_12 = arith.constant 0 : i32
    %dma_start3A_13 = arith.constant 0 : i32
    %dma_start3A_14 = tpu.memref_slice %arg4[%add3A, %dma_start3A_12, %dma_start3A_13] : memref<32x80x128xi32, #tpu.memory_space<hbm>> -> memref<1x80x128xi32, #tpu.memory_space<hbm>>
    %dma_start3A_15 = tpu.memref_squeeze %dma_start3A_14 : memref<1x80x128xi32, #tpu.memory_space<hbm>> -> memref<80x128xi32, #tpu.memory_space<hbm>>
    tpu.enqueue_dma source(%dma_start3A_15 : memref<80x128xi32, #tpu.memory_space<hbm>>) target(%arg7 : memref<80x128xi32, #tpu.memory_space<vmem>>) target_semaphore(%arg16 : memref<!tpu.dma_semaphore, #tpu.memory_space<semaphore_mem>>)
    %iota3A = tpu.iota {dimensions = array<i32: 0>} : vector<16xi32>
    %add3A_16 = arith.constant 0 : i32
    %add3A_17 = arith.addi %mul3A_2, %add3A_16 : i32
    %add3A_18 = arith.constant 0 : i32
    %add3A_19 = arith.addi %add3A_17, %add3A_18 : i32
    %add3A_20 = vector.broadcast %add3A_19 : i32 to vector<16xi32>
    %add3A_21 = arith.addi %add3A_20, %iota3A : vector<16xi32>
    %swap3A = arith.constant 0 : i32
    %swap3A_22 = arith.index_cast %swap3A : i32 to index
    %swap3A_23 = arith.constant 0 : index
    %swap3A_24 = tpu.vector_load %arg11[%swap3A_22, %swap3A_23] {strides = array<i32>} : memref<5x128xi32, #tpu.memory_space<vmem>>, vector<1x16xi32>,
    %swap3A_25 = vector.shape_cast %swap3A_24 : vector<1x16xi32> to vector<16xi32>
    %swap3A_26 = vector.shape_cast %add3A_21 : vector<16xi32> to vector<1x16xi32>
    tpu.vector_store %arg11[%swap3A_22, %swap3A_23], %swap3A_26 {strides = array<i32>} : memref<5x128xi32, #tpu.memory_space<vmem>>, vector<1x16xi32>,
    %add3A_27 = arith.constant 0 : i32
    %add3A_28 = arith.addi %mul3A_2, %add3A_27 : i32
    %add3A_29 = arith.constant 16 : i32
    %add3A_30 = arith.addi %add3A_28, %add3A_29 : i32
    %add3A_31 = vector.broadcast %add3A_30 : i32 to vector<16xi32>
    %add3A_32 = arith.addi %add3A_31, %iota3A : vector<16xi32>
    %swap3A_33 = arith.constant 0 : i32
    %swap3A_34 = arith.index_cast %swap3A_33 : i32 to index
    %swap3A_35 = arith.constant 16 : index
    %swap3A_36 = tpu.vector_load %arg11[%swap3A_34, %swap3A_35] {strides = array<i32>} : memref<5x128xi32, #tpu.memory_space<vmem>>, vector<1x16xi32>,
    %swap3A_37 = vector.shape_cast %swap3A_36 : vector<1x16xi32> to vector<16xi32>
    %swap3A_38 = vector.shape_cast %add3A_32 : vector<16xi32> to vector<1x16xi32>
    tpu.vector_store %arg11[%swap3A_34, %swap3A_35], %swap3A_38 {strides = array<i32>} : memref<5x128xi32, #tpu.memory_space<vmem>>, vector<1x16xi32>,
    %add3A_39 = arith.constant 0 : i32
    %add3A_40 = arith.addi %mul3A_2, %add3A_39 : i32
    %add3A_41 = arith.constant 32 : i32
    %add3A_42 = arith.addi %add3A_40, %add3A_41 : i32
    %add3A_43 = vector.broadcast %add3A_42 : i32 to vector<16xi32>
    %add3A_44 = arith.addi %add3A_43, %iota3A : vector<16xi32>
    %swap3A_45 = arith.constant 0 : i32
    %swap3A_46 = arith.index_cast %swap3A_45 : i32 to index
    %swap3A_47 = arith.constant 32 : index
    %swap3A_48 = tpu.vector_load %arg11[%swap3A_46, %swap3A_47] {strides = array<i32>} : memref<5x128xi32, #tpu.memory_space<vmem>>, vector<1x16xi32>,
    %swap3A_49 = vector.shape_cast %swap3A_48 : vector<1x16xi32> to vector<16xi32>
    %swap3A_50 = vector.shape_cast %add3A_44 : vector<16xi32> to vector<1x16xi32>
    tpu.vector_store %arg11[%swap3A_46, %swap3A_47], %swap3A_50 {strides = array<i32>} : memref<5x128xi32, #tpu.memory_space<vmem>>, vector<1x16xi32>,
    %add3A_51 = arith.constant 0 : i32
    %add3A_52 = arith.addi %mul3A_2, %add3A_51 : i32
    %add3A_53 = arith.constant 48 : i32
    %add3A_54 = arith.addi %add3A_52, %add3A_53 : i32
    %add3A_55 = vector.broadcast %add3A_54 : i32 to vector<16xi32>
    %add3A_56 = arith.addi %add3A_55, %iota3A : vector<16xi32>
    %swap3A_57 = arith.constant 0 : i32
    %swap3A_58 = arith.index_cast %swap3A_57 : i32 to index
    %swap3A_59 = arith.constant 48 : index
    %swap3A_60 = tpu.vector_load %arg11[%swap3A_58, %swap3A_59] {strides = array<i32>} : memref<5x128xi32, #tpu.memory_space<vmem>>, vector<1x16xi32>,
    %swap3A_61 = vector.shape_cast %swap3A_60 : vector<1x16xi32> to vector<16xi32>
    %swap3A_62 = vector.shape_cast %add3A_56 : vector<16xi32> to vector<1x16xi32>
    tpu.vector_store %arg11[%swap3A_58, %swap3A_59], %swap3A_62 {strides = array<i32>} : memref<5x128xi32, #tpu.memory_space<vmem>>, vector<1x16xi32>,
    %add3A_63 = arith.constant 0 : i32
    %add3A_64 = arith.addi %mul3A_2, %add3A_63 : i32
    %add3A_65 = arith.constant 64 : i32
    %add3A_66 = arith.addi %add3A_64, %add3A_65 : i32
    %add3A_67 = vector.broadcast %add3A_66 : i32 to vector<16xi32>
    %add3A_68 = arith.addi %add3A_67, %iota3A : vector<16xi32>
    %swap3A_69 = arith.constant 0 : i32
    %swap3A_70 = arith.index_cast %swap3A_69 : i32 to index
    %swap3A_71 = arith.constant 64 : index
    %swap3A_72 = tpu.vector_load %arg11[%swap3A_70, %swap3A_71] {strides = array<i32>} : memref<5x128xi32, #tpu.memory_space<vmem>>, vector<1x16xi32>,
    %swap3A_73 = vector.shape_cast %swap3A_72 : vector<1x16xi32> to vector<16xi32>
    %swap3A_74 = vector.shape_cast %add3A_68 : vector<16xi32> to vector<1x16xi32>
    tpu.vector_store %arg11[%swap3A_70, %swap3A_71], %swap3A_74 {strides = array<i32>} : memref<5x128xi32, #tpu.memory_space<vmem>>, vector<1x16xi32>,
    %add3A_75 = arith.constant 0 : i32
    %add3A_76 = arith.addi %mul3A_2, %add3A_75 : i32
    %add3A_77 = arith.constant 80 : i32
    %add3A_78 = arith.addi %add3A_76, %add3A_77 : i32
    %add3A_79 = vector.broadcast %add3A_78 : i32 to vector<16xi32>
    %add3A_80 = arith.addi %add3A_79, %iota3A : vector<16xi32>
    %swap3A_81 = arith.constant 0 : i32
    %swap3A_82 = arith.index_cast %swap3A_81 : i32 to index
    %swap3A_83 = arith.constant 80 : index
    %swap3A_84 = tpu.vector_load %arg11[%swap3A_82, %swap3A_83] {strides = array<i32>} : memref<5x128xi32, #tpu.memory_space<vmem>>, vector<1x16xi32>,
    %swap3A_85 = vector.shape_cast %swap3A_84 : vector<1x16xi32> to vector<16xi32>
    %swap3A_86 = vector.shape_cast %add3A_80 : vector<16xi32> to vector<1x16xi32>
    tpu.vector_store %arg11[%swap3A_82, %swap3A_83], %swap3A_86 {strides = array<i32>} : memref<5x128xi32, #tpu.memory_space<vmem>>, vector<1x16xi32>,
    %add3A_87 = arith.constant 0 : i32
    %add3A_88 = arith.addi %mul3A_2, %add3A_87 : i32
    %add3A_89 = arith.constant 96 : i32
    %add3A_90 = arith.addi %add3A_88, %add3A_89 : i32
    %add3A_91 = vector.broadcast %add3A_90 : i32 to vector<16xi32>
    %add3A_92 = arith.addi %add3A_91, %iota3A : vector<16xi32>
    %swap3A_93 = arith.constant 0 : i32
    %swap3A_94 = arith.index_cast %swap3A_93 : i32 to index
    %swap3A_95 = arith.constant 96 : index
    %swap3A_96 = tpu.vector_load %arg11[%swap3A_94, %swap3A_95] {strides = array<i32>} : memref<5x128xi32, #tpu.memory_space<vmem>>, vector<1x16xi32>,
    %swap3A_97 = vector.shape_cast %swap3A_96 : vector<1x16xi32> to vector<16xi32>
    %swap3A_98 = vector.shape_cast %add3A_92 : vector<16xi32> to vector<1x16xi32>
    tpu.vector_store %arg11[%swap3A_94, %swap3A_95], %swap3A_98 {strides = array<i32>} : memref<5x128xi32, #tpu.memory_space<vmem>>, vector<1x16xi32>,
    %add3A_99 = arith.constant 0 : i32
    %add3A_100 = arith.addi %mul3A_2, %add3A_99 : i32
    %add3A_101 = arith.constant 112 : i32
    %add3A_102 = arith.addi %add3A_100, %add3A_101 : i32
    %add3A_103 = vector.broadcast %add3A_102 : i32 to vector<16xi32>
    %add3A_104 = arith.addi %add3A_103, %iota3A : vector<16xi32>
    %swap3A_105 = arith.constant 0 : i32
    %swap3A_106 = arith.index_cast %swap3A_105 : i32 to index
    %swap3A_107 = arith.constant 112 : index
    %swap3A_108 = tpu.vector_load %arg11[%swap3A_106, %swap3A_107] {strides = array<i32>} : memref<5x128xi32, #tpu.memory_space<vmem>>, vector<1x16xi32>,
    %swap3A_109 = vector.shape_cast %swap3A_108 : vector<1x16xi32> to vector<16xi32>
    %swap3A_110 = vector.shape_cast %add3A_104 : vector<16xi32> to vector<1x16xi32>
    tpu.vector_store %arg11[%swap3A_106, %swap3A_107], %swap3A_110 {strides = array<i32>} : memref<5x128xi32, #tpu.memory_space<vmem>>, vector<1x16xi32>,
    %add3A_111 = arith.constant 128 : i32
    %add3A_112 = arith.addi %mul3A_2, %add3A_111 : i32
    %add3A_113 = arith.constant 0 : i32
    %add3A_114 = arith.addi %add3A_112, %add3A_113 : i32
    %add3A_115 = vector.broadcast %add3A_114 : i32 to vector<16xi32>
    %add3A_116 = arith.addi %add3A_115, %iota3A : vector<16xi32>
    %swap3A_117 = arith.constant 1 : i32
    %swap3A_118 = arith.index_cast %swap3A_117 : i32 to index
    %swap3A_119 = arith.constant 0 : index
    %swap3A_120 = tpu.vector_load %arg11[%swap3A_118, %swap3A_119] {strides = array<i32>} : memref<5x128xi32, #tpu.memory_space<vmem>>, vector<1x16xi32>,
    %swap3A_121 = vector.shape_cast %swap3A_120 : vector<1x16xi32> to vector<16xi32>
    %swap3A_122 = vector.shape_cast %add3A_116 : vector<16xi32> to vector<1x16xi32>
    tpu.vector_store %arg11[%swap3A_118, %swap3A_119], %swap3A_122 {strides = array<i32>} : memref<5x128xi32, #tpu.memory_space<vmem>>, vector<1x16xi32>,
    %add3A_123 = arith.constant 128 : i32
    %add3A_124 = arith.addi %mul3A_2, %add3A_123 : i32
    %add3A_125 = arith.constant 16 : i32
    %add3A_126 = arith.addi %add3A_124, %add3A_125 : i32
    %add3A_127 = vector.broadcast %add3A_126 : i32 to vector<16xi32>
    %add3A_128 = arith.addi %add3A_127, %iota3A : vector<16xi32>
    %swap3A_129 = arith.constant 1 : i32
    %swap3A_130 = arith.index_cast %swap3A_129 : i32 to index
    %swap3A_131 = arith.constant 16 : index
    %swap3A_132 = tpu.vector_load %arg11[%swap3A_130, %swap3A_131] {strides = array<i32>} : memref<5x128xi32, #tpu.memory_space<vmem>>, vector<1x16xi32>,
    %swap3A_133 = vector.shape_cast %swap3A_132 : vector<1x16xi32> to vector<16xi32>
    %swap3A_134 = vector.shape_cast %add3A_128 : vector<16xi32> to vector<1x16xi32>
    tpu.vector_store %arg11[%swap3A_130, %swap3A_131], %swap3A_134 {strides = array<i32>} : memref<5x128xi32, #tpu.memory_space<vmem>>, vector<1x16xi32>,
    %add3A_135 = arith.constant 128 : i32
    %add3A_136 = arith.addi %mul3A_2, %add3A_135 : i32
    %add3A_137 = arith.constant 32 : i32
    %add3A_138 = arith.addi %add3A_136, %add3A_137 : i32
    %add3A_139 = vector.broadcast %add3A_138 : i32 to vector<16xi32>
    %add3A_140 = arith.addi %add3A_139, %iota3A : vector<16xi32>
    %swap3A_141 = arith.constant 1 : i32
    %swap3A_142 = arith.index_cast %swap3A_141 : i32 to index
    %swap3A_143 = arith.constant 32 : index
    %swap3A_144 = tpu.vector_load %arg11[%swap3A_142, %swap3A_143] {strides = array<i32>} : memref<5x128xi32, #tpu.memory_space<vmem>>, vector<1x16xi32>,
    %swap3A_145 = vector.shape_cast %swap3A_144 : vector<1x16xi32> to vector<16xi32>
    %swap3A_146 = vector.shape_cast %add3A_140 : vector<16xi32> to vector<1x16xi32>
    tpu.vector_store %arg11[%swap3A_142, %swap3A_143], %swap3A_146 {strides = array<i32>} : memref<5x128xi32, #tpu.memory_space<vmem>>, vector<1x16xi32>,
    %add3A_147 = arith.constant 128 : i32
    %add3A_148 = arith.addi %mul3A_2, %add3A_147 : i32
    %add3A_149 = arith.constant 48 : i32
    %add3A_150 = arith.addi %add3A_148, %add3A_149 : i32
    %add3A_151 = vector.broadcast %add3A_150 : i32 to vector<16xi32>
    %add3A_152 = arith.addi %add3A_151, %iota3A : vector<16xi32>
    %swap3A_153 = arith.constant 1 : i32
    %swap3A_154 = arith.index_cast %swap3A_153 : i32 to index
    %swap3A_155 = arith.constant 48 : index
    %swap3A_156 = tpu.vector_load %arg11[%swap3A_154, %swap3A_155] {strides = array<i32>} : memref<5x128xi32, #tpu.memory_space<vmem>>, vector<1x16xi32>,
    %swap3A_157 = vector.shape_cast %swap3A_156 : vector<1x16xi32> to vector<16xi32>
    %swap3A_158 = vector.shape_cast %add3A_152 : vector<16xi32> to vector<1x16xi32>
    tpu.vector_store %arg11[%swap3A_154, %swap3A_155], %swap3A_158 {strides = array<i32>} : memref<5x128xi32, #tpu.memory_space<vmem>>, vector<1x16xi32>,
    %add3A_159 = arith.constant 128 : i32
    %add3A_160 = arith.addi %mul3A_2, %add3A_159 : i32
    %add3A_161 = arith.constant 64 : i32
    %add3A_162 = arith.addi %add3A_160, %add3A_161 : i32
    %add3A_163 = vector.broadcast %add3A_162 : i32 to vector<16xi32>
    %add3A_164 = arith.addi %add3A_163, %iota3A : vector<16xi32>
    %swap3A_165 = arith.constant 1 : i32
    %swap3A_166 = arith.index_cast %swap3A_165 : i32 to index
    %swap3A_167 = arith.constant 64 : index
    %swap3A_168 = tpu.vector_load %arg11[%swap3A_166, %swap3A_167] {strides = array<i32>} : memref<5x128xi32, #tpu.memory_space<vmem>>, vector<1x16xi32>,
    %swap3A_169 = vector.shape_cast %swap3A_168 : vector<1x16xi32> to vector<16xi32>
    %swap3A_170 = vector.shape_cast %add3A_164 : vector<16xi32> to vector<1x16xi32>
    tpu.vector_store %arg11[%swap3A_166, %swap3A_167], %swap3A_170 {strides = array<i32>} : memref<5x128xi32, #tpu.memory_space<vmem>>, vector<1x16xi32>,
    %add3A_171 = arith.constant 128 : i32
    %add3A_172 = arith.addi %mul3A_2, %add3A_171 : i32
    %add3A_173 = arith.constant 80 : i32
    %add3A_174 = arith.addi %add3A_172, %add3A_173 : i32
    %add3A_175 = vector.broadcast %add3A_174 : i32 to vector<16xi32>
    %add3A_176 = arith.addi %add3A_175, %iota3A : vector<16xi32>
    %swap3A_177 = arith.constant 1 : i32
    %swap3A_178 = arith.index_cast %swap3A_177 : i32 to index
    %swap3A_179 = arith.constant 80 : index
    %swap3A_180 = tpu.vector_load %arg11[%swap3A_178, %swap3A_179] {strides = array<i32>} : memref<5x128xi32, #tpu.memory_space<vmem>>, vector<1x16xi32>,
    %swap3A_181 = vector.shape_cast %swap3A_180 : vector<1x16xi32> to vector<16xi32>
    %swap3A_182 = vector.shape_cast %add3A_176 : vector<16xi32> to vector<1x16xi32>
    tpu.vector_store %arg11[%swap3A_178, %swap3A_179], %swap3A_182 {strides = array<i32>} : memref<5x128xi32, #tpu.memory_space<vmem>>, vector<1x16xi32>,
    %add3A_183 = arith.constant 128 : i32
    %add3A_184 = arith.addi %mul3A_2, %add3A_183 : i32
    %add3A_185 = arith.constant 96 : i32
    %add3A_186 = arith.addi %add3A_184, %add3A_185 : i32
    %add3A_187 = vector.broadcast %add3A_186 : i32 to vector<16xi32>
    %add3A_188 = arith.addi %add3A_187, %iota3A : vector<16xi32>
    %swap3A_189 = arith.constant 1 : i32
    %swap3A_190 = arith.index_cast %swap3A_189 : i32 to index
    %swap3A_191 = arith.constant 96 : index
    %swap3A_192 = tpu.vector_load %arg11[%swap3A_190, %swap3A_191] {strides = array<i32>} : memref<5x128xi32, #tpu.memory_space<vmem>>, vector<1x16xi32>,
    %swap3A_193 = vector.shape_cast %swap3A_192 : vector<1x16xi32> to vector<16xi32>
    %swap3A_194 = vector.shape_cast %add3A_188 : vector<16xi32> to vector<1x16xi32>
    tpu.vector_store %arg11[%swap3A_190, %swap3A_191], %swap3A_194 {strides = array<i32>} : memref<5x128xi32, #tpu.memory_space<vmem>>, vector<1x16xi32>,
    %add3A_195 = arith.constant 128 : i32
    %add3A_196 = arith.addi %mul3A_2, %add3A_195 : i32
    %add3A_197 = arith.constant 112 : i32
    %add3A_198 = arith.addi %add3A_196, %add3A_197 : i32
    %add3A_199 = vector.broadcast %add3A_198 : i32 to vector<16xi32>
    %add3A_200 = arith.addi %add3A_199, %iota3A : vector<16xi32>
    %swap3A_201 = arith.constant 1 : i32
    %swap3A_202 = arith.index_cast %swap3A_201 : i32 to index
    %swap3A_203 = arith.constant 112 : index
    %swap3A_204 = tpu.vector_load %arg11[%swap3A_202, %swap3A_203] {strides = array<i32>} : memref<5x128xi32, #tpu.memory_space<vmem>>, vector<1x16xi32>,
    %swap3A_205 = vector.shape_cast %swap3A_204 : vector<1x16xi32> to vector<16xi32>
    %swap3A_206 = vector.shape_cast %add3A_200 : vector<16xi32> to vector<1x16xi32>
    tpu.vector_store %arg11[%swap3A_202, %swap3A_203], %swap3A_206 {strides = array<i32>} : memref<5x128xi32, #tpu.memory_space<vmem>>, vector<1x16xi32>,
    %add3A_207 = arith.constant 256 : i32
    %add3A_208 = arith.addi %mul3A_2, %add3A_207 : i32
    %add3A_209 = arith.constant 0 : i32
    %add3A_210 = arith.addi %add3A_208, %add3A_209 : i32
    %add3A_211 = vector.broadcast %add3A_210 : i32 to vector<16xi32>
    %add3A_212 = arith.addi %add3A_211, %iota3A : vector<16xi32>
    %swap3A_213 = arith.constant 2 : i32
    %swap3A_214 = arith.index_cast %swap3A_213 : i32 to index
    %swap3A_215 = arith.constant 0 : index
    %swap3A_216 = tpu.vector_load %arg11[%swap3A_214, %swap3A_215] {strides = array<i32>} : memref<5x128xi32, #tpu.memory_space<vmem>>, vector<1x16xi32>,
    %swap3A_217 = vector.shape_cast %swap3A_216 : vector<1x16xi32> to vector<16xi32>
    %swap3A_218 = vector.shape_cast %add3A_212 : vector<16xi32> to vector<1x16xi32>
    tpu.vector_store %arg11[%swap3A_214, %swap3A_215], %swap3A_218 {strides = array<i32>} : memref<5x128xi32, #tpu.memory_space<vmem>>, vector<1x16xi32>,
    %add3A_219 = arith.constant 256 : i32
    %add3A_220 = arith.addi %mul3A_2, %add3A_219 : i32
    %add3A_221 = arith.constant 16 : i32
    %add3A_222 = arith.addi %add3A_220, %add3A_221 : i32
    %add3A_223 = vector.broadcast %add3A_222 : i32 to vector<16xi32>
    %add3A_224 = arith.addi %add3A_223, %iota3A : vector<16xi32>
    %swap3A_225 = arith.constant 2 : i32
    %swap3A_226 = arith.index_cast %swap3A_225 : i32 to index
    %swap3A_227 = arith.constant 16 : index
    %swap3A_228 = tpu.vector_load %arg11[%swap3A_226, %swap3A_227] {strides = array<i32>} : memref<5x128xi32, #tpu.memory_space<vmem>>, vector<1x16xi32>,
    %swap3A_229 = vector.shape_cast %swap3A_228 : vector<1x16xi32> to vector<16xi32>
    %swap3A_230 = vector.shape_cast %add3A_224 : vector<16xi32> to vector<1x16xi32>
    tpu.vector_store %arg11[%swap3A_226, %swap3A_227], %swap3A_230 {strides = array<i32>} : memref<5x128xi32, #tpu.memory_space<vmem>>, vector<1x16xi32>,
    %add3A_231 = arith.constant 256 : i32
    %add3A_232 = arith.addi %mul3A_2, %add3A_231 : i32
    %add3A_233 = arith.constant 32 : i32
    %add3A_234 = arith.addi %add3A_232, %add3A_233 : i32
    %add3A_235 = vector.broadcast %add3A_234 : i32 to vector<16xi32>
    %add3A_236 = arith.addi %add3A_235, %iota3A : vector<16xi32>
    %swap3A_237 = arith.constant 2 : i32
    %swap3A_238 = arith.index_cast %swap3A_237 : i32 to index
    %swap3A_239 = arith.constant 32 : index
    %swap3A_240 = tpu.vector_load %arg11[%swap3A_238, %swap3A_239] {strides = array<i32>} : memref<5x128xi32, #tpu.memory_space<vmem>>, vector<1x16xi32>,
    %swap3A_241 = vector.shape_cast %swap3A_240 : vector<1x16xi32> to vector<16xi32>
    %swap3A_242 = vector.shape_cast %add3A_236 : vector<16xi32> to vector<1x16xi32>
    tpu.vector_store %arg11[%swap3A_238, %swap3A_239], %swap3A_242 {strides = array<i32>} : memref<5x128xi32, #tpu.memory_space<vmem>>, vector<1x16xi32>,
    %add3A_243 = arith.constant 256 : i32
    %add3A_244 = arith.addi %mul3A_2, %add3A_243 : i32
    %add3A_245 = arith.constant 48 : i32
    %add3A_246 = arith.addi %add3A_244, %add3A_245 : i32
    %add3A_247 = vector.broadcast %add3A_246 : i32 to vector<16xi32>
    %add3A_248 = arith.addi %add3A_247, %iota3A : vector<16xi32>
    %swap3A_249 = arith.constant 2 : i32
    %swap3A_250 = arith.index_cast %swap3A_249 : i32 to index
    %swap3A_251 = arith.constant 48 : index
    %swap3A_252 = tpu.vector_load %arg11[%swap3A_250, %swap3A_251] {strides = array<i32>} : memref<5x128xi32, #tpu.memory_space<vmem>>, vector<1x16xi32>,
    %swap3A_253 = vector.shape_cast %swap3A_252 : vector<1x16xi32> to vector<16xi32>
    %swap3A_254 = vector.shape_cast %add3A_248 : vector<16xi32> to vector<1x16xi32>
    tpu.vector_store %arg11[%swap3A_250, %swap3A_251], %swap3A_254 {strides = array<i32>} : memref<5x128xi32, #tpu.memory_space<vmem>>, vector<1x16xi32>,
    %add3A_255 = arith.constant 256 : i32
    %add3A_256 = arith.addi %mul3A_2, %add3A_255 : i32
    %add3A_257 = arith.constant 64 : i32
    %add3A_258 = arith.addi %add3A_256, %add3A_257 : i32
    %add3A_259 = vector.broadcast %add3A_258 : i32 to vector<16xi32>
    %add3A_260 = arith.addi %add3A_259, %iota3A : vector<16xi32>
    %swap3A_261 = arith.constant 2 : i32
    %swap3A_262 = arith.index_cast %swap3A_261 : i32 to index
    %swap3A_263 = arith.constant 64 : index
    %swap3A_264 = tpu.vector_load %arg11[%swap3A_262, %swap3A_263] {strides = array<i32>} : memref<5x128xi32, #tpu.memory_space<vmem>>, vector<1x16xi32>,
    %swap3A_265 = vector.shape_cast %swap3A_264 : vector<1x16xi32> to vector<16xi32>
    %swap3A_266 = vector.shape_cast %add3A_260 : vector<16xi32> to vector<1x16xi32>
    tpu.vector_store %arg11[%swap3A_262, %swap3A_263], %swap3A_266 {strides = array<i32>} : memref<5x128xi32, #tpu.memory_space<vmem>>, vector<1x16xi32>,
    %add3A_267 = arith.constant 256 : i32
    %add3A_268 = arith.addi %mul3A_2, %add3A_267 : i32
    %add3A_269 = arith.constant 80 : i32
    %add3A_270 = arith.addi %add3A_268, %add3A_269 : i32
    %add3A_271 = vector.broadcast %add3A_270 : i32 to vector<16xi32>
    %add3A_272 = arith.addi %add3A_271, %iota3A : vector<16xi32>
    %swap3A_273 = arith.constant 2 : i32
    %swap3A_274 = arith.index_cast %swap3A_273 : i32 to index
    %swap3A_275 = arith.constant 80 : index
    %swap3A_276 = tpu.vector_load %arg11[%swap3A_274, %swap3A_275] {strides = array<i32>} : memref<5x128xi32, #tpu.memory_space<vmem>>, vector<1x16xi32>,
    %swap3A_277 = vector.shape_cast %swap3A_276 : vector<1x16xi32> to vector<16xi32>
    %swap3A_278 = vector.shape_cast %add3A_272 : vector<16xi32> to vector<1x16xi32>
    tpu.vector_store %arg11[%swap3A_274, %swap3A_275], %swap3A_278 {strides = array<i32>} : memref<5x128xi32, #tpu.memory_space<vmem>>, vector<1x16xi32>,
    %add3A_279 = arith.constant 256 : i32
    %add3A_280 = arith.addi %mul3A_2, %add3A_279 : i32
    %add3A_281 = arith.constant 96 : i32
    %add3A_282 = arith.addi %add3A_280, %add3A_281 : i32
    %add3A_283 = vector.broadcast %add3A_282 : i32 to vector<16xi32>
    %add3A_284 = arith.addi %add3A_283, %iota3A : vector<16xi32>
    %swap3A_285 = arith.constant 2 : i32
    %swap3A_286 = arith.index_cast %swap3A_285 : i32 to index
    %swap3A_287 = arith.constant 96 : index
    %swap3A_288 = tpu.vector_load %arg11[%swap3A_286, %swap3A_287] {strides = array<i32>} : memref<5x128xi32, #tpu.memory_space<vmem>>, vector<1x16xi32>,
    %swap3A_289 = vector.shape_cast %swap3A_288 : vector<1x16xi32> to vector<16xi32>
    %swap3A_290 = vector.shape_cast %add3A_284 : vector<16xi32> to vector<1x16xi32>
    tpu.vector_store %arg11[%swap3A_286, %swap3A_287], %swap3A_290 {strides = array<i32>} : memref<5x128xi32, #tpu.memory_space<vmem>>, vector<1x16xi32>,
    %add3A_291 = arith.constant 256 : i32
    %add3A_292 = arith.addi %mul3A_2, %add3A_291 : i32
    %add3A_293 = arith.constant 112 : i32
    %add3A_294 = arith.addi %add3A_292, %add3A_293 : i32
    %add3A_295 = vector.broadcast %add3A_294 : i32 to vector<16xi32>
    %add3A_296 = arith.addi %add3A_295, %iota3A : vector<16xi32>
    %swap3A_297 = arith.constant 2 : i32
    %swap3A_298 = arith.index_cast %swap3A_297 : i32 to index
    %swap3A_299 = arith.constant 112 : index
    %swap3A_300 = tpu.vector_load %arg11[%swap3A_298, %swap3A_299] {strides = array<i32>} : memref<5x128xi32, #tpu.memory_space<vmem>>, vector<1x16xi32>,
    %swap3A_301 = vector.shape_cast %swap3A_300 : vector<1x16xi32> to vector<16xi32>
    %swap3A_302 = vector.shape_cast %add3A_296 : vector<16xi32> to vector<1x16xi32>
    tpu.vector_store %arg11[%swap3A_298, %swap3A_299], %swap3A_302 {strides = array<i32>} : memref<5x128xi32, #tpu.memory_space<vmem>>, vector<1x16xi32>,
    %add3A_303 = arith.constant 384 : i32
    %add3A_304 = arith.addi %mul3A_2, %add3A_303 : i32
    %add3A_305 = arith.constant 0 : i32
    %add3A_306 = arith.addi %add3A_304, %add3A_305 : i32
    %add3A_307 = vector.broadcast %add3A_306 : i32 to vector<16xi32>
    %add3A_308 = arith.addi %add3A_307, %iota3A : vector<16xi32>
    %swap3A_309 = arith.constant 3 : i32
    %swap3A_310 = arith.index_cast %swap3A_309 : i32 to index
    %swap3A_311 = arith.constant 0 : index
    %swap3A_312 = tpu.vector_load %arg11[%swap3A_310, %swap3A_311] {strides = array<i32>} : memref<5x128xi32, #tpu.memory_space<vmem>>, vector<1x16xi32>,
    %swap3A_313 = vector.shape_cast %swap3A_312 : vector<1x16xi32> to vector<16xi32>
    %swap3A_314 = vector.shape_cast %add3A_308 : vector<16xi32> to vector<1x16xi32>
    tpu.vector_store %arg11[%swap3A_310, %swap3A_311], %swap3A_314 {strides = array<i32>} : memref<5x128xi32, #tpu.memory_space<vmem>>, vector<1x16xi32>,
    %add3A_315 = arith.constant 384 : i32
    %add3A_316 = arith.addi %mul3A_2, %add3A_315 : i32
    %add3A_317 = arith.constant 16 : i32
    %add3A_318 = arith.addi %add3A_316, %add3A_317 : i32
    %add3A_319 = vector.broadcast %add3A_318 : i32 to vector<16xi32>
    %add3A_320 = arith.addi %add3A_319, %iota3A : vector<16xi32>
    %swap3A_321 = arith.constant 3 : i32
    %swap3A_322 = arith.index_cast %swap3A_321 : i32 to index
    %swap3A_323 = arith.constant 16 : index
    %swap3A_324 = tpu.vector_load %arg11[%swap3A_322, %swap3A_323] {strides = array<i32>} : memref<5x128xi32, #tpu.memory_space<vmem>>, vector<1x16xi32>,
    %swap3A_325 = vector.shape_cast %swap3A_324 : vector<1x16xi32> to vector<16xi32>
    %swap3A_326 = vector.shape_cast %add3A_320 : vector<16xi32> to vector<1x16xi32>
    tpu.vector_store %arg11[%swap3A_322, %swap3A_323], %swap3A_326 {strides = array<i32>} : memref<5x128xi32, #tpu.memory_space<vmem>>, vector<1x16xi32>,
    %add3A_327 = arith.constant 384 : i32
    %add3A_328 = arith.addi %mul3A_2, %add3A_327 : i32
    %add3A_329 = arith.constant 32 : i32
    %add3A_330 = arith.addi %add3A_328, %add3A_329 : i32
    %add3A_331 = vector.broadcast %add3A_330 : i32 to vector<16xi32>
    %add3A_332 = arith.addi %add3A_331, %iota3A : vector<16xi32>
    %swap3A_333 = arith.constant 3 : i32
    %swap3A_334 = arith.index_cast %swap3A_333 : i32 to index
    %swap3A_335 = arith.constant 32 : index
    %swap3A_336 = tpu.vector_load %arg11[%swap3A_334, %swap3A_335] {strides = array<i32>} : memref<5x128xi32, #tpu.memory_space<vmem>>, vector<1x16xi32>,
    %swap3A_337 = vector.shape_cast %swap3A_336 : vector<1x16xi32> to vector<16xi32>
    %swap3A_338 = vector.shape_cast %add3A_332 : vector<16xi32> to vector<1x16xi32>
    tpu.vector_store %arg11[%swap3A_334, %swap3A_335], %swap3A_338 {strides = array<i32>} : memref<5x128xi32, #tpu.memory_space<vmem>>, vector<1x16xi32>,
    %add3A_339 = arith.constant 384 : i32
    %add3A_340 = arith.addi %mul3A_2, %add3A_339 : i32
    %add3A_341 = arith.constant 48 : i32
    %add3A_342 = arith.addi %add3A_340, %add3A_341 : i32
    %add3A_343 = vector.broadcast %add3A_342 : i32 to vector<16xi32>
    %add3A_344 = arith.addi %add3A_343, %iota3A : vector<16xi32>
    %swap3A_345 = arith.constant 3 : i32
    %swap3A_346 = arith.index_cast %swap3A_345 : i32 to index
    %swap3A_347 = arith.constant 48 : index
    %swap3A_348 = tpu.vector_load %arg11[%swap3A_346, %swap3A_347] {strides = array<i32>} : memref<5x128xi32, #tpu.memory_space<vmem>>, vector<1x16xi32>,
    %swap3A_349 = vector.shape_cast %swap3A_348 : vector<1x16xi32> to vector<16xi32>
    %swap3A_350 = vector.shape_cast %add3A_344 : vector<16xi32> to vector<1x16xi32>
    tpu.vector_store %arg11[%swap3A_346, %swap3A_347], %swap3A_350 {strides = array<i32>} : memref<5x128xi32, #tpu.memory_space<vmem>>, vector<1x16xi32>,
    %add3A_351 = arith.constant 384 : i32
    %add3A_352 = arith.addi %mul3A_2, %add3A_351 : i32
    %add3A_353 = arith.constant 64 : i32
    %add3A_354 = arith.addi %add3A_352, %add3A_353 : i32
    %add3A_355 = vector.broadcast %add3A_354 : i32 to vector<16xi32>
    %add3A_356 = arith.addi %add3A_355, %iota3A : vector<16xi32>
    %swap3A_357 = arith.constant 3 : i32
    %swap3A_358 = arith.index_cast %swap3A_357 : i32 to index
    %swap3A_359 = arith.constant 64 : index
    %swap3A_360 = tpu.vector_load %arg11[%swap3A_358, %swap3A_359] {strides = array<i32>} : memref<5x128xi32, #tpu.memory_space<vmem>>, vector<1x16xi32>,
    %swap3A_361 = vector.shape_cast %swap3A_360 : vector<1x16xi32> to vector<16xi32>
    %swap3A_362 = vector.shape_cast %add3A_356 : vector<16xi32> to vector<1x16xi32>
    tpu.vector_store %arg11[%swap3A_358, %swap3A_359], %swap3A_362 {strides = array<i32>} : memref<5x128xi32, #tpu.memory_space<vmem>>, vector<1x16xi32>,
    %add3A_363 = arith.constant 384 : i32
    %add3A_364 = arith.addi %mul3A_2, %add3A_363 : i32
    %add3A_365 = arith.constant 80 : i32
    %add3A_366 = arith.addi %add3A_364, %add3A_365 : i32
    %add3A_367 = vector.broadcast %add3A_366 : i32 to vector<16xi32>
    %add3A_368 = arith.addi %add3A_367, %iota3A : vector<16xi32>
    %swap3A_369 = arith.constant 3 : i32
    %swap3A_370 = arith.index_cast %swap3A_369 : i32 to index
    %swap3A_371 = arith.constant 80 : index
    %swap3A_372 = tpu.vector_load %arg11[%swap3A_370, %swap3A_371] {strides = array<i32>} : memref<5x128xi32, #tpu.memory_space<vmem>>, vector<1x16xi32>,
    %swap3A_373 = vector.shape_cast %swap3A_372 : vector<1x16xi32> to vector<16xi32>
    %swap3A_374 = vector.shape_cast %add3A_368 : vector<16xi32> to vector<1x16xi32>
    tpu.vector_store %arg11[%swap3A_370, %swap3A_371], %swap3A_374 {strides = array<i32>} : memref<5x128xi32, #tpu.memory_space<vmem>>, vector<1x16xi32>,
    %add3A_375 = arith.constant 384 : i32
    %add3A_376 = arith.addi %mul3A_2, %add3A_375 : i32
    %add3A_377 = arith.constant 96 : i32
    %add3A_378 = arith.addi %add3A_376, %add3A_377 : i32
    %add3A_379 = vector.broadcast %add3A_378 : i32 to vector<16xi32>
    %add3A_380 = arith.addi %add3A_379, %iota3A : vector<16xi32>
    %swap3A_381 = arith.constant 3 : i32
    %swap3A_382 = arith.index_cast %swap3A_381 : i32 to index
    %swap3A_383 = arith.constant 96 : index
    %swap3A_384 = tpu.vector_load %arg11[%swap3A_382, %swap3A_383] {strides = array<i32>} : memref<5x128xi32, #tpu.memory_space<vmem>>, vector<1x16xi32>,
    %swap3A_385 = vector.shape_cast %swap3A_384 : vector<1x16xi32> to vector<16xi32>
    %swap3A_386 = vector.shape_cast %add3A_380 : vector<16xi32> to vector<1x16xi32>
    tpu.vector_store %arg11[%swap3A_382, %swap3A_383], %swap3A_386 {strides = array<i32>} : memref<5x128xi32, #tpu.memory_space<vmem>>, vector<1x16xi32>,
    %add3A_387 = arith.constant 384 : i32
    %add3A_388 = arith.addi %mul3A_2, %add3A_387 : i32
    %add3A_389 = arith.constant 112 : i32
    %add3A_390 = arith.addi %add3A_388, %add3A_389 : i32
    %add3A_391 = vector.broadcast %add3A_390 : i32 to vector<16xi32>
    %add3A_392 = arith.addi %add3A_391, %iota3A : vector<16xi32>
    %swap3A_393 = arith.constant 3 : i32
    %swap3A_394 = arith.index_cast %swap3A_393 : i32 to index
    %swap3A_395 = arith.constant 112 : index
    %swap3A_396 = tpu.vector_load %arg11[%swap3A_394, %swap3A_395] {strides = array<i32>} : memref<5x128xi32, #tpu.memory_space<vmem>>, vector<1x16xi32>,
    %swap3A_397 = vector.shape_cast %swap3A_396 : vector<1x16xi32> to vector<16xi32>
    %swap3A_398 = vector.shape_cast %add3A_392 : vector<16xi32> to vector<1x16xi32>
    tpu.vector_store %arg11[%swap3A_394, %swap3A_395], %swap3A_398 {strides = array<i32>} : memref<5x128xi32, #tpu.memory_space<vmem>>, vector<1x16xi32>,
    %add3A_399 = arith.constant 512 : i32
    %add3A_400 = arith.addi %mul3A_2, %add3A_399 : i32
    %add3A_401 = arith.constant 0 : i32
    %add3A_402 = arith.addi %add3A_400, %add3A_401 : i32
    %add3A_403 = vector.broadcast %add3A_402 : i32 to vector<16xi32>
    %add3A_404 = arith.addi %add3A_403, %iota3A : vector<16xi32>
    %swap3A_405 = arith.constant 4 : i32
    %swap3A_406 = arith.index_cast %swap3A_405 : i32 to index
    %swap3A_407 = arith.constant 0 : index
    %swap3A_408 = tpu.vector_load %arg11[%swap3A_406, %swap3A_407] {strides = array<i32>} : memref<5x128xi32, #tpu.memory_space<vmem>>, vector<1x16xi32>,
    %swap3A_409 = vector.shape_cast %swap3A_408 : vector<1x16xi32> to vector<16xi32>
    %swap3A_410 = vector.shape_cast %add3A_404 : vector<16xi32> to vector<1x16xi32>
    tpu.vector_store %arg11[%swap3A_406, %swap3A_407], %swap3A_410 {strides = array<i32>} : memref<5x128xi32, #tpu.memory_space<vmem>>, vector<1x16xi32>,
    %add3A_411 = arith.constant 512 : i32
    %add3A_412 = arith.addi %mul3A_2, %add3A_411 : i32
    %add3A_413 = arith.constant 16 : i32
    %add3A_414 = arith.addi %add3A_412, %add3A_413 : i32
    %add3A_415 = vector.broadcast %add3A_414 : i32 to vector<16xi32>
    %add3A_416 = arith.addi %add3A_415, %iota3A : vector<16xi32>
    %swap3A_417 = arith.constant 4 : i32
    %swap3A_418 = arith.index_cast %swap3A_417 : i32 to index
    %swap3A_419 = arith.constant 16 : index
    %swap3A_420 = tpu.vector_load %arg11[%swap3A_418, %swap3A_419] {strides = array<i32>} : memref<5x128xi32, #tpu.memory_space<vmem>>, vector<1x16xi32>,
    %swap3A_421 = vector.shape_cast %swap3A_420 : vector<1x16xi32> to vector<16xi32>
    %swap3A_422 = vector.shape_cast %add3A_416 : vector<16xi32> to vector<1x16xi32>
    tpu.vector_store %arg11[%swap3A_418, %swap3A_419], %swap3A_422 {strides = array<i32>} : memref<5x128xi32, #tpu.memory_space<vmem>>, vector<1x16xi32>,
    %add3A_423 = arith.constant 512 : i32
    %add3A_424 = arith.addi %mul3A_2, %add3A_423 : i32
    %add3A_425 = arith.constant 32 : i32
    %add3A_426 = arith.addi %add3A_424, %add3A_425 : i32
    %add3A_427 = vector.broadcast %add3A_426 : i32 to vector<16xi32>
    %add3A_428 = arith.addi %add3A_427, %iota3A : vector<16xi32>
    %swap3A_429 = arith.constant 4 : i32
    %swap3A_430 = arith.index_cast %swap3A_429 : i32 to index
    %swap3A_431 = arith.constant 32 : index
    %swap3A_432 = tpu.vector_load %arg11[%swap3A_430, %swap3A_431] {strides = array<i32>} : memref<5x128xi32, #tpu.memory_space<vmem>>, vector<1x16xi32>,
    %swap3A_433 = vector.shape_cast %swap3A_432 : vector<1x16xi32> to vector<16xi32>
    %swap3A_434 = vector.shape_cast %add3A_428 : vector<16xi32> to vector<1x16xi32>
    tpu.vector_store %arg11[%swap3A_430, %swap3A_431], %swap3A_434 {strides = array<i32>} : memref<5x128xi32, #tpu.memory_space<vmem>>, vector<1x16xi32>,
    %add3A_435 = arith.constant 512 : i32
    %add3A_436 = arith.addi %mul3A_2, %add3A_435 : i32
    %add3A_437 = arith.constant 48 : i32
    %add3A_438 = arith.addi %add3A_436, %add3A_437 : i32
    %add3A_439 = vector.broadcast %add3A_438 : i32 to vector<16xi32>
    %add3A_440 = arith.addi %add3A_439, %iota3A : vector<16xi32>
    %swap3A_441 = arith.constant 4 : i32
    %swap3A_442 = arith.index_cast %swap3A_441 : i32 to index
    %swap3A_443 = arith.constant 48 : index
    %swap3A_444 = tpu.vector_load %arg11[%swap3A_442, %swap3A_443] {strides = array<i32>} : memref<5x128xi32, #tpu.memory_space<vmem>>, vector<1x16xi32>,
    %swap3A_445 = vector.shape_cast %swap3A_444 : vector<1x16xi32> to vector<16xi32>
    %swap3A_446 = vector.shape_cast %add3A_440 : vector<16xi32> to vector<1x16xi32>
    tpu.vector_store %arg11[%swap3A_442, %swap3A_443], %swap3A_446 {strides = array<i32>} : memref<5x128xi32, #tpu.memory_space<vmem>>, vector<1x16xi32>,
    %add3A_447 = arith.constant 512 : i32
    %add3A_448 = arith.addi %mul3A_2, %add3A_447 : i32
    %add3A_449 = arith.constant 64 : i32
    %add3A_450 = arith.addi %add3A_448, %add3A_449 : i32
    %add3A_451 = vector.broadcast %add3A_450 : i32 to vector<16xi32>
    %add3A_452 = arith.addi %add3A_451, %iota3A : vector<16xi32>
    %swap3A_453 = arith.constant 4 : i32
    %swap3A_454 = arith.index_cast %swap3A_453 : i32 to index
    %swap3A_455 = arith.constant 64 : index
    %swap3A_456 = tpu.vector_load %arg11[%swap3A_454, %swap3A_455] {strides = array<i32>} : memref<5x128xi32, #tpu.memory_space<vmem>>, vector<1x16xi32>,
    %swap3A_457 = vector.shape_cast %swap3A_456 : vector<1x16xi32> to vector<16xi32>
    %swap3A_458 = vector.shape_cast %add3A_452 : vector<16xi32> to vector<1x16xi32>
    tpu.vector_store %arg11[%swap3A_454, %swap3A_455], %swap3A_458 {strides = array<i32>} : memref<5x128xi32, #tpu.memory_space<vmem>>, vector<1x16xi32>,
    %add3A_459 = arith.constant 512 : i32
    %add3A_460 = arith.addi %mul3A_2, %add3A_459 : i32
    %add3A_461 = arith.constant 80 : i32
    %add3A_462 = arith.addi %add3A_460, %add3A_461 : i32
    %add3A_463 = vector.broadcast %add3A_462 : i32 to vector<16xi32>
    %add3A_464 = arith.addi %add3A_463, %iota3A : vector<16xi32>
    %swap3A_465 = arith.constant 4 : i32
    %swap3A_466 = arith.index_cast %swap3A_465 : i32 to index
    %swap3A_467 = arith.constant 80 : index
    %swap3A_468 = tpu.vector_load %arg11[%swap3A_466, %swap3A_467] {strides = array<i32>} : memref<5x128xi32, #tpu.memory_space<vmem>>, vector<1x16xi32>,
    %swap3A_469 = vector.shape_cast %swap3A_468 : vector<1x16xi32> to vector<16xi32>
    %swap3A_470 = vector.shape_cast %add3A_464 : vector<16xi32> to vector<1x16xi32>
    tpu.vector_store %arg11[%swap3A_466, %swap3A_467], %swap3A_470 {strides = array<i32>} : memref<5x128xi32, #tpu.memory_space<vmem>>, vector<1x16xi32>,
    %add3A_471 = arith.constant 512 : i32
    %add3A_472 = arith.addi %mul3A_2, %add3A_471 : i32
    %add3A_473 = arith.constant 96 : i32
    %add3A_474 = arith.addi %add3A_472, %add3A_473 : i32
    %add3A_475 = vector.broadcast %add3A_474 : i32 to vector<16xi32>
    %add3A_476 = arith.addi %add3A_475, %iota3A : vector<16xi32>
    %swap3A_477 = arith.constant 4 : i32
    %swap3A_478 = arith.index_cast %swap3A_477 : i32 to index
    %swap3A_479 = arith.constant 96 : index
    %swap3A_480 = tpu.vector_load %arg11[%swap3A_478, %swap3A_479] {strides = array<i32>} : memref<5x128xi32, #tpu.memory_space<vmem>>, vector<1x16xi32>,
    %swap3A_481 = vector.shape_cast %swap3A_480 : vector<1x16xi32> to vector<16xi32>
    %swap3A_482 = vector.shape_cast %add3A_476 : vector<16xi32> to vector<1x16xi32>
    tpu.vector_store %arg11[%swap3A_478, %swap3A_479], %swap3A_482 {strides = array<i32>} : memref<5x128xi32, #tpu.memory_space<vmem>>, vector<1x16xi32>,
    %add3A_483 = arith.constant 512 : i32
    %add3A_484 = arith.addi %mul3A_2, %add3A_483 : i32
    %add3A_485 = arith.constant 112 : i32
    %add3A_486 = arith.addi %add3A_484, %add3A_485 : i32
    %add3A_487 = vector.broadcast %add3A_486 : i32 to vector<16xi32>
    %add3A_488 = arith.addi %add3A_487, %iota3A : vector<16xi32>
    %swap3A_489 = arith.constant 4 : i32
    %swap3A_490 = arith.index_cast %swap3A_489 : i32 to index
    %swap3A_491 = arith.constant 112 : index
    %swap3A_492 = tpu.vector_load %arg11[%swap3A_490, %swap3A_491] {strides = array<i32>} : memref<5x128xi32, #tpu.memory_space<vmem>>, vector<1x16xi32>,
    %swap3A_493 = vector.shape_cast %swap3A_492 : vector<1x16xi32> to vector<16xi32>
    %swap3A_494 = vector.shape_cast %add3A_488 : vector<16xi32> to vector<1x16xi32>
    tpu.vector_store %arg11[%swap3A_490, %swap3A_491], %swap3A_494 {strides = array<i32>} : memref<5x128xi32, #tpu.memory_space<vmem>>, vector<1x16xi32>,
    %run_scoped3A = arith.constant 0 : i32
    "tpu.region"() ({
      %run_scoped3A_668 = tpu.sem_alloc : memref<!tpu.dma_semaphore, #tpu.memory_space<semaphore_mem>>
      %dma_start3A_669 = arith.constant 0 : i32
      %dma_start3A_670 = arith.constant 0 : i32
      %dma_start3A_671 = tpu.memref_slice %arg2[%run_scoped3A, %arg1, %dma_start3A_669, %dma_start3A_670] : memref<2x16x640x64xf32, #tpu.memory_space<hbm>> -> memref<1x1x128x64xf32, #tpu.memory_space<hbm>>
      %dma_start3A_672 = tpu.memref_squeeze %dma_start3A_671 : memref<1x1x128x64xf32, #tpu.memory_space<hbm>> -> memref<128x64xf32, #tpu.memory_space<hbm>>
      %dma_start3A_673 = arith.constant 0 : i32
      %dma_start3A_674 = arith.constant 0 : i32
      %dma_start3A_675 = tpu.memref_slice %arg2[%run_scoped3A, %arg1, %dma_start3A_673, %dma_start3A_674] : memref<2x16x640x64xf32, #tpu.memory_space<hbm>> -> memref<1x1x128x64xf32, #tpu.memory_space<hbm>>
      %dma_start3A_676 = tpu.memref_squeeze %dma_start3A_675 : memref<1x1x128x64xf32, #tpu.memory_space<hbm>> -> memref<128x64xf32, #tpu.memory_space<hbm>>
      tpu.enqueue_dma source(%dma_start3A_676 : memref<128x64xf32, #tpu.memory_space<hbm>>) target(%arg8 : memref<128x64xf32, #tpu.memory_space<vmem>>) target_semaphore(%run_scoped3A_668 : memref<!tpu.dma_semaphore, #tpu.memory_space<semaphore_mem>>)
      %dma_wait3A_677 = arith.constant 0 : i32
      %dma_wait3A_678 = arith.constant 0 : i32
      %dma_wait3A_679 = tpu.memref_slice %arg2[%run_scoped3A, %arg1, %dma_wait3A_677, %dma_wait3A_678] : memref<2x16x640x64xf32, #tpu.memory_space<hbm>> -> memref<1x1x128x64xf32, #tpu.memory_space<hbm>>
      %dma_wait3A_680 = tpu.memref_squeeze %dma_wait3A_679 : memref<1x1x128x64xf32, #tpu.memory_space<hbm>> -> memref<128x64xf32, #tpu.memory_space<hbm>>
      %dma_wait3A_681 = arith.constant 0 : i32
      %dma_wait3A_682 = arith.constant 0 : i32
      %dma_wait3A_683 = tpu.memref_slice %arg2[%run_scoped3A, %arg1, %dma_wait3A_681, %dma_wait3A_682] : memref<2x16x640x64xf32, #tpu.memory_space<hbm>> -> memref<1x1x128x64xf32, #tpu.memory_space<hbm>>
      %dma_wait3A_684 = tpu.memref_squeeze %dma_wait3A_683 : memref<1x1x128x64xf32, #tpu.memory_space<hbm>> -> memref<128x64xf32, #tpu.memory_space<hbm>>
      tpu.wait_dma2 semaphore(%run_scoped3A_668 : memref<!tpu.dma_semaphore, #tpu.memory_space<semaphore_mem>>) src(%dma_wait3A_684 : memref<128x64xf32, #tpu.memory_space<hbm>>) dst(%arg8 : memref<128x64xf32, #tpu.memory_space<vmem>>)
      tpu.yield
    }) : () -> ()
    %add3A_495 = arith.constant 0 : i32
    %add3A_496 = arith.addi %mul3A_2, %add3A_495 : i32
    "tpu.region"() ({
      %run_scoped3A_668 = tpu.sem_alloc : memref<!tpu.dma_semaphore, #tpu.memory_space<semaphore_mem>>
      %dma_start3A_669 = arith.constant 0 : i32
      %dma_start3A_670 = tpu.memref_slice %arg12[%add3A_496, %dma_start3A_669] : memref<10240x64xf32, #tpu.memory_space<vmem_shared>> -> memref<128x64xf32, #tpu.memory_space<vmem_shared>>
      %dma_start3A_671 = arith.constant 0 : i32
      %dma_start3A_672 = tpu.memref_slice %arg12[%add3A_496, %dma_start3A_671] : memref<10240x64xf32, #tpu.memory_space<vmem_shared>> -> memref<128x64xf32, #tpu.memory_space<vmem_shared>>
      tpu.enqueue_dma source(%arg8 : memref<128x64xf32, #tpu.memory_space<vmem>>) target(%dma_start3A_672 : memref<128x64xf32, #tpu.memory_space<vmem_shared>>) target_semaphore(%run_scoped3A_668 : memref<!tpu.dma_semaphore, #tpu.memory_space<semaphore_mem>>)
      %dma_wait3A_673 = arith.constant 0 : i32
      %dma_wait3A_674 = tpu.memref_slice %arg12[%add3A_496, %dma_wait3A_673] : memref<10240x64xf32, #tpu.memory_space<vmem_shared>> -> memref<128x64xf32, #tpu.memory_space<vmem_shared>>
      %dma_wait3A_675 = arith.constant 0 : i32
      %dma_wait3A_676 = tpu.memref_slice %arg12[%add3A_496, %dma_wait3A_675] : memref<10240x64xf32, #tpu.memory_space<vmem_shared>> -> memref<128x64xf32, #tpu.memory_space<vmem_shared>>
      tpu.wait_dma2 semaphore(%run_scoped3A_668 : memref<!tpu.dma_semaphore, #tpu.memory_space<semaphore_mem>>) src(%arg8 : memref<128x64xf32, #tpu.memory_space<vmem>>) dst(%dma_wait3A_676 : memref<128x64xf32, #tpu.memory_space<vmem_shared>>)
      tpu.yield
    }) : () -> ()
    %run_scoped3A_497 = arith.constant 0 : i32
    "tpu.region"() ({
      %run_scoped3A_668 = tpu.sem_alloc : memref<!tpu.dma_semaphore, #tpu.memory_space<semaphore_mem>>
      %dma_start3A_669 = arith.constant 128 : i32
      %dma_start3A_670 = arith.constant 0 : i32
      %dma_start3A_671 = tpu.memref_slice %arg2[%run_scoped3A_497, %arg1, %dma_start3A_669, %dma_start3A_670] : memref<2x16x640x64xf32, #tpu.memory_space<hbm>> -> memref<1x1x128x64xf32, #tpu.memory_space<hbm>>
      %dma_start3A_672 = tpu.memref_squeeze %dma_start3A_671 : memref<1x1x128x64xf32, #tpu.memory_space<hbm>> -> memref<128x64xf32, #tpu.memory_space<hbm>>
      %dma_start3A_673 = arith.constant 128 : i32
      %dma_start3A_674 = arith.constant 0 : i32
      %dma_start3A_675 = tpu.memref_slice %arg2[%run_scoped3A_497, %arg1, %dma_start3A_673, %dma_start3A_674] : memref<2x16x640x64xf32, #tpu.memory_space<hbm>> -> memref<1x1x128x64xf32, #tpu.memory_space<hbm>>
      %dma_start3A_676 = tpu.memref_squeeze %dma_start3A_675 : memref<1x1x128x64xf32, #tpu.memory_space<hbm>> -> memref<128x64xf32, #tpu.memory_space<hbm>>
      tpu.enqueue_dma source(%dma_start3A_676 : memref<128x64xf32, #tpu.memory_space<hbm>>) target(%arg8 : memref<128x64xf32, #tpu.memory_space<vmem>>) target_semaphore(%run_scoped3A_668 : memref<!tpu.dma_semaphore, #tpu.memory_space<semaphore_mem>>)
      %dma_wait3A_677 = arith.constant 128 : i32
      %dma_wait3A_678 = arith.constant 0 : i32
      %dma_wait3A_679 = tpu.memref_slice %arg2[%run_scoped3A_497, %arg1, %dma_wait3A_677, %dma_wait3A_678] : memref<2x16x640x64xf32, #tpu.memory_space<hbm>> -> memref<1x1x128x64xf32, #tpu.memory_space<hbm>>
      %dma_wait3A_680 = tpu.memref_squeeze %dma_wait3A_679 : memref<1x1x128x64xf32, #tpu.memory_space<hbm>> -> memref<128x64xf32, #tpu.memory_space<hbm>>
      %dma_wait3A_681 = arith.constant 128 : i32
      %dma_wait3A_682 = arith.constant 0 : i32
      %dma_wait3A_683 = tpu.memref_slice %arg2[%run_scoped3A_497, %arg1, %dma_wait3A_681, %dma_wait3A_682] : memref<2x16x640x64xf32, #tpu.memory_space<hbm>> -> memref<1x1x128x64xf32, #tpu.memory_space<hbm>>
      %dma_wait3A_684 = tpu.memref_squeeze %dma_wait3A_683 : memref<1x1x128x64xf32, #tpu.memory_space<hbm>> -> memref<128x64xf32, #tpu.memory_space<hbm>>
      tpu.wait_dma2 semaphore(%run_scoped3A_668 : memref<!tpu.dma_semaphore, #tpu.memory_space<semaphore_mem>>) src(%dma_wait3A_684 : memref<128x64xf32, #tpu.memory_space<hbm>>) dst(%arg8 : memref<128x64xf32, #tpu.memory_space<vmem>>)
      tpu.yield
    }) : () -> ()
    %add3A_498 = arith.constant 128 : i32
    %add3A_499 = arith.addi %mul3A_2, %add3A_498 : i32
    "tpu.region"() ({
      %run_scoped3A_668 = tpu.sem_alloc : memref<!tpu.dma_semaphore, #tpu.memory_space<semaphore_mem>>
      %dma_start3A_669 = arith.constant 0 : i32
      %dma_start3A_670 = tpu.memref_slice %arg12[%add3A_499, %dma_start3A_669] : memref<10240x64xf32, #tpu.memory_space<vmem_shared>> -> memref<128x64xf32, #tpu.memory_space<vmem_shared>>
      %dma_start3A_671 = arith.constant 0 : i32
      %dma_start3A_672 = tpu.memref_slice %arg12[%add3A_499, %dma_start3A_671] : memref<10240x64xf32, #tpu.memory_space<vmem_shared>> -> memref<128x64xf32, #tpu.memory_space<vmem_shared>>
      tpu.enqueue_dma source(%arg8 : memref<128x64xf32, #tpu.memory_space<vmem>>) target(%dma_start3A_672 : memref<128x64xf32, #tpu.memory_space<vmem_shared>>) target_semaphore(%run_scoped3A_668 : memref<!tpu.dma_semaphore, #tpu.memory_space<semaphore_mem>>)
      %dma_wait3A_673 = arith.constant 0 : i32
      %dma_wait3A_674 = tpu.memref_slice %arg12[%add3A_499, %dma_wait3A_673] : memref<10240x64xf32, #tpu.memory_space<vmem_shared>> -> memref<128x64xf32, #tpu.memory_space<vmem_shared>>
      %dma_wait3A_675 = arith.constant 0 : i32
      %dma_wait3A_676 = tpu.memref_slice %arg12[%add3A_499, %dma_wait3A_675] : memref<10240x64xf32, #tpu.memory_space<vmem_shared>> -> memref<128x64xf32, #tpu.memory_space<vmem_shared>>
      tpu.wait_dma2 semaphore(%run_scoped3A_668 : memref<!tpu.dma_semaphore, #tpu.memory_space<semaphore_mem>>) src(%arg8 : memref<128x64xf32, #tpu.memory_space<vmem>>) dst(%dma_wait3A_676 : memref<128x64xf32, #tpu.memory_space<vmem_shared>>)
      tpu.yield
    }) : () -> ()
    %run_scoped3A_500 = arith.constant 0 : i32
    "tpu.region"() ({
      %run_scoped3A_668 = tpu.sem_alloc : memref<!tpu.dma_semaphore, #tpu.memory_space<semaphore_mem>>
      %dma_start3A_669 = arith.constant 256 : i32
      %dma_start3A_670 = arith.constant 0 : i32
      %dma_start3A_671 = tpu.memref_slice %arg2[%run_scoped3A_500, %arg1, %dma_start3A_669, %dma_start3A_670] : memref<2x16x640x64xf32, #tpu.memory_space<hbm>> -> memref<1x1x128x64xf32, #tpu.memory_space<hbm>>
      %dma_start3A_672 = tpu.memref_squeeze %dma_start3A_671 : memref<1x1x128x64xf32, #tpu.memory_space<hbm>> -> memref<128x64xf32, #tpu.memory_space<hbm>>
      %dma_start3A_673 = arith.constant 256 : i32
      %dma_start3A_674 = arith.constant 0 : i32
      %dma_start3A_675 = tpu.memref_slice %arg2[%run_scoped3A_500, %arg1, %dma_start3A_673, %dma_start3A_674] : memref<2x16x640x64xf32, #tpu.memory_space<hbm>> -> memref<1x1x128x64xf32, #tpu.memory_space<hbm>>
      %dma_start3A_676 = tpu.memref_squeeze %dma_start3A_675 : memref<1x1x128x64xf32, #tpu.memory_space<hbm>> -> memref<128x64xf32, #tpu.memory_space<hbm>>
      tpu.enqueue_dma source(%dma_start3A_676 : memref<128x64xf32, #tpu.memory_space<hbm>>) target(%arg8 : memref<128x64xf32, #tpu.memory_space<vmem>>) target_semaphore(%run_scoped3A_668 : memref<!tpu.dma_semaphore, #tpu.memory_space<semaphore_mem>>)
      %dma_wait3A_677 = arith.constant 256 : i32
      %dma_wait3A_678 = arith.constant 0 : i32
      %dma_wait3A_679 = tpu.memref_slice %arg2[%run_scoped3A_500, %arg1, %dma_wait3A_677, %dma_wait3A_678] : memref<2x16x640x64xf32, #tpu.memory_space<hbm>> -> memref<1x1x128x64xf32, #tpu.memory_space<hbm>>
      %dma_wait3A_680 = tpu.memref_squeeze %dma_wait3A_679 : memref<1x1x128x64xf32, #tpu.memory_space<hbm>> -> memref<128x64xf32, #tpu.memory_space<hbm>>
      %dma_wait3A_681 = arith.constant 256 : i32
      %dma_wait3A_682 = arith.constant 0 : i32
      %dma_wait3A_683 = tpu.memref_slice %arg2[%run_scoped3A_500, %arg1, %dma_wait3A_681, %dma_wait3A_682] : memref<2x16x640x64xf32, #tpu.memory_space<hbm>> -> memref<1x1x128x64xf32, #tpu.memory_space<hbm>>
      %dma_wait3A_684 = tpu.memref_squeeze %dma_wait3A_683 : memref<1x1x128x64xf32, #tpu.memory_space<hbm>> -> memref<128x64xf32, #tpu.memory_space<hbm>>
      tpu.wait_dma2 semaphore(%run_scoped3A_668 : memref<!tpu.dma_semaphore, #tpu.memory_space<semaphore_mem>>) src(%dma_wait3A_684 : memref<128x64xf32, #tpu.memory_space<hbm>>) dst(%arg8 : memref<128x64xf32, #tpu.memory_space<vmem>>)
      tpu.yield
    }) : () -> ()
    %add3A_501 = arith.constant 256 : i32
    %add3A_502 = arith.addi %mul3A_2, %add3A_501 : i32
    "tpu.region"() ({
      %run_scoped3A_668 = tpu.sem_alloc : memref<!tpu.dma_semaphore, #tpu.memory_space<semaphore_mem>>
      %dma_start3A_669 = arith.constant 0 : i32
      %dma_start3A_670 = tpu.memref_slice %arg12[%add3A_502, %dma_start3A_669] : memref<10240x64xf32, #tpu.memory_space<vmem_shared>> -> memref<128x64xf32, #tpu.memory_space<vmem_shared>>
      %dma_start3A_671 = arith.constant 0 : i32
      %dma_start3A_672 = tpu.memref_slice %arg12[%add3A_502, %dma_start3A_671] : memref<10240x64xf32, #tpu.memory_space<vmem_shared>> -> memref<128x64xf32, #tpu.memory_space<vmem_shared>>
      tpu.enqueue_dma source(%arg8 : memref<128x64xf32, #tpu.memory_space<vmem>>) target(%dma_start3A_672 : memref<128x64xf32, #tpu.memory_space<vmem_shared>>) target_semaphore(%run_scoped3A_668 : memref<!tpu.dma_semaphore, #tpu.memory_space<semaphore_mem>>)
      %dma_wait3A_673 = arith.constant 0 : i32
      %dma_wait3A_674 = tpu.memref_slice %arg12[%add3A_502, %dma_wait3A_673] : memref<10240x64xf32, #tpu.memory_space<vmem_shared>> -> memref<128x64xf32, #tpu.memory_space<vmem_shared>>
      %dma_wait3A_675 = arith.constant 0 : i32
      %dma_wait3A_676 = tpu.memref_slice %arg12[%add3A_502, %dma_wait3A_675] : memref<10240x64xf32, #tpu.memory_space<vmem_shared>> -> memref<128x64xf32, #tpu.memory_space<vmem_shared>>
      tpu.wait_dma2 semaphore(%run_scoped3A_668 : memref<!tpu.dma_semaphore, #tpu.memory_space<semaphore_mem>>) src(%arg8 : memref<128x64xf32, #tpu.memory_space<vmem>>) dst(%dma_wait3A_676 : memref<128x64xf32, #tpu.memory_space<vmem_shared>>)
      tpu.yield
    }) : () -> ()
    %run_scoped3A_503 = arith.constant 0 : i32
    "tpu.region"() ({
      %run_scoped3A_668 = tpu.sem_alloc : memref<!tpu.dma_semaphore, #tpu.memory_space<semaphore_mem>>
      %dma_start3A_669 = arith.constant 384 : i32
      %dma_start3A_670 = arith.constant 0 : i32
      %dma_start3A_671 = tpu.memref_slice %arg2[%run_scoped3A_503, %arg1, %dma_start3A_669, %dma_start3A_670] : memref<2x16x640x64xf32, #tpu.memory_space<hbm>> -> memref<1x1x128x64xf32, #tpu.memory_space<hbm>>
      %dma_start3A_672 = tpu.memref_squeeze %dma_start3A_671 : memref<1x1x128x64xf32, #tpu.memory_space<hbm>> -> memref<128x64xf32, #tpu.memory_space<hbm>>
      %dma_start3A_673 = arith.constant 384 : i32
      %dma_start3A_674 = arith.constant 0 : i32
      %dma_start3A_675 = tpu.memref_slice %arg2[%run_scoped3A_503, %arg1, %dma_start3A_673, %dma_start3A_674] : memref<2x16x640x64xf32, #tpu.memory_space<hbm>> -> memref<1x1x128x64xf32, #tpu.memory_space<hbm>>
      %dma_start3A_676 = tpu.memref_squeeze %dma_start3A_675 : memref<1x1x128x64xf32, #tpu.memory_space<hbm>> -> memref<128x64xf32, #tpu.memory_space<hbm>>
      tpu.enqueue_dma source(%dma_start3A_676 : memref<128x64xf32, #tpu.memory_space<hbm>>) target(%arg8 : memref<128x64xf32, #tpu.memory_space<vmem>>) target_semaphore(%run_scoped3A_668 : memref<!tpu.dma_semaphore, #tpu.memory_space<semaphore_mem>>)
      %dma_wait3A_677 = arith.constant 384 : i32
      %dma_wait3A_678 = arith.constant 0 : i32
      %dma_wait3A_679 = tpu.memref_slice %arg2[%run_scoped3A_503, %arg1, %dma_wait3A_677, %dma_wait3A_678] : memref<2x16x640x64xf32, #tpu.memory_space<hbm>> -> memref<1x1x128x64xf32, #tpu.memory_space<hbm>>
      %dma_wait3A_680 = tpu.memref_squeeze %dma_wait3A_679 : memref<1x1x128x64xf32, #tpu.memory_space<hbm>> -> memref<128x64xf32, #tpu.memory_space<hbm>>
      %dma_wait3A_681 = arith.constant 384 : i32
      %dma_wait3A_682 = arith.constant 0 : i32
      %dma_wait3A_683 = tpu.memref_slice %arg2[%run_scoped3A_503, %arg1, %dma_wait3A_681, %dma_wait3A_682] : memref<2x16x640x64xf32, #tpu.memory_space<hbm>> -> memref<1x1x128x64xf32, #tpu.memory_space<hbm>>
      %dma_wait3A_684 = tpu.memref_squeeze %dma_wait3A_683 : memref<1x1x128x64xf32, #tpu.memory_space<hbm>> -> memref<128x64xf32, #tpu.memory_space<hbm>>
      tpu.wait_dma2 semaphore(%run_scoped3A_668 : memref<!tpu.dma_semaphore, #tpu.memory_space<semaphore_mem>>) src(%dma_wait3A_684 : memref<128x64xf32, #tpu.memory_space<hbm>>) dst(%arg8 : memref<128x64xf32, #tpu.memory_space<vmem>>)
      tpu.yield
    }) : () -> ()
    %add3A_504 = arith.constant 384 : i32
    %add3A_505 = arith.addi %mul3A_2, %add3A_504 : i32
    "tpu.region"() ({
      %run_scoped3A_668 = tpu.sem_alloc : memref<!tpu.dma_semaphore, #tpu.memory_space<semaphore_mem>>
      %dma_start3A_669 = arith.constant 0 : i32
      %dma_start3A_670 = tpu.memref_slice %arg12[%add3A_505, %dma_start3A_669] : memref<10240x64xf32, #tpu.memory_space<vmem_shared>> -> memref<128x64xf32, #tpu.memory_space<vmem_shared>>
      %dma_start3A_671 = arith.constant 0 : i32
      %dma_start3A_672 = tpu.memref_slice %arg12[%add3A_505, %dma_start3A_671] : memref<10240x64xf32, #tpu.memory_space<vmem_shared>> -> memref<128x64xf32, #tpu.memory_space<vmem_shared>>
      tpu.enqueue_dma source(%arg8 : memref<128x64xf32, #tpu.memory_space<vmem>>) target(%dma_start3A_672 : memref<128x64xf32, #tpu.memory_space<vmem_shared>>) target_semaphore(%run_scoped3A_668 : memref<!tpu.dma_semaphore, #tpu.memory_space<semaphore_mem>>)
      %dma_wait3A_673 = arith.constant 0 : i32
      %dma_wait3A_674 = tpu.memref_slice %arg12[%add3A_505, %dma_wait3A_673] : memref<10240x64xf32, #tpu.memory_space<vmem_shared>> -> memref<128x64xf32, #tpu.memory_space<vmem_shared>>
      %dma_wait3A_675 = arith.constant 0 : i32
      %dma_wait3A_676 = tpu.memref_slice %arg12[%add3A_505, %dma_wait3A_675] : memref<10240x64xf32, #tpu.memory_space<vmem_shared>> -> memref<128x64xf32, #tpu.memory_space<vmem_shared>>
      tpu.wait_dma2 semaphore(%run_scoped3A_668 : memref<!tpu.dma_semaphore, #tpu.memory_space<semaphore_mem>>) src(%arg8 : memref<128x64xf32, #tpu.memory_space<vmem>>) dst(%dma_wait3A_676 : memref<128x64xf32, #tpu.memory_space<vmem_shared>>)
      tpu.yield
    }) : () -> ()
    %run_scoped3A_506 = arith.constant 0 : i32
    "tpu.region"() ({
      %run_scoped3A_668 = tpu.sem_alloc : memref<!tpu.dma_semaphore, #tpu.memory_space<semaphore_mem>>
      %dma_start3A_669 = arith.constant 512 : i32
      %dma_start3A_670 = arith.constant 0 : i32
      %dma_start3A_671 = tpu.memref_slice %arg2[%run_scoped3A_506, %arg1, %dma_start3A_669, %dma_start3A_670] : memref<2x16x640x64xf32, #tpu.memory_space<hbm>> -> memref<1x1x128x64xf32, #tpu.memory_space<hbm>>
      %dma_start3A_672 = tpu.memref_squeeze %dma_start3A_671 : memref<1x1x128x64xf32, #tpu.memory_space<hbm>> -> memref<128x64xf32, #tpu.memory_space<hbm>>
      %dma_start3A_673 = arith.constant 512 : i32
      %dma_start3A_674 = arith.constant 0 : i32
      %dma_start3A_675 = tpu.memref_slice %arg2[%run_scoped3A_506, %arg1, %dma_start3A_673, %dma_start3A_674] : memref<2x16x640x64xf32, #tpu.memory_space<hbm>> -> memref<1x1x128x64xf32, #tpu.memory_space<hbm>>
      %dma_start3A_676 = tpu.memref_squeeze %dma_start3A_675 : memref<1x1x128x64xf32, #tpu.memory_space<hbm>> -> memref<128x64xf32, #tpu.memory_space<hbm>>
      tpu.enqueue_dma source(%dma_start3A_676 : memref<128x64xf32, #tpu.memory_space<hbm>>) target(%arg8 : memref<128x64xf32, #tpu.memory_space<vmem>>) target_semaphore(%run_scoped3A_668 : memref<!tpu.dma_semaphore, #tpu.memory_space<semaphore_mem>>)
      %dma_wait3A_677 = arith.constant 512 : i32
      %dma_wait3A_678 = arith.constant 0 : i32
      %dma_wait3A_679 = tpu.memref_slice %arg2[%run_scoped3A_506, %arg1, %dma_wait3A_677, %dma_wait3A_678] : memref<2x16x640x64xf32, #tpu.memory_space<hbm>> -> memref<1x1x128x64xf32, #tpu.memory_space<hbm>>
      %dma_wait3A_680 = tpu.memref_squeeze %dma_wait3A_679 : memref<1x1x128x64xf32, #tpu.memory_space<hbm>> -> memref<128x64xf32, #tpu.memory_space<hbm>>
      %dma_wait3A_681 = arith.constant 512 : i32
      %dma_wait3A_682 = arith.constant 0 : i32
      %dma_wait3A_683 = tpu.memref_slice %arg2[%run_scoped3A_506, %arg1, %dma_wait3A_681, %dma_wait3A_682] : memref<2x16x640x64xf32, #tpu.memory_space<hbm>> -> memref<1x1x128x64xf32, #tpu.memory_space<hbm>>
      %dma_wait3A_684 = tpu.memref_squeeze %dma_wait3A_683 : memref<1x1x128x64xf32, #tpu.memory_space<hbm>> -> memref<128x64xf32, #tpu.memory_space<hbm>>
      tpu.wait_dma2 semaphore(%run_scoped3A_668 : memref<!tpu.dma_semaphore, #tpu.memory_space<semaphore_mem>>) src(%dma_wait3A_684 : memref<128x64xf32, #tpu.memory_space<hbm>>) dst(%arg8 : memref<128x64xf32, #tpu.memory_space<vmem>>)
      tpu.yield
    }) : () -> ()
    %add3A_507 = arith.constant 512 : i32
    %add3A_508 = arith.addi %mul3A_2, %add3A_507 : i32
    "tpu.region"() ({
      %run_scoped3A_668 = tpu.sem_alloc : memref<!tpu.dma_semaphore, #tpu.memory_space<semaphore_mem>>
      %dma_start3A_669 = arith.constant 0 : i32
      %dma_start3A_670 = tpu.memref_slice %arg12[%add3A_508, %dma_start3A_669] : memref<10240x64xf32, #tpu.memory_space<vmem_shared>> -> memref<128x64xf32, #tpu.memory_space<vmem_shared>>
      %dma_start3A_671 = arith.constant 0 : i32
      %dma_start3A_672 = tpu.memref_slice %arg12[%add3A_508, %dma_start3A_671] : memref<10240x64xf32, #tpu.memory_space<vmem_shared>> -> memref<128x64xf32, #tpu.memory_space<vmem_shared>>
      tpu.enqueue_dma source(%arg8 : memref<128x64xf32, #tpu.memory_space<vmem>>) target(%dma_start3A_672 : memref<128x64xf32, #tpu.memory_space<vmem_shared>>) target_semaphore(%run_scoped3A_668 : memref<!tpu.dma_semaphore, #tpu.memory_space<semaphore_mem>>)
      %dma_wait3A_673 = arith.constant 0 : i32
      %dma_wait3A_674 = tpu.memref_slice %arg12[%add3A_508, %dma_wait3A_673] : memref<10240x64xf32, #tpu.memory_space<vmem_shared>> -> memref<128x64xf32, #tpu.memory_space<vmem_shared>>
      %dma_wait3A_675 = arith.constant 0 : i32
      %dma_wait3A_676 = tpu.memref_slice %arg12[%add3A_508, %dma_wait3A_675] : memref<10240x64xf32, #tpu.memory_space<vmem_shared>> -> memref<128x64xf32, #tpu.memory_space<vmem_shared>>
      tpu.wait_dma2 semaphore(%run_scoped3A_668 : memref<!tpu.dma_semaphore, #tpu.memory_space<semaphore_mem>>) src(%arg8 : memref<128x64xf32, #tpu.memory_space<vmem>>) dst(%dma_wait3A_676 : memref<128x64xf32, #tpu.memory_space<vmem_shared>>)
      tpu.yield
    }) : () -> ()
    %run_scoped3A_509 = arith.constant 1 : i32
    "tpu.region"() ({
      %run_scoped3A_668 = tpu.sem_alloc : memref<!tpu.dma_semaphore, #tpu.memory_space<semaphore_mem>>
      %dma_start3A_669 = arith.constant 0 : i32
      %dma_start3A_670 = arith.constant 0 : i32
      %dma_start3A_671 = tpu.memref_slice %arg2[%run_scoped3A_509, %arg1, %dma_start3A_669, %dma_start3A_670] : memref<2x16x640x64xf32, #tpu.memory_space<hbm>> -> memref<1x1x128x64xf32, #tpu.memory_space<hbm>>
      %dma_start3A_672 = tpu.memref_squeeze %dma_start3A_671 : memref<1x1x128x64xf32, #tpu.memory_space<hbm>> -> memref<128x64xf32, #tpu.memory_space<hbm>>
      %dma_start3A_673 = arith.constant 0 : i32
      %dma_start3A_674 = arith.constant 0 : i32
      %dma_start3A_675 = tpu.memref_slice %arg2[%run_scoped3A_509, %arg1, %dma_start3A_673, %dma_start3A_674] : memref<2x16x640x64xf32, #tpu.memory_space<hbm>> -> memref<1x1x128x64xf32, #tpu.memory_space<hbm>>
      %dma_start3A_676 = tpu.memref_squeeze %dma_start3A_675 : memref<1x1x128x64xf32, #tpu.memory_space<hbm>> -> memref<128x64xf32, #tpu.memory_space<hbm>>
      tpu.enqueue_dma source(%dma_start3A_676 : memref<128x64xf32, #tpu.memory_space<hbm>>) target(%arg9 : memref<128x64xf32, #tpu.memory_space<vmem>>) target_semaphore(%run_scoped3A_668 : memref<!tpu.dma_semaphore, #tpu.memory_space<semaphore_mem>>)
      %dma_wait3A_677 = arith.constant 0 : i32
      %dma_wait3A_678 = arith.constant 0 : i32
      %dma_wait3A_679 = tpu.memref_slice %arg2[%run_scoped3A_509, %arg1, %dma_wait3A_677, %dma_wait3A_678] : memref<2x16x640x64xf32, #tpu.memory_space<hbm>> -> memref<1x1x128x64xf32, #tpu.memory_space<hbm>>
      %dma_wait3A_680 = tpu.memref_squeeze %dma_wait3A_679 : memref<1x1x128x64xf32, #tpu.memory_space<hbm>> -> memref<128x64xf32, #tpu.memory_space<hbm>>
      %dma_wait3A_681 = arith.constant 0 : i32
      %dma_wait3A_682 = arith.constant 0 : i32
      %dma_wait3A_683 = tpu.memref_slice %arg2[%run_scoped3A_509, %arg1, %dma_wait3A_681, %dma_wait3A_682] : memref<2x16x640x64xf32, #tpu.memory_space<hbm>> -> memref<1x1x128x64xf32, #tpu.memory_space<hbm>>
      %dma_wait3A_684 = tpu.memref_squeeze %dma_wait3A_683 : memref<1x1x128x64xf32, #tpu.memory_space<hbm>> -> memref<128x64xf32, #tpu.memory_space<hbm>>
      tpu.wait_dma2 semaphore(%run_scoped3A_668 : memref<!tpu.dma_semaphore, #tpu.memory_space<semaphore_mem>>) src(%dma_wait3A_684 : memref<128x64xf32, #tpu.memory_space<hbm>>) dst(%arg9 : memref<128x64xf32, #tpu.memory_space<vmem>>)
      tpu.yield
    }) : () -> ()
    %dma_start3A_510 = arith.constant 0 : i32
    %dma_start3A_511 = arith.constant 0 : i32
    %dma_start3A_512 = tpu.memref_slice %arg11[%dma_start3A_510, %dma_start3A_511] : memref<5x128xi32, #tpu.memory_space<vmem>> -> memref<1x128xi32, #tpu.memory_space<vmem>>
    %dma_start3A_513 = tpu.memref_squeeze %dma_start3A_512 : memref<1x128xi32, #tpu.memory_space<vmem>> -> memref<128xi32, #tpu.memory_space<vmem>>
    %dma_start3A_514 = arith.constant 0 : i32
    %dma_start3A_515 = arith.constant 0 : i32
    %dma_start3A_516 = tpu.memref_slice %arg12[%dma_start3A_514, %dma_start3A_515] : memref<10240x64xf32, #tpu.memory_space<vmem_shared>> -> memref<10240x64xf32, #tpu.memory_space<vmem_shared>>
    tpu.enqueue_indirect_dma source(%arg9 : memref<128x64xf32, #tpu.memory_space<vmem>>) target(%dma_start3A_516 : memref<10240x64xf32, #tpu.memory_space<vmem_shared>>) offsets(%dma_start3A_513 : memref<128xi32, #tpu.memory_space<vmem>>) semaphore(%arg17 : memref<!tpu.dma_semaphore, #tpu.memory_space<semaphore_mem>>) {add = true}
    %dma_wait3A = arith.constant 0 : i32
    %dma_wait3A_517 = arith.constant 0 : i32
    %dma_wait3A_518 = arith.constant 0 : i32
    %dma_wait3A_519 = arith.constant 0 : i32
    %dma_wait3A_520 = tpu.memref_slice %arg2[%dma_wait3A, %dma_wait3A_517, %dma_wait3A_518, %dma_wait3A_519] : memref<2x16x640x64xf32, #tpu.memory_space<hbm>> -> memref<1x1x128x64xf32, #tpu.memory_space<hbm>>
    %dma_wait3A_521 = tpu.memref_squeeze %dma_wait3A_520 : memref<1x1x128x64xf32, #tpu.memory_space<hbm>> -> memref<128x64xf32, #tpu.memory_space<hbm>>
    %dma_wait3A_522 = arith.constant 0 : i32
    %dma_wait3A_523 = arith.constant 0 : i32
    %dma_wait3A_524 = tpu.memref_slice %arg2[%dma_wait3A, %dma_wait3A_517, %dma_wait3A_522, %dma_wait3A_523] : memref<2x16x640x64xf32, #tpu.memory_space<hbm>> -> memref<1x1x128x64xf32, #tpu.memory_space<hbm>>
    %dma_wait3A_525 = tpu.memref_squeeze %dma_wait3A_524 : memref<1x1x128x64xf32, #tpu.memory_space<hbm>> -> memref<128x64xf32, #tpu.memory_space<hbm>>
    tpu.wait_dma2 semaphore(%arg17 : memref<!tpu.dma_semaphore, #tpu.memory_space<semaphore_mem>>) src(%dma_wait3A_525 : memref<128x64xf32, #tpu.memory_space<hbm>>) dst(%arg9 : memref<128x64xf32, #tpu.memory_space<vmem>>)
    %run_scoped3A_526 = arith.constant 1 : i32
    "tpu.region"() ({
      %run_scoped3A_668 = tpu.sem_alloc : memref<!tpu.dma_semaphore, #tpu.memory_space<semaphore_mem>>
      %dma_start3A_669 = arith.constant 128 : i32
      %dma_start3A_670 = arith.constant 0 : i32
      %dma_start3A_671 = tpu.memref_slice %arg2[%run_scoped3A_526, %arg1, %dma_start3A_669, %dma_start3A_670] : memref<2x16x640x64xf32, #tpu.memory_space<hbm>> -> memref<1x1x128x64xf32, #tpu.memory_space<hbm>>
      %dma_start3A_672 = tpu.memref_squeeze %dma_start3A_671 : memref<1x1x128x64xf32, #tpu.memory_space<hbm>> -> memref<128x64xf32, #tpu.memory_space<hbm>>
      %dma_start3A_673 = arith.constant 128 : i32
      %dma_start3A_674 = arith.constant 0 : i32
      %dma_start3A_675 = tpu.memref_slice %arg2[%run_scoped3A_526, %arg1, %dma_start3A_673, %dma_start3A_674] : memref<2x16x640x64xf32, #tpu.memory_space<hbm>> -> memref<1x1x128x64xf32, #tpu.memory_space<hbm>>
      %dma_start3A_676 = tpu.memref_squeeze %dma_start3A_675 : memref<1x1x128x64xf32, #tpu.memory_space<hbm>> -> memref<128x64xf32, #tpu.memory_space<hbm>>
      tpu.enqueue_dma source(%dma_start3A_676 : memref<128x64xf32, #tpu.memory_space<hbm>>) target(%arg9 : memref<128x64xf32, #tpu.memory_space<vmem>>) target_semaphore(%run_scoped3A_668 : memref<!tpu.dma_semaphore, #tpu.memory_space<semaphore_mem>>)
      %dma_wait3A_677 = arith.constant 128 : i32
      %dma_wait3A_678 = arith.constant 0 : i32
      %dma_wait3A_679 = tpu.memref_slice %arg2[%run_scoped3A_526, %arg1, %dma_wait3A_677, %dma_wait3A_678] : memref<2x16x640x64xf32, #tpu.memory_space<hbm>> -> memref<1x1x128x64xf32, #tpu.memory_space<hbm>>
      %dma_wait3A_680 = tpu.memref_squeeze %dma_wait3A_679 : memref<1x1x128x64xf32, #tpu.memory_space<hbm>> -> memref<128x64xf32, #tpu.memory_space<hbm>>
      %dma_wait3A_681 = arith.constant 128 : i32
      %dma_wait3A_682 = arith.constant 0 : i32
      %dma_wait3A_683 = tpu.memref_slice %arg2[%run_scoped3A_526, %arg1, %dma_wait3A_681, %dma_wait3A_682] : memref<2x16x640x64xf32, #tpu.memory_space<hbm>> -> memref<1x1x128x64xf32, #tpu.memory_space<hbm>>
      %dma_wait3A_684 = tpu.memref_squeeze %dma_wait3A_683 : memref<1x1x128x64xf32, #tpu.memory_space<hbm>> -> memref<128x64xf32, #tpu.memory_space<hbm>>
      tpu.wait_dma2 semaphore(%run_scoped3A_668 : memref<!tpu.dma_semaphore, #tpu.memory_space<semaphore_mem>>) src(%dma_wait3A_684 : memref<128x64xf32, #tpu.memory_space<hbm>>) dst(%arg9 : memref<128x64xf32, #tpu.memory_space<vmem>>)
      tpu.yield
    }) : () -> ()
    %dma_start3A_527 = arith.constant 1 : i32
    %dma_start3A_528 = arith.constant 0 : i32
    %dma_start3A_529 = tpu.memref_slice %arg11[%dma_start3A_527, %dma_start3A_528] : memref<5x128xi32, #tpu.memory_space<vmem>> -> memref<1x128xi32, #tpu.memory_space<vmem>>
    %dma_start3A_530 = tpu.memref_squeeze %dma_start3A_529 : memref<1x128xi32, #tpu.memory_space<vmem>> -> memref<128xi32, #tpu.memory_space<vmem>>
    %dma_start3A_531 = arith.constant 0 : i32
    %dma_start3A_532 = arith.constant 0 : i32
    %dma_start3A_533 = tpu.memref_slice %arg12[%dma_start3A_531, %dma_start3A_532] : memref<10240x64xf32, #tpu.memory_space<vmem_shared>> -> memref<10240x64xf32, #tpu.memory_space<vmem_shared>>
    tpu.enqueue_indirect_dma source(%arg9 : memref<128x64xf32, #tpu.memory_space<vmem>>) target(%dma_start3A_533 : memref<10240x64xf32, #tpu.memory_space<vmem_shared>>) offsets(%dma_start3A_530 : memref<128xi32, #tpu.memory_space<vmem>>) semaphore(%arg17 : memref<!tpu.dma_semaphore, #tpu.memory_space<semaphore_mem>>) {add = true}
    %dma_wait3A_534 = arith.constant 0 : i32
    %dma_wait3A_535 = arith.constant 0 : i32
    %dma_wait3A_536 = arith.constant 0 : i32
    %dma_wait3A_537 = arith.constant 0 : i32
    %dma_wait3A_538 = tpu.memref_slice %arg2[%dma_wait3A_534, %dma_wait3A_535, %dma_wait3A_536, %dma_wait3A_537] : memref<2x16x640x64xf32, #tpu.memory_space<hbm>> -> memref<1x1x128x64xf32, #tpu.memory_space<hbm>>
    %dma_wait3A_539 = tpu.memref_squeeze %dma_wait3A_538 : memref<1x1x128x64xf32, #tpu.memory_space<hbm>> -> memref<128x64xf32, #tpu.memory_space<hbm>>
    %dma_wait3A_540 = arith.constant 0 : i32
    %dma_wait3A_541 = arith.constant 0 : i32
    %dma_wait3A_542 = tpu.memref_slice %arg2[%dma_wait3A_534, %dma_wait3A_535, %dma_wait3A_540, %dma_wait3A_541] : memref<2x16x640x64xf32, #tpu.memory_space<hbm>> -> memref<1x1x128x64xf32, #tpu.memory_space<hbm>>
    %dma_wait3A_543 = tpu.memref_squeeze %dma_wait3A_542 : memref<1x1x128x64xf32, #tpu.memory_space<hbm>> -> memref<128x64xf32, #tpu.memory_space<hbm>>
    tpu.wait_dma2 semaphore(%arg17 : memref<!tpu.dma_semaphore, #tpu.memory_space<semaphore_mem>>) src(%dma_wait3A_543 : memref<128x64xf32, #tpu.memory_space<hbm>>) dst(%arg9 : memref<128x64xf32, #tpu.memory_space<vmem>>)
    %run_scoped3A_544 = arith.constant 1 : i32
    "tpu.region"() ({
      %run_scoped3A_668 = tpu.sem_alloc : memref<!tpu.dma_semaphore, #tpu.memory_space<semaphore_mem>>
      %dma_start3A_669 = arith.constant 256 : i32
      %dma_start3A_670 = arith.constant 0 : i32
      %dma_start3A_671 = tpu.memref_slice %arg2[%run_scoped3A_544, %arg1, %dma_start3A_669, %dma_start3A_670] : memref<2x16x640x64xf32, #tpu.memory_space<hbm>> -> memref<1x1x128x64xf32, #tpu.memory_space<hbm>>
      %dma_start3A_672 = tpu.memref_squeeze %dma_start3A_671 : memref<1x1x128x64xf32, #tpu.memory_space<hbm>> -> memref<128x64xf32, #tpu.memory_space<hbm>>
      %dma_start3A_673 = arith.constant 256 : i32
      %dma_start3A_674 = arith.constant 0 : i32
      %dma_start3A_675 = tpu.memref_slice %arg2[%run_scoped3A_544, %arg1, %dma_start3A_673, %dma_start3A_674] : memref<2x16x640x64xf32, #tpu.memory_space<hbm>> -> memref<1x1x128x64xf32, #tpu.memory_space<hbm>>
      %dma_start3A_676 = tpu.memref_squeeze %dma_start3A_675 : memref<1x1x128x64xf32, #tpu.memory_space<hbm>> -> memref<128x64xf32, #tpu.memory_space<hbm>>
      tpu.enqueue_dma source(%dma_start3A_676 : memref<128x64xf32, #tpu.memory_space<hbm>>) target(%arg9 : memref<128x64xf32, #tpu.memory_space<vmem>>) target_semaphore(%run_scoped3A_668 : memref<!tpu.dma_semaphore, #tpu.memory_space<semaphore_mem>>)
      %dma_wait3A_677 = arith.constant 256 : i32
      %dma_wait3A_678 = arith.constant 0 : i32
      %dma_wait3A_679 = tpu.memref_slice %arg2[%run_scoped3A_544, %arg1, %dma_wait3A_677, %dma_wait3A_678] : memref<2x16x640x64xf32, #tpu.memory_space<hbm>> -> memref<1x1x128x64xf32, #tpu.memory_space<hbm>>
      %dma_wait3A_680 = tpu.memref_squeeze %dma_wait3A_679 : memref<1x1x128x64xf32, #tpu.memory_space<hbm>> -> memref<128x64xf32, #tpu.memory_space<hbm>>
      %dma_wait3A_681 = arith.constant 256 : i32
      %dma_wait3A_682 = arith.constant 0 : i32
      %dma_wait3A_683 = tpu.memref_slice %arg2[%run_scoped3A_544, %arg1, %dma_wait3A_681, %dma_wait3A_682] : memref<2x16x640x64xf32, #tpu.memory_space<hbm>> -> memref<1x1x128x64xf32, #tpu.memory_space<hbm>>
      %dma_wait3A_684 = tpu.memref_squeeze %dma_wait3A_683 : memref<1x1x128x64xf32, #tpu.memory_space<hbm>> -> memref<128x64xf32, #tpu.memory_space<hbm>>
      tpu.wait_dma2 semaphore(%run_scoped3A_668 : memref<!tpu.dma_semaphore, #tpu.memory_space<semaphore_mem>>) src(%dma_wait3A_684 : memref<128x64xf32, #tpu.memory_space<hbm>>) dst(%arg9 : memref<128x64xf32, #tpu.memory_space<vmem>>)
      tpu.yield
    }) : () -> ()
    %dma_start3A_545 = arith.constant 2 : i32
    %dma_start3A_546 = arith.constant 0 : i32
    %dma_start3A_547 = tpu.memref_slice %arg11[%dma_start3A_545, %dma_start3A_546] : memref<5x128xi32, #tpu.memory_space<vmem>> -> memref<1x128xi32, #tpu.memory_space<vmem>>
    %dma_start3A_548 = tpu.memref_squeeze %dma_start3A_547 : memref<1x128xi32, #tpu.memory_space<vmem>> -> memref<128xi32, #tpu.memory_space<vmem>>
    %dma_start3A_549 = arith.constant 0 : i32
    %dma_start3A_550 = arith.constant 0 : i32
    %dma_start3A_551 = tpu.memref_slice %arg12[%dma_start3A_549, %dma_start3A_550] : memref<10240x64xf32, #tpu.memory_space<vmem_shared>> -> memref<10240x64xf32, #tpu.memory_space<vmem_shared>>
    tpu.enqueue_indirect_dma source(%arg9 : memref<128x64xf32, #tpu.memory_space<vmem>>) target(%dma_start3A_551 : memref<10240x64xf32, #tpu.memory_space<vmem_shared>>) offsets(%dma_start3A_548 : memref<128xi32, #tpu.memory_space<vmem>>) semaphore(%arg17 : memref<!tpu.dma_semaphore, #tpu.memory_space<semaphore_mem>>) {add = true}
    %dma_wait3A_552 = arith.constant 0 : i32
    %dma_wait3A_553 = arith.constant 0 : i32
    %dma_wait3A_554 = arith.constant 0 : i32
    %dma_wait3A_555 = arith.constant 0 : i32
    %dma_wait3A_556 = tpu.memref_slice %arg2[%dma_wait3A_552, %dma_wait3A_553, %dma_wait3A_554, %dma_wait3A_555] : memref<2x16x640x64xf32, #tpu.memory_space<hbm>> -> memref<1x1x128x64xf32, #tpu.memory_space<hbm>>
    %dma_wait3A_557 = tpu.memref_squeeze %dma_wait3A_556 : memref<1x1x128x64xf32, #tpu.memory_space<hbm>> -> memref<128x64xf32, #tpu.memory_space<hbm>>
    %dma_wait3A_558 = arith.constant 0 : i32
    %dma_wait3A_559 = arith.constant 0 : i32
    %dma_wait3A_560 = tpu.memref_slice %arg2[%dma_wait3A_552, %dma_wait3A_553, %dma_wait3A_558, %dma_wait3A_559] : memref<2x16x640x64xf32, #tpu.memory_space<hbm>> -> memref<1x1x128x64xf32, #tpu.memory_space<hbm>>
    %dma_wait3A_561 = tpu.memref_squeeze %dma_wait3A_560 : memref<1x1x128x64xf32, #tpu.memory_space<hbm>> -> memref<128x64xf32, #tpu.memory_space<hbm>>
    tpu.wait_dma2 semaphore(%arg17 : memref<!tpu.dma_semaphore, #tpu.memory_space<semaphore_mem>>) src(%dma_wait3A_561 : memref<128x64xf32, #tpu.memory_space<hbm>>) dst(%arg9 : memref<128x64xf32, #tpu.memory_space<vmem>>)
    %run_scoped3A_562 = arith.constant 1 : i32
    "tpu.region"() ({
      %run_scoped3A_668 = tpu.sem_alloc : memref<!tpu.dma_semaphore, #tpu.memory_space<semaphore_mem>>
      %dma_start3A_669 = arith.constant 384 : i32
      %dma_start3A_670 = arith.constant 0 : i32
      %dma_start3A_671 = tpu.memref_slice %arg2[%run_scoped3A_562, %arg1, %dma_start3A_669, %dma_start3A_670] : memref<2x16x640x64xf32, #tpu.memory_space<hbm>> -> memref<1x1x128x64xf32, #tpu.memory_space<hbm>>
      %dma_start3A_672 = tpu.memref_squeeze %dma_start3A_671 : memref<1x1x128x64xf32, #tpu.memory_space<hbm>> -> memref<128x64xf32, #tpu.memory_space<hbm>>
      %dma_start3A_673 = arith.constant 384 : i32
      %dma_start3A_674 = arith.constant 0 : i32
      %dma_start3A_675 = tpu.memref_slice %arg2[%run_scoped3A_562, %arg1, %dma_start3A_673, %dma_start3A_674] : memref<2x16x640x64xf32, #tpu.memory_space<hbm>> -> memref<1x1x128x64xf32, #tpu.memory_space<hbm>>
      %dma_start3A_676 = tpu.memref_squeeze %dma_start3A_675 : memref<1x1x128x64xf32, #tpu.memory_space<hbm>> -> memref<128x64xf32, #tpu.memory_space<hbm>>
      tpu.enqueue_dma source(%dma_start3A_676 : memref<128x64xf32, #tpu.memory_space<hbm>>) target(%arg9 : memref<128x64xf32, #tpu.memory_space<vmem>>) target_semaphore(%run_scoped3A_668 : memref<!tpu.dma_semaphore, #tpu.memory_space<semaphore_mem>>)
      %dma_wait3A_677 = arith.constant 384 : i32
      %dma_wait3A_678 = arith.constant 0 : i32
      %dma_wait3A_679 = tpu.memref_slice %arg2[%run_scoped3A_562, %arg1, %dma_wait3A_677, %dma_wait3A_678] : memref<2x16x640x64xf32, #tpu.memory_space<hbm>> -> memref<1x1x128x64xf32, #tpu.memory_space<hbm>>
      %dma_wait3A_680 = tpu.memref_squeeze %dma_wait3A_679 : memref<1x1x128x64xf32, #tpu.memory_space<hbm>> -> memref<128x64xf32, #tpu.memory_space<hbm>>
      %dma_wait3A_681 = arith.constant 384 : i32
      %dma_wait3A_682 = arith.constant 0 : i32
      %dma_wait3A_683 = tpu.memref_slice %arg2[%run_scoped3A_562, %arg1, %dma_wait3A_681, %dma_wait3A_682] : memref<2x16x640x64xf32, #tpu.memory_space<hbm>> -> memref<1x1x128x64xf32, #tpu.memory_space<hbm>>
      %dma_wait3A_684 = tpu.memref_squeeze %dma_wait3A_683 : memref<1x1x128x64xf32, #tpu.memory_space<hbm>> -> memref<128x64xf32, #tpu.memory_space<hbm>>
      tpu.wait_dma2 semaphore(%run_scoped3A_668 : memref<!tpu.dma_semaphore, #tpu.memory_space<semaphore_mem>>) src(%dma_wait3A_684 : memref<128x64xf32, #tpu.memory_space<hbm>>) dst(%arg9 : memref<128x64xf32, #tpu.memory_space<vmem>>)
      tpu.yield
    }) : () -> ()
    %dma_start3A_563 = arith.constant 3 : i32
    %dma_start3A_564 = arith.constant 0 : i32
    %dma_start3A_565 = tpu.memref_slice %arg11[%dma_start3A_563, %dma_start3A_564] : memref<5x128xi32, #tpu.memory_space<vmem>> -> memref<1x128xi32, #tpu.memory_space<vmem>>
    %dma_start3A_566 = tpu.memref_squeeze %dma_start3A_565 : memref<1x128xi32, #tpu.memory_space<vmem>> -> memref<128xi32, #tpu.memory_space<vmem>>
    %dma_start3A_567 = arith.constant 0 : i32
    %dma_start3A_568 = arith.constant 0 : i32
    %dma_start3A_569 = tpu.memref_slice %arg12[%dma_start3A_567, %dma_start3A_568] : memref<10240x64xf32, #tpu.memory_space<vmem_shared>> -> memref<10240x64xf32, #tpu.memory_space<vmem_shared>>
    tpu.enqueue_indirect_dma source(%arg9 : memref<128x64xf32, #tpu.memory_space<vmem>>) target(%dma_start3A_569 : memref<10240x64xf32, #tpu.memory_space<vmem_shared>>) offsets(%dma_start3A_566 : memref<128xi32, #tpu.memory_space<vmem>>) semaphore(%arg17 : memref<!tpu.dma_semaphore, #tpu.memory_space<semaphore_mem>>) {add = true}
    %dma_wait3A_570 = arith.constant 0 : i32
    %dma_wait3A_571 = arith.constant 0 : i32
    %dma_wait3A_572 = arith.constant 0 : i32
    %dma_wait3A_573 = arith.constant 0 : i32
    %dma_wait3A_574 = tpu.memref_slice %arg2[%dma_wait3A_570, %dma_wait3A_571, %dma_wait3A_572, %dma_wait3A_573] : memref<2x16x640x64xf32, #tpu.memory_space<hbm>> -> memref<1x1x128x64xf32, #tpu.memory_space<hbm>>
    %dma_wait3A_575 = tpu.memref_squeeze %dma_wait3A_574 : memref<1x1x128x64xf32, #tpu.memory_space<hbm>> -> memref<128x64xf32, #tpu.memory_space<hbm>>
    %dma_wait3A_576 = arith.constant 0 : i32
    %dma_wait3A_577 = arith.constant 0 : i32
    %dma_wait3A_578 = tpu.memref_slice %arg2[%dma_wait3A_570, %dma_wait3A_571, %dma_wait3A_576, %dma_wait3A_577] : memref<2x16x640x64xf32, #tpu.memory_space<hbm>> -> memref<1x1x128x64xf32, #tpu.memory_space<hbm>>
    %dma_wait3A_579 = tpu.memref_squeeze %dma_wait3A_578 : memref<1x1x128x64xf32, #tpu.memory_space<hbm>> -> memref<128x64xf32, #tpu.memory_space<hbm>>
    tpu.wait_dma2 semaphore(%arg17 : memref<!tpu.dma_semaphore, #tpu.memory_space<semaphore_mem>>) src(%dma_wait3A_579 : memref<128x64xf32, #tpu.memory_space<hbm>>) dst(%arg9 : memref<128x64xf32, #tpu.memory_space<vmem>>)
    %run_scoped3A_580 = arith.constant 1 : i32
    "tpu.region"() ({
      %run_scoped3A_668 = tpu.sem_alloc : memref<!tpu.dma_semaphore, #tpu.memory_space<semaphore_mem>>
      %dma_start3A_669 = arith.constant 512 : i32
      %dma_start3A_670 = arith.constant 0 : i32
      %dma_start3A_671 = tpu.memref_slice %arg2[%run_scoped3A_580, %arg1, %dma_start3A_669, %dma_start3A_670] : memref<2x16x640x64xf32, #tpu.memory_space<hbm>> -> memref<1x1x128x64xf32, #tpu.memory_space<hbm>>
      %dma_start3A_672 = tpu.memref_squeeze %dma_start3A_671 : memref<1x1x128x64xf32, #tpu.memory_space<hbm>> -> memref<128x64xf32, #tpu.memory_space<hbm>>
      %dma_start3A_673 = arith.constant 512 : i32
      %dma_start3A_674 = arith.constant 0 : i32
      %dma_start3A_675 = tpu.memref_slice %arg2[%run_scoped3A_580, %arg1, %dma_start3A_673, %dma_start3A_674] : memref<2x16x640x64xf32, #tpu.memory_space<hbm>> -> memref<1x1x128x64xf32, #tpu.memory_space<hbm>>
      %dma_start3A_676 = tpu.memref_squeeze %dma_start3A_675 : memref<1x1x128x64xf32, #tpu.memory_space<hbm>> -> memref<128x64xf32, #tpu.memory_space<hbm>>
      tpu.enqueue_dma source(%dma_start3A_676 : memref<128x64xf32, #tpu.memory_space<hbm>>) target(%arg9 : memref<128x64xf32, #tpu.memory_space<vmem>>) target_semaphore(%run_scoped3A_668 : memref<!tpu.dma_semaphore, #tpu.memory_space<semaphore_mem>>)
      %dma_wait3A_677 = arith.constant 512 : i32
      %dma_wait3A_678 = arith.constant 0 : i32
      %dma_wait3A_679 = tpu.memref_slice %arg2[%run_scoped3A_580, %arg1, %dma_wait3A_677, %dma_wait3A_678] : memref<2x16x640x64xf32, #tpu.memory_space<hbm>> -> memref<1x1x128x64xf32, #tpu.memory_space<hbm>>
      %dma_wait3A_680 = tpu.memref_squeeze %dma_wait3A_679 : memref<1x1x128x64xf32, #tpu.memory_space<hbm>> -> memref<128x64xf32, #tpu.memory_space<hbm>>
      %dma_wait3A_681 = arith.constant 512 : i32
      %dma_wait3A_682 = arith.constant 0 : i32
      %dma_wait3A_683 = tpu.memref_slice %arg2[%run_scoped3A_580, %arg1, %dma_wait3A_681, %dma_wait3A_682] : memref<2x16x640x64xf32, #tpu.memory_space<hbm>> -> memref<1x1x128x64xf32, #tpu.memory_space<hbm>>
      %dma_wait3A_684 = tpu.memref_squeeze %dma_wait3A_683 : memref<1x1x128x64xf32, #tpu.memory_space<hbm>> -> memref<128x64xf32, #tpu.memory_space<hbm>>
      tpu.wait_dma2 semaphore(%run_scoped3A_668 : memref<!tpu.dma_semaphore, #tpu.memory_space<semaphore_mem>>) src(%dma_wait3A_684 : memref<128x64xf32, #tpu.memory_space<hbm>>) dst(%arg9 : memref<128x64xf32, #tpu.memory_space<vmem>>)
      tpu.yield
    }) : () -> ()
    %dma_start3A_581 = arith.constant 4 : i32
    %dma_start3A_582 = arith.constant 0 : i32
    %dma_start3A_583 = tpu.memref_slice %arg11[%dma_start3A_581, %dma_start3A_582] : memref<5x128xi32, #tpu.memory_space<vmem>> -> memref<1x128xi32, #tpu.memory_space<vmem>>
    %dma_start3A_584 = tpu.memref_squeeze %dma_start3A_583 : memref<1x128xi32, #tpu.memory_space<vmem>> -> memref<128xi32, #tpu.memory_space<vmem>>
    %dma_start3A_585 = arith.constant 0 : i32
    %dma_start3A_586 = arith.constant 0 : i32
    %dma_start3A_587 = tpu.memref_slice %arg12[%dma_start3A_585, %dma_start3A_586] : memref<10240x64xf32, #tpu.memory_space<vmem_shared>> -> memref<10240x64xf32, #tpu.memory_space<vmem_shared>>
    tpu.enqueue_indirect_dma source(%arg9 : memref<128x64xf32, #tpu.memory_space<vmem>>) target(%dma_start3A_587 : memref<10240x64xf32, #tpu.memory_space<vmem_shared>>) offsets(%dma_start3A_584 : memref<128xi32, #tpu.memory_space<vmem>>) semaphore(%arg17 : memref<!tpu.dma_semaphore, #tpu.memory_space<semaphore_mem>>) {add = true}
    %dma_wait3A_588 = arith.constant 0 : i32
    %dma_wait3A_589 = arith.constant 0 : i32
    %dma_wait3A_590 = arith.constant 0 : i32
    %dma_wait3A_591 = arith.constant 0 : i32
    %dma_wait3A_592 = tpu.memref_slice %arg2[%dma_wait3A_588, %dma_wait3A_589, %dma_wait3A_590, %dma_wait3A_591] : memref<2x16x640x64xf32, #tpu.memory_space<hbm>> -> memref<1x1x128x64xf32, #tpu.memory_space<hbm>>
    %dma_wait3A_593 = tpu.memref_squeeze %dma_wait3A_592 : memref<1x1x128x64xf32, #tpu.memory_space<hbm>> -> memref<128x64xf32, #tpu.memory_space<hbm>>
    %dma_wait3A_594 = arith.constant 0 : i32
    %dma_wait3A_595 = arith.constant 0 : i32
    %dma_wait3A_596 = tpu.memref_slice %arg2[%dma_wait3A_588, %dma_wait3A_589, %dma_wait3A_594, %dma_wait3A_595] : memref<2x16x640x64xf32, #tpu.memory_space<hbm>> -> memref<1x1x128x64xf32, #tpu.memory_space<hbm>>
    %dma_wait3A_597 = tpu.memref_squeeze %dma_wait3A_596 : memref<1x1x128x64xf32, #tpu.memory_space<hbm>> -> memref<128x64xf32, #tpu.memory_space<hbm>>
    tpu.wait_dma2 semaphore(%arg17 : memref<!tpu.dma_semaphore, #tpu.memory_space<semaphore_mem>>) src(%dma_wait3A_597 : memref<128x64xf32, #tpu.memory_space<hbm>>) dst(%arg9 : memref<128x64xf32, #tpu.memory_space<vmem>>)
    %broadcast_in_dim3A = arith.constant 0.000000e+00 : f32
    %broadcast_in_dim3A_598 = vector.broadcast %broadcast_in_dim3A : f32 to vector<16xf32>
    %scan3A = arith.constant 0 : i32
    %scan3A_599 = arith.constant 0 : i32
    %scan3A_600 = arith.constant 128 : i32
    %scan3A_601 = arith.addi %scan3A_599, %scan3A_600 : i32
    %scan3A_602 = arith.constant 1 : i32
    scf.for %scan3A_668 = %scan3A_599 to %scan3A_601 step %scan3A_602  : i32 {
      %swap3A_669 = arith.index_cast %scan3A_668 : i32 to index
      %swap3A_670 = arith.constant 0 : index
      %swap3A_671 = tpu.vector_load %arg8[%swap3A_669, %swap3A_670] {strides = array<i32>} : memref<128x64xf32, #tpu.memory_space<vmem>>, vector<1x16xf32>,
      %swap3A_672 = vector.shape_cast %swap3A_671 : vector<1x16xf32> to vector<16xf32>
      %swap3A_673 = vector.shape_cast %broadcast_in_dim3A_598 : vector<16xf32> to vector<1x16xf32>
      tpu.vector_store %arg8[%swap3A_669, %swap3A_670], %swap3A_673 {strides = array<i32>} : memref<128x64xf32, #tpu.memory_space<vmem>>, vector<1x16xf32>,
      %swap3A_674 = arith.index_cast %scan3A_668 : i32 to index
      %swap3A_675 = arith.constant 16 : index
      %swap3A_676 = tpu.vector_load %arg8[%swap3A_674, %swap3A_675] {strides = array<i32>} : memref<128x64xf32, #tpu.memory_space<vmem>>, vector<1x16xf32>,
      %swap3A_677 = vector.shape_cast %swap3A_676 : vector<1x16xf32> to vector<16xf32>
      %swap3A_678 = vector.shape_cast %broadcast_in_dim3A_598 : vector<16xf32> to vector<1x16xf32>
      tpu.vector_store %arg8[%swap3A_674, %swap3A_675], %swap3A_678 {strides = array<i32>} : memref<128x64xf32, #tpu.memory_space<vmem>>, vector<1x16xf32>,
      %swap3A_679 = arith.index_cast %scan3A_668 : i32 to index
      %swap3A_680 = arith.constant 32 : index
      %swap3A_681 = tpu.vector_load %arg8[%swap3A_679, %swap3A_680] {strides = array<i32>} : memref<128x64xf32, #tpu.memory_space<vmem>>, vector<1x16xf32>,
      %swap3A_682 = vector.shape_cast %swap3A_681 : vector<1x16xf32> to vector<16xf32>
      %swap3A_683 = vector.shape_cast %broadcast_in_dim3A_598 : vector<16xf32> to vector<1x16xf32>
      tpu.vector_store %arg8[%swap3A_679, %swap3A_680], %swap3A_683 {strides = array<i32>} : memref<128x64xf32, #tpu.memory_space<vmem>>, vector<1x16xf32>,
      %swap3A_684 = arith.index_cast %scan3A_668 : i32 to index
      %swap3A_685 = arith.constant 48 : index
      %swap3A_686 = tpu.vector_load %arg8[%swap3A_684, %swap3A_685] {strides = array<i32>} : memref<128x64xf32, #tpu.memory_space<vmem>>, vector<1x16xf32>,
      %swap3A_687 = vector.shape_cast %swap3A_686 : vector<1x16xf32> to vector<16xf32>
      %swap3A_688 = vector.shape_cast %broadcast_in_dim3A_598 : vector<16xf32> to vector<1x16xf32>
      tpu.vector_store %arg8[%swap3A_684, %swap3A_685], %swap3A_688 {strides = array<i32>} : memref<128x64xf32, #tpu.memory_space<vmem>>, vector<1x16xf32>,
    }
    %scan3A_603 = arith.constant 128 : i32
    %add3A_604 = arith.constant 0 : i32
    %add3A_605 = arith.addi %mul3A_2, %add3A_604 : i32
    "tpu.region"() ({
      %run_scoped3A_668 = tpu.sem_alloc : memref<!tpu.dma_semaphore, #tpu.memory_space<semaphore_mem>>
      %dma_start3A_669 = arith.constant 0 : i32
      %dma_start3A_670 = tpu.memref_slice %arg13[%add3A_605, %dma_start3A_669] : memref<10240x64xf32, #tpu.memory_space<vmem_shared>> -> memref<128x64xf32, #tpu.memory_space<vmem_shared>>
      %dma_start3A_671 = arith.constant 0 : i32
      %dma_start3A_672 = tpu.memref_slice %arg13[%add3A_605, %dma_start3A_671] : memref<10240x64xf32, #tpu.memory_space<vmem_shared>> -> memref<128x64xf32, #tpu.memory_space<vmem_shared>>
      tpu.enqueue_dma source(%arg8 : memref<128x64xf32, #tpu.memory_space<vmem>>) target(%dma_start3A_672 : memref<128x64xf32, #tpu.memory_space<vmem_shared>>) target_semaphore(%run_scoped3A_668 : memref<!tpu.dma_semaphore, #tpu.memory_space<semaphore_mem>>)
      %dma_wait3A_673 = arith.constant 0 : i32
      %dma_wait3A_674 = tpu.memref_slice %arg13[%add3A_605, %dma_wait3A_673] : memref<10240x64xf32, #tpu.memory_space<vmem_shared>> -> memref<128x64xf32, #tpu.memory_space<vmem_shared>>
      %dma_wait3A_675 = arith.constant 0 : i32
      %dma_wait3A_676 = tpu.memref_slice %arg13[%add3A_605, %dma_wait3A_675] : memref<10240x64xf32, #tpu.memory_space<vmem_shared>> -> memref<128x64xf32, #tpu.memory_space<vmem_shared>>
      tpu.wait_dma2 semaphore(%run_scoped3A_668 : memref<!tpu.dma_semaphore, #tpu.memory_space<semaphore_mem>>) src(%arg8 : memref<128x64xf32, #tpu.memory_space<vmem>>) dst(%dma_wait3A_676 : memref<128x64xf32, #tpu.memory_space<vmem_shared>>)
      tpu.yield
    }) : () -> ()
    %add3A_606 = arith.constant 128 : i32
    %add3A_607 = arith.addi %mul3A_2, %add3A_606 : i32
    "tpu.region"() ({
      %run_scoped3A_668 = tpu.sem_alloc : memref<!tpu.dma_semaphore, #tpu.memory_space<semaphore_mem>>
      %dma_start3A_669 = arith.constant 0 : i32
      %dma_start3A_670 = tpu.memref_slice %arg13[%add3A_607, %dma_start3A_669] : memref<10240x64xf32, #tpu.memory_space<vmem_shared>> -> memref<128x64xf32, #tpu.memory_space<vmem_shared>>
      %dma_start3A_671 = arith.constant 0 : i32
      %dma_start3A_672 = tpu.memref_slice %arg13[%add3A_607, %dma_start3A_671] : memref<10240x64xf32, #tpu.memory_space<vmem_shared>> -> memref<128x64xf32, #tpu.memory_space<vmem_shared>>
      tpu.enqueue_dma source(%arg8 : memref<128x64xf32, #tpu.memory_space<vmem>>) target(%dma_start3A_672 : memref<128x64xf32, #tpu.memory_space<vmem_shared>>) target_semaphore(%run_scoped3A_668 : memref<!tpu.dma_semaphore, #tpu.memory_space<semaphore_mem>>)
      %dma_wait3A_673 = arith.constant 0 : i32
      %dma_wait3A_674 = tpu.memref_slice %arg13[%add3A_607, %dma_wait3A_673] : memref<10240x64xf32, #tpu.memory_space<vmem_shared>> -> memref<128x64xf32, #tpu.memory_space<vmem_shared>>
      %dma_wait3A_675 = arith.constant 0 : i32
      %dma_wait3A_676 = tpu.memref_slice %arg13[%add3A_607, %dma_wait3A_675] : memref<10240x64xf32, #tpu.memory_space<vmem_shared>> -> memref<128x64xf32, #tpu.memory_space<vmem_shared>>
      tpu.wait_dma2 semaphore(%run_scoped3A_668 : memref<!tpu.dma_semaphore, #tpu.memory_space<semaphore_mem>>) src(%arg8 : memref<128x64xf32, #tpu.memory_space<vmem>>) dst(%dma_wait3A_676 : memref<128x64xf32, #tpu.memory_space<vmem_shared>>)
      tpu.yield
    }) : () -> ()
    %add3A_608 = arith.constant 256 : i32
    %add3A_609 = arith.addi %mul3A_2, %add3A_608 : i32
    "tpu.region"() ({
      %run_scoped3A_668 = tpu.sem_alloc : memref<!tpu.dma_semaphore, #tpu.memory_space<semaphore_mem>>
      %dma_start3A_669 = arith.constant 0 : i32
      %dma_start3A_670 = tpu.memref_slice %arg13[%add3A_609, %dma_start3A_669] : memref<10240x64xf32, #tpu.memory_space<vmem_shared>> -> memref<128x64xf32, #tpu.memory_space<vmem_shared>>
      %dma_start3A_671 = arith.constant 0 : i32
      %dma_start3A_672 = tpu.memref_slice %arg13[%add3A_609, %dma_start3A_671] : memref<10240x64xf32, #tpu.memory_space<vmem_shared>> -> memref<128x64xf32, #tpu.memory_space<vmem_shared>>
      tpu.enqueue_dma source(%arg8 : memref<128x64xf32, #tpu.memory_space<vmem>>) target(%dma_start3A_672 : memref<128x64xf32, #tpu.memory_space<vmem_shared>>) target_semaphore(%run_scoped3A_668 : memref<!tpu.dma_semaphore, #tpu.memory_space<semaphore_mem>>)
      %dma_wait3A_673 = arith.constant 0 : i32
      %dma_wait3A_674 = tpu.memref_slice %arg13[%add3A_609, %dma_wait3A_673] : memref<10240x64xf32, #tpu.memory_space<vmem_shared>> -> memref<128x64xf32, #tpu.memory_space<vmem_shared>>
      %dma_wait3A_675 = arith.constant 0 : i32
      %dma_wait3A_676 = tpu.memref_slice %arg13[%add3A_609, %dma_wait3A_675] : memref<10240x64xf32, #tpu.memory_space<vmem_shared>> -> memref<128x64xf32, #tpu.memory_space<vmem_shared>>
      tpu.wait_dma2 semaphore(%run_scoped3A_668 : memref<!tpu.dma_semaphore, #tpu.memory_space<semaphore_mem>>) src(%arg8 : memref<128x64xf32, #tpu.memory_space<vmem>>) dst(%dma_wait3A_676 : memref<128x64xf32, #tpu.memory_space<vmem_shared>>)
      tpu.yield
    }) : () -> ()
    %add3A_610 = arith.constant 384 : i32
    %add3A_611 = arith.addi %mul3A_2, %add3A_610 : i32
    "tpu.region"() ({
      %run_scoped3A_668 = tpu.sem_alloc : memref<!tpu.dma_semaphore, #tpu.memory_space<semaphore_mem>>
      %dma_start3A_669 = arith.constant 0 : i32
      %dma_start3A_670 = tpu.memref_slice %arg13[%add3A_611, %dma_start3A_669] : memref<10240x64xf32, #tpu.memory_space<vmem_shared>> -> memref<128x64xf32, #tpu.memory_space<vmem_shared>>
      %dma_start3A_671 = arith.constant 0 : i32
      %dma_start3A_672 = tpu.memref_slice %arg13[%add3A_611, %dma_start3A_671] : memref<10240x64xf32, #tpu.memory_space<vmem_shared>> -> memref<128x64xf32, #tpu.memory_space<vmem_shared>>
      tpu.enqueue_dma source(%arg8 : memref<128x64xf32, #tpu.memory_space<vmem>>) target(%dma_start3A_672 : memref<128x64xf32, #tpu.memory_space<vmem_shared>>) target_semaphore(%run_scoped3A_668 : memref<!tpu.dma_semaphore, #tpu.memory_space<semaphore_mem>>)
      %dma_wait3A_673 = arith.constant 0 : i32
      %dma_wait3A_674 = tpu.memref_slice %arg13[%add3A_611, %dma_wait3A_673] : memref<10240x64xf32, #tpu.memory_space<vmem_shared>> -> memref<128x64xf32, #tpu.memory_space<vmem_shared>>
      %dma_wait3A_675 = arith.constant 0 : i32
      %dma_wait3A_676 = tpu.memref_slice %arg13[%add3A_611, %dma_wait3A_675] : memref<10240x64xf32, #tpu.memory_space<vmem_shared>> -> memref<128x64xf32, #tpu.memory_space<vmem_shared>>
      tpu.wait_dma2 semaphore(%run_scoped3A_668 : memref<!tpu.dma_semaphore, #tpu.memory_space<semaphore_mem>>) src(%arg8 : memref<128x64xf32, #tpu.memory_space<vmem>>) dst(%dma_wait3A_676 : memref<128x64xf32, #tpu.memory_space<vmem_shared>>)
      tpu.yield
    }) : () -> ()
    %add3A_612 = arith.constant 512 : i32
    %add3A_613 = arith.addi %mul3A_2, %add3A_612 : i32
    "tpu.region"() ({
      %run_scoped3A_668 = tpu.sem_alloc : memref<!tpu.dma_semaphore, #tpu.memory_space<semaphore_mem>>
      %dma_start3A_669 = arith.constant 0 : i32
      %dma_start3A_670 = tpu.memref_slice %arg13[%add3A_613, %dma_start3A_669] : memref<10240x64xf32, #tpu.memory_space<vmem_shared>> -> memref<128x64xf32, #tpu.memory_space<vmem_shared>>
      %dma_start3A_671 = arith.constant 0 : i32
      %dma_start3A_672 = tpu.memref_slice %arg13[%add3A_613, %dma_start3A_671] : memref<10240x64xf32, #tpu.memory_space<vmem_shared>> -> memref<128x64xf32, #tpu.memory_space<vmem_shared>>
      tpu.enqueue_dma source(%arg8 : memref<128x64xf32, #tpu.memory_space<vmem>>) target(%dma_start3A_672 : memref<128x64xf32, #tpu.memory_space<vmem_shared>>) target_semaphore(%run_scoped3A_668 : memref<!tpu.dma_semaphore, #tpu.memory_space<semaphore_mem>>)
      %dma_wait3A_673 = arith.constant 0 : i32
      %dma_wait3A_674 = tpu.memref_slice %arg13[%add3A_613, %dma_wait3A_673] : memref<10240x64xf32, #tpu.memory_space<vmem_shared>> -> memref<128x64xf32, #tpu.memory_space<vmem_shared>>
      %dma_wait3A_675 = arith.constant 0 : i32
      %dma_wait3A_676 = tpu.memref_slice %arg13[%add3A_613, %dma_wait3A_675] : memref<10240x64xf32, #tpu.memory_space<vmem_shared>> -> memref<128x64xf32, #tpu.memory_space<vmem_shared>>
      tpu.wait_dma2 semaphore(%run_scoped3A_668 : memref<!tpu.dma_semaphore, #tpu.memory_space<semaphore_mem>>) src(%arg8 : memref<128x64xf32, #tpu.memory_space<vmem>>) dst(%dma_wait3A_676 : memref<128x64xf32, #tpu.memory_space<vmem_shared>>)
      tpu.yield
    }) : () -> ()
    %dma_wait3A_614 = arith.constant 0 : i32
    %dma_wait3A_615 = tpu.memref_slice %arg3[%add3A, %dma_wait3A_614] : memref<32x10240xi32, #tpu.memory_space<hbm>> -> memref<1x10240xi32, #tpu.memory_space<hbm>>
    %dma_wait3A_616 = tpu.memref_squeeze %dma_wait3A_615 : memref<1x10240xi32, #tpu.memory_space<hbm>> -> memref<10240xi32, #tpu.memory_space<hbm>>
    %dma_wait3A_617 = arith.constant 0 : i32
    %dma_wait3A_618 = tpu.memref_slice %arg3[%add3A, %dma_wait3A_617] : memref<32x10240xi32, #tpu.memory_space<hbm>> -> memref<1x10240xi32, #tpu.memory_space<hbm>>
    %dma_wait3A_619 = tpu.memref_squeeze %dma_wait3A_618 : memref<1x10240xi32, #tpu.memory_space<hbm>> -> memref<10240xi32, #tpu.memory_space<hbm>>
    tpu.wait_dma2 semaphore(%arg15 : memref<!tpu.dma_semaphore, #tpu.memory_space<semaphore_mem>>) src(%dma_wait3A_619 : memref<10240xi32, #tpu.memory_space<hbm>>) dst(%arg6 : memref<10240xi32, #tpu.memory_space<vmem>>)
    %dma_wait3A_620 = arith.constant 0 : i32
    %dma_wait3A_621 = arith.constant 0 : i32
    %dma_wait3A_622 = tpu.memref_slice %arg4[%add3A, %dma_wait3A_620, %dma_wait3A_621] : memref<32x80x128xi32, #tpu.memory_space<hbm>> -> memref<1x80x128xi32, #tpu.memory_space<hbm>>
    %dma_wait3A_623 = tpu.memref_squeeze %dma_wait3A_622 : memref<1x80x128xi32, #tpu.memory_space<hbm>> -> memref<80x128xi32, #tpu.memory_space<hbm>>
    %dma_wait3A_624 = arith.constant 0 : i32
    %dma_wait3A_625 = arith.constant 0 : i32
    %dma_wait3A_626 = tpu.memref_slice %arg4[%add3A, %dma_wait3A_624, %dma_wait3A_625] : memref<32x80x128xi32, #tpu.memory_space<hbm>> -> memref<1x80x128xi32, #tpu.memory_space<hbm>>
    %dma_wait3A_627 = tpu.memref_squeeze %dma_wait3A_626 : memref<1x80x128xi32, #tpu.memory_space<hbm>> -> memref<80x128xi32, #tpu.memory_space<hbm>>
    tpu.wait_dma2 semaphore(%arg16 : memref<!tpu.dma_semaphore, #tpu.memory_space<semaphore_mem>>) src(%dma_wait3A_627 : memref<80x128xi32, #tpu.memory_space<hbm>>) dst(%arg7 : memref<80x128xi32, #tpu.memory_space<vmem>>)
    %barrier3A = arith.constant 0 : index
    tpu.barrier barrier_id(%barrier3A)
    %dma_start3A_628 = arith.constant 0 : i32
    %dma_start3A_629 = tpu.memref_slice %arg6[%dma_start3A_628] : memref<10240xi32, #tpu.memory_space<vmem>> -> memref<128xi32, #tpu.memory_space<vmem>>
    %dma_start3A_630 = arith.constant 0 : i32
    %dma_start3A_631 = arith.constant 0 : i32
    %dma_start3A_632 = tpu.memref_slice %arg12[%dma_start3A_630, %dma_start3A_631] : memref<10240x64xf32, #tpu.memory_space<vmem_shared>> -> memref<10240x64xf32, #tpu.memory_space<vmem_shared>>
    tpu.enqueue_indirect_dma source(%dma_start3A_632 : memref<10240x64xf32, #tpu.memory_space<vmem_shared>>) target(%arg8 : memref<128x64xf32, #tpu.memory_space<vmem>>) offsets(%dma_start3A_629 : memref<128xi32, #tpu.memory_space<vmem>>) semaphore(%arg14 : memref<!tpu.dma_semaphore, #tpu.memory_space<semaphore_mem>>)
    %dma_start3A_633 = arith.constant 128 : i32
    %dma_start3A_634 = tpu.memref_slice %arg6[%dma_start3A_633] : memref<10240xi32, #tpu.memory_space<vmem>> -> memref<128xi32, #tpu.memory_space<vmem>>
    %dma_start3A_635 = arith.constant 0 : i32
    %dma_start3A_636 = arith.constant 0 : i32
    %dma_start3A_637 = tpu.memref_slice %arg12[%dma_start3A_635, %dma_start3A_636] : memref<10240x64xf32, #tpu.memory_space<vmem_shared>> -> memref<10240x64xf32, #tpu.memory_space<vmem_shared>>
    tpu.enqueue_indirect_dma source(%dma_start3A_637 : memref<10240x64xf32, #tpu.memory_space<vmem_shared>>) target(%arg9 : memref<128x64xf32, #tpu.memory_space<vmem>>) offsets(%dma_start3A_634 : memref<128xi32, #tpu.memory_space<vmem>>) semaphore(%arg15 : memref<!tpu.dma_semaphore, #tpu.memory_space<semaphore_mem>>)
    %dma_start3A_638 = arith.constant 256 : i32
    %dma_start3A_639 = tpu.memref_slice %arg6[%dma_start3A_638] : memref<10240xi32, #tpu.memory_space<vmem>> -> memref<128xi32, #tpu.memory_space<vmem>>
    %dma_start3A_640 = arith.constant 0 : i32
    %dma_start3A_641 = arith.constant 0 : i32
    %dma_start3A_642 = tpu.memref_slice %arg12[%dma_start3A_640, %dma_start3A_641] : memref<10240x64xf32, #tpu.memory_space<vmem_shared>> -> memref<10240x64xf32, #tpu.memory_space<vmem_shared>>
    tpu.enqueue_indirect_dma source(%dma_start3A_642 : memref<10240x64xf32, #tpu.memory_space<vmem_shared>>) target(%arg10 : memref<128x64xf32, #tpu.memory_space<vmem>>) offsets(%dma_start3A_639 : memref<128xi32, #tpu.memory_space<vmem>>) semaphore(%arg16 : memref<!tpu.dma_semaphore, #tpu.memory_space<semaphore_mem>>)
    %scan3A_643 = arith.constant 0 : i32
    %scan3A_644 = arith.constant 0 : i32
    %scan3A_645 = arith.constant 27 : i32
    %scan3A_646 = arith.addi %scan3A_644, %scan3A_645 : i32
    %scan3A_647 = arith.constant 1 : i32
    scf.for %scan3A_668 = %scan3A_644 to %scan3A_646 step %scan3A_647  : i32 {
      %mul3A_669 = arith.constant 3 : i32
      %mul3A_670 = arith.muli %scan3A_668, %mul3A_669 : i32
      %add3A_671 = arith.constant 0 : i32
      %add3A_672 = arith.addi %mul3A_670, %add3A_671 : i32
      %ge3A = arith.constant 1 : i32
      %ge3A_673 = arith.cmpi sge, %add3A_672, %ge3A : i32
      %sub3A = arith.constant 1 : i32
      %sub3A_674 = arith.subi %add3A_672, %sub3A : i32
      %add3A_675 = arith.constant 3 : i32
      %add3A_676 = arith.addi %sub3A_674, %add3A_675 : i32
      %lt3A = arith.constant 80 : i32
      %lt3A_677 = arith.cmpi slt, %add3A_676, %lt3A : i32
      %and3A = arith.andi %ge3A_673, %lt3A_677 : i1
      %convert_element_type3A = arith.extui %and3A : i1 to i32
      %cond3A = arith.constant 0 : i32
      %cond3A_678 = arith.cmpi ne, %convert_element_type3A, %cond3A : i32
      scf.if %cond3A_678 {
        %dma_wait3A_722 = arith.constant 0 : i32
        %dma_wait3A_723 = arith.constant 0 : i32
        %dma_wait3A_724 = tpu.memref_slice %arg12[%dma_wait3A_722, %dma_wait3A_723] : memref<10240x64xf32, #tpu.memory_space<vmem_shared>> -> memref<128x64xf32, #tpu.memory_space<vmem_shared>>
        %dma_wait3A_725 = arith.constant 0 : i32
        %dma_wait3A_726 = arith.constant 0 : i32
        %dma_wait3A_727 = tpu.memref_slice %arg12[%dma_wait3A_725, %dma_wait3A_726] : memref<10240x64xf32, #tpu.memory_space<vmem_shared>> -> memref<128x64xf32, #tpu.memory_space<vmem_shared>>
        tpu.wait_dma2 semaphore(%arg19 : memref<!tpu.dma_semaphore, #tpu.memory_space<semaphore_mem>>) src(%dma_wait3A_727 : memref<128x64xf32, #tpu.memory_space<vmem_shared>>) dst(%arg8 : memref<128x64xf32, #tpu.memory_space<vmem>>)
        %sub3A_728 = arith.constant 1 : i32
        %sub3A_729 = arith.subi %add3A_672, %sub3A_728 : i32
        %add3A_730 = arith.constant 3 : i32
        %add3A_731 = arith.addi %sub3A_729, %add3A_730 : i32
        %mul3A_732 = arith.constant 128 : i32
        %mul3A_733 = arith.muli %add3A_731, %mul3A_732 : i32
        %dma_start3A_734 = tpu.memref_slice %arg6[%mul3A_733] : memref<10240xi32, #tpu.memory_space<vmem>> -> memref<128xi32, #tpu.memory_space<vmem>>
        %dma_start3A_735 = arith.constant 0 : i32
        %dma_start3A_736 = arith.constant 0 : i32
        %dma_start3A_737 = tpu.memref_slice %arg12[%dma_start3A_735, %dma_start3A_736] : memref<10240x64xf32, #tpu.memory_space<vmem_shared>> -> memref<10240x64xf32, #tpu.memory_space<vmem_shared>>
        tpu.enqueue_indirect_dma source(%dma_start3A_737 : memref<10240x64xf32, #tpu.memory_space<vmem_shared>>) target(%arg10 : memref<128x64xf32, #tpu.memory_space<vmem>>) offsets(%dma_start3A_734 : memref<128xi32, #tpu.memory_space<vmem>>) semaphore(%arg16 : memref<!tpu.dma_semaphore, #tpu.memory_space<semaphore_mem>>)
      } else {
      }
      %lt3A_679 = arith.constant 80 : i32
      %lt3A_680 = arith.cmpi slt, %add3A_672, %lt3A_679 : i32
      %convert_element_type3A_681 = arith.extui %lt3A_680 : i1 to i32
      %cond3A_682 = arith.constant 0 : i32
      %cond3A_683 = arith.cmpi ne, %convert_element_type3A_681, %cond3A_682 : i32
      scf.if %cond3A_683 {
        %dma_wait3A_722 = arith.constant 0 : i32
        %dma_wait3A_723 = arith.constant 0 : i32
        %dma_wait3A_724 = tpu.memref_slice %arg12[%dma_wait3A_722, %dma_wait3A_723] : memref<10240x64xf32, #tpu.memory_space<vmem_shared>> -> memref<128x64xf32, #tpu.memory_space<vmem_shared>>
        %dma_wait3A_725 = arith.constant 0 : i32
        %dma_wait3A_726 = arith.constant 0 : i32
        %dma_wait3A_727 = tpu.memref_slice %arg12[%dma_wait3A_725, %dma_wait3A_726] : memref<10240x64xf32, #tpu.memory_space<vmem_shared>> -> memref<128x64xf32, #tpu.memory_space<vmem_shared>>
        tpu.wait_dma2 semaphore(%arg14 : memref<!tpu.dma_semaphore, #tpu.memory_space<semaphore_mem>>) src(%dma_wait3A_727 : memref<128x64xf32, #tpu.memory_space<vmem_shared>>) dst(%arg8 : memref<128x64xf32, #tpu.memory_space<vmem>>)
        %dma_start3A_728 = arith.constant 0 : i32
        %dma_start3A_729 = tpu.memref_slice %arg7[%add3A_672, %dma_start3A_728] : memref<80x128xi32, #tpu.memory_space<vmem>> -> memref<1x128xi32, #tpu.memory_space<vmem>>
        %dma_start3A_730 = tpu.memref_squeeze %dma_start3A_729 : memref<1x128xi32, #tpu.memory_space<vmem>> -> memref<128xi32, #tpu.memory_space<vmem>>
        %dma_start3A_731 = arith.constant 0 : i32
        %dma_start3A_732 = arith.constant 0 : i32
        %dma_start3A_733 = tpu.memref_slice %arg13[%dma_start3A_731, %dma_start3A_732] : memref<10240x64xf32, #tpu.memory_space<vmem_shared>> -> memref<10240x64xf32, #tpu.memory_space<vmem_shared>>
        tpu.enqueue_indirect_dma source(%arg8 : memref<128x64xf32, #tpu.memory_space<vmem>>) target(%dma_start3A_733 : memref<10240x64xf32, #tpu.memory_space<vmem_shared>>) offsets(%dma_start3A_730 : memref<128xi32, #tpu.memory_space<vmem>>) semaphore(%arg17 : memref<!tpu.dma_semaphore, #tpu.memory_space<semaphore_mem>>) {add = true}
      } else {
      }
      %add3A_684 = arith.constant 1 : i32
      %add3A_685 = arith.addi %mul3A_670, %add3A_684 : i32
      %ge3A_686 = arith.constant 1 : i32
      %ge3A_687 = arith.cmpi sge, %add3A_685, %ge3A_686 : i32
      %sub3A_688 = arith.constant 1 : i32
      %sub3A_689 = arith.subi %add3A_685, %sub3A_688 : i32
      %add3A_690 = arith.constant 3 : i32
      %add3A_691 = arith.addi %sub3A_689, %add3A_690 : i32
      %lt3A_692 = arith.constant 80 : i32
      %lt3A_693 = arith.cmpi slt, %add3A_691, %lt3A_692 : i32
      %and3A_694 = arith.andi %ge3A_687, %lt3A_693 : i1
      %convert_element_type3A_695 = arith.extui %and3A_694 : i1 to i32
      %cond3A_696 = arith.constant 0 : i32
      %cond3A_697 = arith.cmpi ne, %convert_element_type3A_695, %cond3A_696 : i32
      scf.if %cond3A_697 {
        %dma_wait3A_722 = arith.constant 0 : i32
        %dma_wait3A_723 = arith.constant 0 : i32
        %dma_wait3A_724 = tpu.memref_slice %arg12[%dma_wait3A_722, %dma_wait3A_723] : memref<10240x64xf32, #tpu.memory_space<vmem_shared>> -> memref<128x64xf32, #tpu.memory_space<vmem_shared>>
        %dma_wait3A_725 = arith.constant 0 : i32
        %dma_wait3A_726 = arith.constant 0 : i32
        %dma_wait3A_727 = tpu.memref_slice %arg12[%dma_wait3A_725, %dma_wait3A_726] : memref<10240x64xf32, #tpu.memory_space<vmem_shared>> -> memref<128x64xf32, #tpu.memory_space<vmem_shared>>
        tpu.wait_dma2 semaphore(%arg17 : memref<!tpu.dma_semaphore, #tpu.memory_space<semaphore_mem>>) src(%dma_wait3A_727 : memref<128x64xf32, #tpu.memory_space<vmem_shared>>) dst(%arg8 : memref<128x64xf32, #tpu.memory_space<vmem>>)
        %sub3A_728 = arith.constant 1 : i32
        %sub3A_729 = arith.subi %add3A_685, %sub3A_728 : i32
        %add3A_730 = arith.constant 3 : i32
        %add3A_731 = arith.addi %sub3A_729, %add3A_730 : i32
        %mul3A_732 = arith.constant 128 : i32
        %mul3A_733 = arith.muli %add3A_731, %mul3A_732 : i32
        %dma_start3A_734 = tpu.memref_slice %arg6[%mul3A_733] : memref<10240xi32, #tpu.memory_space<vmem>> -> memref<128xi32, #tpu.memory_space<vmem>>
        %dma_start3A_735 = arith.constant 0 : i32
        %dma_start3A_736 = arith.constant 0 : i32
        %dma_start3A_737 = tpu.memref_slice %arg12[%dma_start3A_735, %dma_start3A_736] : memref<10240x64xf32, #tpu.memory_space<vmem_shared>> -> memref<10240x64xf32, #tpu.memory_space<vmem_shared>>
        tpu.enqueue_indirect_dma source(%dma_start3A_737 : memref<10240x64xf32, #tpu.memory_space<vmem_shared>>) target(%arg8 : memref<128x64xf32, #tpu.memory_space<vmem>>) offsets(%dma_start3A_734 : memref<128xi32, #tpu.memory_space<vmem>>) semaphore(%arg14 : memref<!tpu.dma_semaphore, #tpu.memory_space<semaphore_mem>>)
      } else {
      }
      %lt3A_698 = arith.constant 80 : i32
      %lt3A_699 = arith.cmpi slt, %add3A_685, %lt3A_698 : i32
      %convert_element_type3A_700 = arith.extui %lt3A_699 : i1 to i32
      %cond3A_701 = arith.constant 0 : i32
      %cond3A_702 = arith.cmpi ne, %convert_element_type3A_700, %cond3A_701 : i32
      scf.if %cond3A_702 {
        %dma_wait3A_722 = arith.constant 0 : i32
        %dma_wait3A_723 = arith.constant 0 : i32
        %dma_wait3A_724 = tpu.memref_slice %arg12[%dma_wait3A_722, %dma_wait3A_723] : memref<10240x64xf32, #tpu.memory_space<vmem_shared>> -> memref<128x64xf32, #tpu.memory_space<vmem_shared>>
        %dma_wait3A_725 = arith.constant 0 : i32
        %dma_wait3A_726 = arith.constant 0 : i32
        %dma_wait3A_727 = tpu.memref_slice %arg12[%dma_wait3A_725, %dma_wait3A_726] : memref<10240x64xf32, #tpu.memory_space<vmem_shared>> -> memref<128x64xf32, #tpu.memory_space<vmem_shared>>
        tpu.wait_dma2 semaphore(%arg15 : memref<!tpu.dma_semaphore, #tpu.memory_space<semaphore_mem>>) src(%dma_wait3A_727 : memref<128x64xf32, #tpu.memory_space<vmem_shared>>) dst(%arg8 : memref<128x64xf32, #tpu.memory_space<vmem>>)
        %dma_start3A_728 = arith.constant 0 : i32
        %dma_start3A_729 = tpu.memref_slice %arg7[%add3A_685, %dma_start3A_728] : memref<80x128xi32, #tpu.memory_space<vmem>> -> memref<1x128xi32, #tpu.memory_space<vmem>>
        %dma_start3A_730 = tpu.memref_squeeze %dma_start3A_729 : memref<1x128xi32, #tpu.memory_space<vmem>> -> memref<128xi32, #tpu.memory_space<vmem>>
        %dma_start3A_731 = arith.constant 0 : i32
        %dma_start3A_732 = arith.constant 0 : i32
        %dma_start3A_733 = tpu.memref_slice %arg13[%dma_start3A_731, %dma_start3A_732] : memref<10240x64xf32, #tpu.memory_space<vmem_shared>> -> memref<10240x64xf32, #tpu.memory_space<vmem_shared>>
        tpu.enqueue_indirect_dma source(%arg9 : memref<128x64xf32, #tpu.memory_space<vmem>>) target(%dma_start3A_733 : memref<10240x64xf32, #tpu.memory_space<vmem_shared>>) offsets(%dma_start3A_730 : memref<128xi32, #tpu.memory_space<vmem>>) semaphore(%arg18 : memref<!tpu.dma_semaphore, #tpu.memory_space<semaphore_mem>>) {add = true}
      } else {
      }
      %add3A_703 = arith.constant 2 : i32
      %add3A_704 = arith.addi %mul3A_670, %add3A_703 : i32
      %ge3A_705 = arith.constant 1 : i32
      %ge3A_706 = arith.cmpi sge, %add3A_704, %ge3A_705 : i32
      %sub3A_707 = arith.constant 1 : i32
      %sub3A_708 = arith.subi %add3A_704, %sub3A_707 : i32
      %add3A_709 = arith.constant 3 : i32
      %add3A_710 = arith.addi %sub3A_708, %add3A_709 : i32
      %lt3A_711 = arith.constant 80 : i32
      %lt3A_712 = arith.cmpi slt, %add3A_710, %lt3A_711 : i32
      %and3A_713 = arith.andi %ge3A_706, %lt3A_712 : i1
      %convert_element_type3A_714 = arith.extui %and3A_713 : i1 to i32
      %cond3A_715 = arith.constant 0 : i32
      %cond3A_716 = arith.cmpi ne, %convert_element_type3A_714, %cond3A_715 : i32
      scf.if %cond3A_716 {
        %dma_wait3A_722 = arith.constant 0 : i32
        %dma_wait3A_723 = arith.constant 0 : i32
        %dma_wait3A_724 = tpu.memref_slice %arg12[%dma_wait3A_722, %dma_wait3A_723] : memref<10240x64xf32, #tpu.memory_space<vmem_shared>> -> memref<128x64xf32, #tpu.memory_space<vmem_shared>>
        %dma_wait3A_725 = arith.constant 0 : i32
        %dma_wait3A_726 = arith.constant 0 : i32
        %dma_wait3A_727 = tpu.memref_slice %arg12[%dma_wait3A_725, %dma_wait3A_726] : memref<10240x64xf32, #tpu.memory_space<vmem_shared>> -> memref<128x64xf32, #tpu.memory_space<vmem_shared>>
        tpu.wait_dma2 semaphore(%arg18 : memref<!tpu.dma_semaphore, #tpu.memory_space<semaphore_mem>>) src(%dma_wait3A_727 : memref<128x64xf32, #tpu.memory_space<vmem_shared>>) dst(%arg8 : memref<128x64xf32, #tpu.memory_space<vmem>>)
        %sub3A_728 = arith.constant 1 : i32
        %sub3A_729 = arith.subi %add3A_704, %sub3A_728 : i32
        %add3A_730 = arith.constant 3 : i32
        %add3A_731 = arith.addi %sub3A_729, %add3A_730 : i32
        %mul3A_732 = arith.constant 128 : i32
        %mul3A_733 = arith.muli %add3A_731, %mul3A_732 : i32
        %dma_start3A_734 = tpu.memref_slice %arg6[%mul3A_733] : memref<10240xi32, #tpu.memory_space<vmem>> -> memref<128xi32, #tpu.memory_space<vmem>>
        %dma_start3A_735 = arith.constant 0 : i32
        %dma_start3A_736 = arith.constant 0 : i32
        %dma_start3A_737 = tpu.memref_slice %arg12[%dma_start3A_735, %dma_start3A_736] : memref<10240x64xf32, #tpu.memory_space<vmem_shared>> -> memref<10240x64xf32, #tpu.memory_space<vmem_shared>>
        tpu.enqueue_indirect_dma source(%dma_start3A_737 : memref<10240x64xf32, #tpu.memory_space<vmem_shared>>) target(%arg9 : memref<128x64xf32, #tpu.memory_space<vmem>>) offsets(%dma_start3A_734 : memref<128xi32, #tpu.memory_space<vmem>>) semaphore(%arg15 : memref<!tpu.dma_semaphore, #tpu.memory_space<semaphore_mem>>)
      } else {
      }
      %lt3A_717 = arith.constant 80 : i32
      %lt3A_718 = arith.cmpi slt, %add3A_704, %lt3A_717 : i32
      %convert_element_type3A_719 = arith.extui %lt3A_718 : i1 to i32
      %cond3A_720 = arith.constant 0 : i32
      %cond3A_721 = arith.cmpi ne, %convert_element_type3A_719, %cond3A_720 : i32
      scf.if %cond3A_721 {
        %dma_wait3A_722 = arith.constant 0 : i32
        %dma_wait3A_723 = arith.constant 0 : i32
        %dma_wait3A_724 = tpu.memref_slice %arg12[%dma_wait3A_722, %dma_wait3A_723] : memref<10240x64xf32, #tpu.memory_space<vmem_shared>> -> memref<128x64xf32, #tpu.memory_space<vmem_shared>>
        %dma_wait3A_725 = arith.constant 0 : i32
        %dma_wait3A_726 = arith.constant 0 : i32
        %dma_wait3A_727 = tpu.memref_slice %arg12[%dma_wait3A_725, %dma_wait3A_726] : memref<10240x64xf32, #tpu.memory_space<vmem_shared>> -> memref<128x64xf32, #tpu.memory_space<vmem_shared>>
        tpu.wait_dma2 semaphore(%arg16 : memref<!tpu.dma_semaphore, #tpu.memory_space<semaphore_mem>>) src(%dma_wait3A_727 : memref<128x64xf32, #tpu.memory_space<vmem_shared>>) dst(%arg8 : memref<128x64xf32, #tpu.memory_space<vmem>>)
        %dma_start3A_728 = arith.constant 0 : i32
        %dma_start3A_729 = tpu.memref_slice %arg7[%add3A_704, %dma_start3A_728] : memref<80x128xi32, #tpu.memory_space<vmem>> -> memref<1x128xi32, #tpu.memory_space<vmem>>
        %dma_start3A_730 = tpu.memref_squeeze %dma_start3A_729 : memref<1x128xi32, #tpu.memory_space<vmem>> -> memref<128xi32, #tpu.memory_space<vmem>>
        %dma_start3A_731 = arith.constant 0 : i32
        %dma_start3A_732 = arith.constant 0 : i32
        %dma_start3A_733 = tpu.memref_slice %arg13[%dma_start3A_731, %dma_start3A_732] : memref<10240x64xf32, #tpu.memory_space<vmem_shared>> -> memref<10240x64xf32, #tpu.memory_space<vmem_shared>>
        tpu.enqueue_indirect_dma source(%arg10 : memref<128x64xf32, #tpu.memory_space<vmem>>) target(%dma_start3A_733 : memref<10240x64xf32, #tpu.memory_space<vmem_shared>>) offsets(%dma_start3A_730 : memref<128xi32, #tpu.memory_space<vmem>>) semaphore(%arg19 : memref<!tpu.dma_semaphore, #tpu.memory_space<semaphore_mem>>) {add = true}
      } else {
      }
    }
    %scan3A_648 = arith.constant 27 : i32
    %dma_wait3A_649 = arith.constant 0 : i32
    %dma_wait3A_650 = arith.constant 0 : i32
    %dma_wait3A_651 = tpu.memref_slice %arg12[%dma_wait3A_649, %dma_wait3A_650] : memref<10240x64xf32, #tpu.memory_space<vmem_shared>> -> memref<128x64xf32, #tpu.memory_space<vmem_shared>>
    %dma_wait3A_652 = arith.constant 0 : i32
    %dma_wait3A_653 = arith.constant 0 : i32
    %dma_wait3A_654 = tpu.memref_slice %arg12[%dma_wait3A_652, %dma_wait3A_653] : memref<10240x64xf32, #tpu.memory_space<vmem_shared>> -> memref<128x64xf32, #tpu.memory_space<vmem_shared>>
    tpu.wait_dma2 semaphore(%arg17 : memref<!tpu.dma_semaphore, #tpu.memory_space<semaphore_mem>>) src(%dma_wait3A_654 : memref<128x64xf32, #tpu.memory_space<vmem_shared>>) dst(%arg8 : memref<128x64xf32, #tpu.memory_space<vmem>>)
    %dma_wait3A_655 = arith.constant 0 : i32
    %dma_wait3A_656 = arith.constant 0 : i32
    %dma_wait3A_657 = tpu.memref_slice %arg12[%dma_wait3A_655, %dma_wait3A_656] : memref<10240x64xf32, #tpu.memory_space<vmem_shared>> -> memref<128x64xf32, #tpu.memory_space<vmem_shared>>
    %dma_wait3A_658 = arith.constant 0 : i32
    %dma_wait3A_659 = arith.constant 0 : i32
    %dma_wait3A_660 = tpu.memref_slice %arg12[%dma_wait3A_658, %dma_wait3A_659] : memref<10240x64xf32, #tpu.memory_space<vmem_shared>> -> memref<128x64xf32, #tpu.memory_space<vmem_shared>>
    tpu.wait_dma2 semaphore(%arg18 : memref<!tpu.dma_semaphore, #tpu.memory_space<semaphore_mem>>) src(%dma_wait3A_660 : memref<128x64xf32, #tpu.memory_space<vmem_shared>>) dst(%arg8 : memref<128x64xf32, #tpu.memory_space<vmem>>)
    %dma_wait3A_661 = arith.constant 0 : i32
    %dma_wait3A_662 = arith.constant 0 : i32
    %dma_wait3A_663 = tpu.memref_slice %arg12[%dma_wait3A_661, %dma_wait3A_662] : memref<10240x64xf32, #tpu.memory_space<vmem_shared>> -> memref<128x64xf32, #tpu.memory_space<vmem_shared>>
    %dma_wait3A_664 = arith.constant 0 : i32
    %dma_wait3A_665 = arith.constant 0 : i32
    %dma_wait3A_666 = tpu.memref_slice %arg12[%dma_wait3A_664, %dma_wait3A_665] : memref<10240x64xf32, #tpu.memory_space<vmem_shared>> -> memref<128x64xf32, #tpu.memory_space<vmem_shared>>
    tpu.wait_dma2 semaphore(%arg19 : memref<!tpu.dma_semaphore, #tpu.memory_space<semaphore_mem>>) src(%dma_wait3A_666 : memref<128x64xf32, #tpu.memory_space<vmem_shared>>) dst(%arg8 : memref<128x64xf32, #tpu.memory_space<vmem>>)
    %barrier3A_667 = arith.constant 0 : index
    tpu.barrier barrier_id(%barrier3A_667)
    "tpu.region"() ({
      %run_scoped3A_668 = tpu.sem_alloc : memref<!tpu.dma_semaphore, #tpu.memory_space<semaphore_mem>>
      %dma_start3A_669 = arith.constant 0 : i32
      %dma_start3A_670 = arith.constant 0 : i32
      %dma_start3A_671 = tpu.memref_slice %arg5[%arg0, %arg1, %dma_start3A_669, %dma_start3A_670] : memref<2x16x640x64xf32, #tpu.memory_space<hbm>> -> memref<1x1x640x64xf32, #tpu.memory_space<hbm>>
      %dma_start3A_672 = tpu.memref_squeeze %dma_start3A_671 : memref<1x1x640x64xf32, #tpu.memory_space<hbm>> -> memref<640x64xf32, #tpu.memory_space<hbm>>
      %dma_start3A_673 = arith.constant 0 : i32
      %dma_start3A_674 = tpu.memref_slice %arg13[%mul3A_2, %dma_start3A_673] : memref<10240x64xf32, #tpu.memory_space<vmem_shared>> -> memref<640x64xf32, #tpu.memory_space<vmem_shared>>
      tpu.enqueue_dma source(%dma_start3A_674 : memref<640x64xf32, #tpu.memory_space<vmem_shared>>) target(%dma_start3A_672 : memref<640x64xf32, #tpu.memory_space<hbm>>) target_semaphore(%run_scoped3A_668 : memref<!tpu.dma_semaphore, #tpu.memory_space<semaphore_mem>>)
      %dma_wait3A_675 = arith.constant 0 : i32
      %dma_wait3A_676 = arith.constant 0 : i32
      %dma_wait3A_677 = tpu.memref_slice %arg5[%arg0, %arg1, %dma_wait3A_675, %dma_wait3A_676] : memref<2x16x640x64xf32, #tpu.memory_space<hbm>> -> memref<1x1x640x64xf32, #tpu.memory_space<hbm>>
      %dma_wait3A_678 = tpu.memref_squeeze %dma_wait3A_677 : memref<1x1x640x64xf32, #tpu.memory_space<hbm>> -> memref<640x64xf32, #tpu.memory_space<hbm>>
      %dma_wait3A_679 = arith.constant 0 : i32
      %dma_wait3A_680 = tpu.memref_slice %arg13[%mul3A_2, %dma_wait3A_679] : memref<10240x64xf32, #tpu.memory_space<vmem_shared>> -> memref<640x64xf32, #tpu.memory_space<vmem_shared>>
      tpu.wait_dma2 semaphore(%run_scoped3A_668 : memref<!tpu.dma_semaphore, #tpu.memory_space<semaphore_mem>>) src(%dma_wait3A_680 : memref<640x64xf32, #tpu.memory_space<vmem_shared>>) dst(%dma_wait3A_678 : memref<640x64xf32, #tpu.memory_space<hbm>>)
      tpu.yield
    }) : () -> ()
    return
  }
}

module attributes {stable_mosaic.version = 14 : i64} {
  func.func @_prep_body(%arg0: memref<10240x128xf32, #tpu.memory_space<vmem>>, %arg1: memref<64x128xf32, #tpu.memory_space<vmem>>, %arg2: memref<2560x128xi32, #tpu.memory_space<vmem>>, %arg3: memref<2560x128xi32, #tpu.memory_space<vmem>>, %arg4: memref<10240x64xf32, #tpu.memory_space<vmem>>, %arg5: memref<2560x128xi32, #tpu.memory_space<vmem>>) attributes {dimension_semantics = [], scalar_prefetch = 0 : i64, scratch_operands = 0 : i64, tpu.core_type = #tpu.core_type<tc>} {
    %get3A = arith.constant 0 : index
    %get3A_0 = arith.constant 0 : index
    %get3A_1 = vector.load %arg0[%get3A, %get3A_0] : memref<10240x128xf32, #tpu.memory_space<vmem>>, vector<10240x128xf32>
    %get3A_2 = arith.constant 0 : index
    %get3A_3 = arith.constant 0 : index
    %get3A_4 = vector.load %arg1[%get3A_2, %get3A_3] : memref<64x128xf32, #tpu.memory_space<vmem>>, vector<64x128xf32>
    %dot_general3A = arith.constant dense<0.000000e+00> : vector<10240x64xf32>
    %dot_general3A_5 = tpu.matmul %get3A_1, %get3A_4, %dot_general3A {dimension_numbers = #tpu.dot_dimension_numbers<[1], [1], [0], [0], [0, 0, 1, 0], [], []>, transpose_lhs_hint = false} : vector<10240x128xf32>, vector<64x128xf32>, vector<10240x64xf32> -> vector<10240x64xf32>
    %swap3A = arith.constant 0 : index
    %swap3A_6 = arith.constant 0 : index
    %swap3A_7 = vector.load %arg4[%swap3A, %swap3A_6] : memref<10240x64xf32, #tpu.memory_space<vmem>>, vector<10240x64xf32>
    tpu.vector_store %arg4[%swap3A, %swap3A_6], %dot_general3A_5 {strides = array<i32>} : memref<10240x64xf32, #tpu.memory_space<vmem>>, vector<10240x64xf32>,
    %iota3A = tpu.iota {dimensions = array<i32: 0>} : vector<2560x128xi32>
    %iota3A_8 = tpu.iota {dimensions = array<i32: 1>} : vector<2560x128xi32>
    %mul3A = arith.constant 128 : i32
    %mul3A_9 = vector.broadcast %mul3A : i32 to vector<2560x128xi32>
    %mul3A_10 = arith.muli %iota3A, %mul3A_9 : vector<2560x128xi32>
    %add3A = arith.addi %mul3A_10, %iota3A_8 : vector<2560x128xi32>
    %rem3A = arith.constant 240 : i32
    %rem3A_11 = vector.broadcast %rem3A : i32 to vector<2560x128xi32>
    %rem3A_12 = arith.remsi %add3A, %rem3A_11 : vector<2560x128xi32>
    %add3A_13 = arith.constant 10000 : i32
    %add3A_14 = vector.broadcast %add3A_13 : i32 to vector<2560x128xi32>
    %add3A_15 = arith.addi %add3A_14, %rem3A_12 : vector<2560x128xi32>
    %get3A_16 = arith.constant 0 : index
    %get3A_17 = arith.constant 0 : index
    %get3A_18 = vector.load %arg3[%get3A_16, %get3A_17] : memref<2560x128xi32, #tpu.memory_space<vmem>>, vector<2560x128xi32>
    %ne3A = arith.constant 0 : i32
    %ne3A_19 = vector.broadcast %ne3A : i32 to vector<2560x128xi32>
    %ne3A_20 = arith.cmpi ne, %get3A_18, %ne3A_19 : vector<2560x128xi32>
    %get3A_21 = arith.constant 0 : index
    %get3A_22 = arith.constant 0 : index
    %get3A_23 = vector.load %arg2[%get3A_21, %get3A_22] : memref<2560x128xi32, #tpu.memory_space<vmem>>, vector<2560x128xi32>
    %select_n3A = arith.select %ne3A_20, %get3A_23, %add3A_15 : vector<2560x128xi1>, vector<2560x128xi32>
    %swap3A_24 = arith.constant 0 : index
    %swap3A_25 = arith.constant 0 : index
    %swap3A_26 = vector.load %arg5[%swap3A_24, %swap3A_25] : memref<2560x128xi32, #tpu.memory_space<vmem>>, vector<2560x128xi32>
    tpu.vector_store %arg5[%swap3A_24, %swap3A_25], %select_n3A {strides = array<i32>} : memref<2560x128xi32, #tpu.memory_space<vmem>>, vector<2560x128xi32>,
    return
  }
}

module attributes {stable_mosaic.version = 14 : i64} {
  func.func @_finish_body(%arg0: memref<2x10240x64xf32, #tpu.memory_space<vmem>>, %arg1: memref<1x64xf32, #tpu.memory_space<vmem>>, %arg2: memref<10000x64xf32, #tpu.memory_space<vmem>>) attributes {dimension_semantics = [], scalar_prefetch = 0 : i64, scratch_operands = 0 : i64, tpu.core_type = #tpu.core_type<tc>} {
    %get3A = arith.constant 0 : index
    %get3A_0 = arith.constant 0 : index
    %get3A_1 = arith.constant 0 : index
    %get3A_2 = vector.load %arg0[%get3A, %get3A_0, %get3A_1] : memref<2x10240x64xf32, #tpu.memory_space<vmem>>, vector<1x10000x64xf32>
    %get3A_3 = vector.shape_cast %get3A_2 : vector<1x10000x64xf32> to vector<10000x64xf32>
    %get3A_4 = arith.constant 1 : index
    %get3A_5 = arith.constant 0 : index
    %get3A_6 = arith.constant 0 : index
    %get3A_7 = vector.load %arg0[%get3A_4, %get3A_5, %get3A_6] : memref<2x10240x64xf32, #tpu.memory_space<vmem>>, vector<1x10000x64xf32>
    %get3A_8 = vector.shape_cast %get3A_7 : vector<1x10000x64xf32> to vector<10000x64xf32>
    %add3A = arith.addf %get3A_3, %get3A_8 : vector<10000x64xf32>
    %get3A_9 = arith.constant 0 : index
    %get3A_10 = arith.constant 0 : index
    %get3A_11 = vector.load %arg1[%get3A_9, %get3A_10] : memref<1x64xf32, #tpu.memory_space<vmem>>, vector<1x64xf32>
    %add3A_12 = vector.broadcast %get3A_11 : vector<1x64xf32> to vector<10000x64xf32>
    %add3A_13 = arith.addf %add3A, %add3A_12 : vector<10000x64xf32>
    %reduce_max3A = arith.constant dense<0xFF800000> : vector<10000xf32>
    %reduce_max3A_14 = vector.multi_reduction <maximumf>, %add3A_13, %reduce_max3A [1] : vector<10000x64xf32> to vector<10000xf32>
    %broadcast_in_dim3A = vector.shape_cast %reduce_max3A_14 : vector<10000xf32> to vector<10000x1xf32>
    %sub3A = vector.broadcast %broadcast_in_dim3A : vector<10000x1xf32> to vector<10000x64xf32>
    %sub3A_15 = arith.subf %add3A_13, %sub3A : vector<10000x64xf32>
    %exp3A = math.exp %sub3A_15 : vector<10000x64xf32>
    %reduce_sum3A = arith.constant dense<0.000000e+00> : vector<10000xf32>
    %reduce_sum3A_16 = vector.multi_reduction <add>, %exp3A, %reduce_sum3A [1] : vector<10000x64xf32> to vector<10000xf32>
    %broadcast_in_dim3A_17 = vector.shape_cast %reduce_sum3A_16 : vector<10000xf32> to vector<10000x1xf32>
    %log3A = math.log %broadcast_in_dim3A_17 : vector<10000x1xf32>
    %add3A_18 = arith.addf %broadcast_in_dim3A, %log3A : vector<10000x1xf32>
    %sub3A_19 = vector.broadcast %add3A_18 : vector<10000x1xf32> to vector<10000x64xf32>
    %sub3A_20 = arith.subf %add3A_13, %sub3A_19 : vector<10000x64xf32>
    %swap3A = arith.constant 0 : index
    %swap3A_21 = arith.constant 0 : index
    %swap3A_22 = vector.load %arg2[%swap3A, %swap3A_21] : memref<10000x64xf32, #tpu.memory_space<vmem>>, vector<10000x64xf32>
    tpu.vector_store %arg2[%swap3A, %swap3A_21], %sub3A_20 {strides = array<i32>} : memref<10000x64xf32, #tpu.memory_space<vmem>>, vector<10000x64xf32>,
    return
  }
}

</mosaic_0001>

<sc_bundles>
// kernel: kernel.6.cloned.1.call-start
scs
__scs_entry_jumppad:
0x0: {  	(pc) =	sbr.rel $0x88, $3  }
0x1: {  	(tag) =	ssettag $0x0;
	lr =	simm.s32 $0x1  }
0x2: {  	[smem:$0x3F9C] =	sst lr;
	_ =	strace $0xD0000000  }
0x3: {  	_ = 	snop  }
0x4: {  	_ = 	snop  }
0x5: {  	_ = 	snop  }
0x6: {  	_ = 	snop  }
0x7: {  	_ = 	snop  }
__scs_overlays_trampoline_lowered:
0x8: {  	[smem:$0x3FAB] =	sst s0  }
0x9: {  	[smem:$0x3FAC] =	sst s1  }
0xa: {  	[smem:$0x3FAD] =	sst s2  }
0xb: {  	[smem:$0x3FAE] =	sst s3  }
0xc: {  	[smem:$0x3FAF] =	sst s4  }
0xd: {  	[smem:$0x3FB0] =	sst s5  }
0xe: {  	[smem:$0x3FB1] =	sst s6  }
0xf: {  	[smem:$0x3FB2] =	sst s7  }
0x10: {  	[smem:$0x3FB3] =	sst s8  }
0x11: {  	[smem:$0x3FB4] =	sst s9;
	s0 =	simm.s32 @!p0 $0x0  }
0x12: {  	s1 =	sld [smem:$0x3F9A];
	s0 =	simm.s32 @p0 $0x1  }
0x13: {  	[smem:$0x3FB5] =	sst s0;
	s0 =	simm.s32 @!p1 $0x0  }
0x14: {  	s2 =	sld [smem:$0x3F99];
	s0 =	simm.s32 @p1 $0x1  }
0x15: {  	[smem:$0x3FB6] =	sst s0;
	s0 =	simm.s32 @!p2 $0x0  }
0x16: {  	s3 =	sld [smem:$0x3FDB];
	s0 =	simm.s32 @p2 $0x1  }
0x17: {  	s4 =	simm.s32 $0x1BF5;
	[smem:$0x3FB8] =	sst s0  }
0x18: {  	s0 =	sld [smem:$0x3F9B];
	_ =	swait.ge [sflag:s4], $0x0  }
0x19: {  	s7 =	sld [smem:$0x3F9C]  }
0x1a: {  	s8 =	sadd.s32 $0xFFFFE003, lr  }
0x1b: {  	s9 =	sadd.s32 $0xFFFFFEF7, lr;
	s5 =	simm.s32 $0xFFFFFFFF;
	p2 =	slt.u32 s8, $0xFFFFF086  }
0x1c: {  	p1 =	slt.u32 s9, $0xF7A;
	s5 =	simm.s32 @!p2 $0x0  }
0x1d: {  	s5 =	simm.s32 @p1 $0x1;
	p0 =	seq.s32 s7, s2  }
0x1e: {  	s7 =	smul.u32 @!p0 $0xF7A, s2;
	p2 =	seq.s32 @!p0 s5, $0x0  }
0x1f: {  	s9 =	smul.u32 $0xF7A, s1;
	s8 =	simm.s32 @!p0 $0x1BF5;
	p2 =	por !p2, p0  }
0x20: {  	[sflag:s8] =	ssyncset.s32 @!p0 $0xFFFFF086;
	s6 =	sadd.s32 @!p0 s3, s7;
	s7 =	simm.s32 @!p0 $0x108  }
0x21: {  	s3 =	sadd.s32 s3, s9;
	s6 =	sadd.s32 @!p0 $0x88, s6;
	s7 =	simm.s32 @p2 $0x1082  }
0x22: {  	[simem:s7], [sflag:s8] =	dma.local @!p0 [hbm:s6], $0xF7A  }
0x23: {  	s9 =	sor.u32 $0xD0000000, s2;
	s6 =	simm.s32 $0x108;
	_ =	swait.ge @!p0 [sflag:s8], $0x0  }
0x24: {  	s3 =	sadd.s32 $0x88, s3;
	s6 =	simm.s32 @!p1 $0x1082;
	[sflag:s4] =	ssyncset.s32 $0xFFFFF086  }
0x25: {  	[simem:s6], [sflag:s4] =	dma.local [hbm:s3], $0xF7A  }
0x26: {  	[smem:$0x3F9C] =	sst s1;
	(tag) =	ssettag s2;
	_ =	strace s9  }
0x27: {  	s1 =	sld [smem:$0x3FAC]  }
0x28: {  	s2 =	sld [smem:$0x3FAD]  }
0x29: {  	s4 =	sld [smem:$0x3FAF]  }
0x2a: {  	p0 =	seq.s32 s5, $0x0;
	s5 =	sld [smem:$0x3FB0]  }
0x2b: {  	s6 =	sld [smem:$0x3FB1]  }
0x2c: {  	s7 =	sld [smem:$0x3FB2]  }
0x2d: {  	s3 =	simm.s32 $0x108;
	s8 =	sld [smem:$0x3FB3]  }
0x2e: {  	s3 =	simm.s32 @!p0 $0x1082;
	s9 =	sld [smem:$0x3FB4]  }
0x2f: {  	lr =	sadd.s32 s0, s3;
	s0 =	sld [smem:$0x3FAB]  }
0x30: {  	s3 =	sld [smem:$0x3FAE]  }
0x31: {  	[smem:$0x3FB7] =	sst s10  }
0x32: {  	s10 =	sld [smem:$0x3FB5];
	_ =	sdelay $0x3  }
0x33: {  	p0 =	seq.s32 s10, $0x1;
	s10 =	sld [smem:$0x3FB7];
	_ =	sdelay $0x3  }
0x34: {  	[smem:$0x3FB7] =	sst s10  }
0x35: {  	s10 =	sld [smem:$0x3FB6];
	_ =	sdelay $0x3  }
0x36: {  	p1 =	seq.s32 s10, $0x1;
	s10 =	sld [smem:$0x3FB7];
	_ =	sdelay $0x3  }
0x37: {  	[smem:$0x3FB7] =	sst s10  }
0x38: {  	s10 =	sld [smem:$0x3FB8]  }
0x39: {  	_ = 	snop;
	(pc) =	sbr.ind lr, $3  }
0x3a: {  	_ = 	snop  }
0x3b: {  	_ = 	snop  }
0x3c: {  	p2 =	seq.s32 s10, $0x1;
	s10 =	sld [smem:$0x3FB7]  }
0x3d: {  	_ =	shalt  }
0x3e: {  	_ =	shalt  }
0x3f: {  	_ =	shalt  }
0x40: {  	_ =	shalt  }
0x41: {  	_ =	shalt  }
0x42: {  	_ =	shalt  }
0x43: {  	_ =	shalt  }
0x44: {  	_ =	shalt  }
0x45: {  	_ =	shalt  }
0x46: {  	_ =	shalt  }
0x47: {  	_ =	shalt  }
0x48: {  	_ =	shalt  }
0x49: {  	_ =	shalt  }
0x4a: {  	_ =	shalt  }
0x4b: {  	_ =	shalt  }
0x4c: {  	_ =	shalt  }
0x4d: {  	_ =	shalt  }
0x4e: {  	_ =	shalt  }
0x4f: {  	_ =	shalt  }
0x50: {  	_ =	shalt  }
0x51: {  	_ =	shalt  }
0x52: {  	_ =	shalt  }
0x53: {  	_ =	shalt  }
0x54: {  	_ =	shalt  }
0x55: {  	_ =	shalt  }
0x56: {  	_ =	shalt  }
0x57: {  	_ =	shalt  }
0x58: {  	_ =	shalt  }
0x59: {  	_ =	shalt  }
0x5a: {  	_ =	shalt  }
0x5b: {  	_ =	shalt  }
0x5c: {  	_ =	shalt  }
0x5d: {  	_ =	shalt  }
0x5e: {  	_ =	shalt  }
0x5f: {  	_ =	shalt  }
0x60: {  	_ =	shalt  }
0x61: {  	_ =	shalt  }
0x62: {  	_ =	shalt  }
0x63: {  	_ =	shalt  }
0x64: {  	_ =	shalt  }
0x65: {  	_ =	shalt  }
0x66: {  	_ =	shalt  }
0x67: {  	_ =	shalt  }
0x68: {  	_ =	shalt  }
0x69: {  	_ =	shalt  }
0x6a: {  	_ =	shalt  }
0x6b: {  	_ =	shalt  }
0x6c: {  	_ =	shalt  }
0x6d: {  	_ =	shalt  }
0x6e: {  	_ =	shalt  }
0x6f: {  	_ =	shalt  }
0x70: {  	_ =	shalt  }
0x71: {  	_ =	shalt  }
0x72: {  	_ =	shalt  }
0x73: {  	_ =	shalt  }
0x74: {  	_ =	shalt  }
0x75: {  	_ =	shalt  }
0x76: {  	_ =	shalt  }
0x77: {  	_ =	shalt  }
0x78: {  	_ =	shalt  }
0x79: {  	_ =	shalt  }
0x7a: {  	_ =	shalt  }
0x7b: {  	_ =	shalt  }
0x7c: {  	_ =	shalt  }
0x7d: {  	_ =	shalt  }
0x7e: {  	_ =	shalt  }
0x7f: {  	_ =	shalt  }
0x80: {  	_ =	shalt  }
0x81: {  	_ =	shalt  }
0x82: {  	_ =	shalt  }
0x83: {  	_ =	shalt  }
0x84: {  	_ =	shalt  }
0x85: {  	_ =	shalt  }
0x86: {  	_ =	shalt  }
0x87: {  	_ =	shalt  }
.Lfunc_end0:
.L_simem_size_0:
called_computation_lowered:
.L_overlay_start_0:
0x88: {  	s2 =	sld [smem:$0x3FD9]  }
0x89: {  	s3 =	sld [smem:$0x3FFE];
	_ =	sdelay $0x1  }
0x8a: {  	s1 =	srdreg.scid  }
0x8b: {  	s0 =	sand.u32 $0x1, s1  }
0x8c: {  	s17 =	sshll.u32 s0, $0xA;
	s2 =	sadd.s32 s3, s2  }
0x8d: {  	s2 =	sadd.s32 s2, s17  }
0x8e: {  	[smem:$0x3FC3] =	sst s2  }
0x8f: {  	_ = 	snop  }
0x90: {  	s2 =	sld [smem:$0x3FD0];
	(tm) =	ssettm $0x1  }
0x91: {  	s18 =	sld [smem:$0x3FFB];
	_ =	sdelay $0x3  }
0x92: {  	_ =	strace s18  }
0x93: {  	s3 =	sld [smem:$0x3FFC];
	_ =	sdelay $0x3  }
0x94: {  	_ =	strace s3  }
0x95: {  	s3 =	sld [smem:$0x3FFD];
	_ =	sdelay $0x3  }
0x96: {  	_ =	strace s3  }
0x97: {  	_ =	strace $0x8FFFFFFF  }
0x98: {  	s19 =	sld [smem:$0x3FDB];
	_ =	sdelay $0x1  }
0x99: {  	s4 =	simm.s32 $_scs_section_size  }
0x9a: {  	s5 =	simm.s32 $_size__tile_overlayer_lowered;
	s6 =	simm.s32 $_tile_overlayer_lowered  }
0x9b: {  	s22 =	simm.s32 $0x1BFF;
	s21 =	sshll.u32 s6, $0x1;
	s3 =	sadd.s32 s4, s19  }
0x9c: {  	s7 =	simm.s32 $0x0;
	s20 =	sshll.u32 s5, $0x1;
	s5 =	sadd.s32 s21, s3  }
0x9d: {  	[timem:s7], [sflag:s22] =	dma.local [hbm:s5], s20  }
0x9e: {  	_ =	swait.ge [sflag:s22], s20  }
0x9f: {  	s4 =	ssub.s32 $0x0, s20;
	[sflag:s22] =	ssyncset.done $0x0  }
0xa0: {  	[sflag:s22] =	ssyncadd.s32 s4;
	_ =	sdelay $0x1  }
0xa1: {  	s23 =	simm.s32 $0x1B8B  }
0xa2: {  	_ =	swait.ge [sflag:s23], $0x1  }
0xa3: {  	[sflag:s23] =	ssyncset.done $0x0  }
0xa4: {  	s25 =	simm.s32 $0x1B8E;
	s24 =	sld [smem:$0x3FFE];
	[sflag:s23] =	ssyncadd.s32 $0xFFFFFFFF  }
0xa5: {  	s26 =	simm.s32 $execute0_lowered;
	[smem:$0x3FD2] =	sst s25  }
0xa6: {  	s5 =	sshll.u32 s26, $0x1;
	_ =	strace $0x80000046;
	[dreg:$0x1] =	wrdreg $0xFFFFFFFF  }
0xa7: {  	s28 =	simm.s32 $_size_execute0_lowered;
	s3 =	sadd.s32 s3, s5;
	[dreg:$0x0] =	wrdreg $0x0  }
0xa8: {  	s5 =	sshll.u32 s28, $0x1;
	[dreg:$0x2] =	wrdreg s3  }
0xa9: {  	[dreg:$0x3] =	wrdreg s5  }
0xaa: {  	[dreg:$0x4] =	wrdreg $0xC0  }
0xab: {  	_ =	task [dreg:s7], $0x5FFFF  }
0xac: {  	[dreg:$0x1] =	wrdreg $0xFFFFFFFF  }
0xad: {  	[dreg:$0x0] =	wrdreg $0x60  }
0xae: {  	[dreg:$0x2] =	wrdreg s24  }
0xaf: {  	[dreg:$0x3] =	wrdreg s2  }
0xb0: {  	[dreg:$0x4] =	wrdreg $0xB0000  }
0xb1: {  	[dreg:$0x5] =	wrdreg $0x150000  }
0xb2: {  	[dreg:$0x6] =	wrdreg $0x9  }
0xb3: {  	_ =	task.clear_ibuf [dreg:s7], $0x7FFFF;
	_ =	strace $0x90000046  }
0xb4: {  	s29 =	simm.s32 $0x9;
	_ =	strace $0x80000048  }
0xb5: {  	_ =	swait.ge [sflag:s29], $0x1  }
0xb6: {  	[sflag:s29] =	ssyncadd.s32 $0xFFFFFFFF  }
0xb7: {  	_ =	strace $0x90000048  }
0xb8: {  	_ =	sfence  }
0xb9: {  	s30 =	sld [smem:$0x0];
	_ =	sdelay $0x2  }
0xba: {  	s31 =	sshll.u32 s1, $0xD;
	s1 =	sshrl.u32 s1, $0x2  }
0xbb: {  	s3 =	sand.u32 $0x4000, s31;
	s1 =	sadd.s32 s1, s30  }
0xbc: {  	s0 =	sor.u32 s3, s0;
	s1 =	sshll.u32 s1, $0x11  }
0xbd: {  	s0 =	sor.u32 s1, s0  }
0xbe: {  	s0 =	sadd.s32 $0x8F2B, s0  }
0xbf: {  	[sflag:s0] =	ssyncadd.remote.s32 $0x1  }
0xc0: {  	_ =	sfence.sel $0xFFFF  }
0xc1: {  	[dreg:$0x0] =	wrdreg $0xFFFFFFFF;
	(pc) =	sbr.abs _section_cstart, $3  }
0xc2: {  	[dreg:$0x1] =	wrdreg $0xFFFFFFFF  }
0xc3: {  	_ =	task.clear_ibuf [dreg:s7], $0x2FFFF;
	_ =	strace $0x9FFFFFFF  }
0xc4: {  	(tm) =	ssettm $0x7FFFFFFF  }
0xc5: {  	_ =	shalt  }
tec
execute0_lowered:
.L_overlay_start_1:
0x0: {  	(tag) =	ssettag $0x1  }
0x1: {  	s0 =	rddreg [dreg:$0x0]  }
0x2: {  	s1 =	rddreg [dreg:$0x1]  }
0x3: {  	s2 =	rddreg [dreg:$0x2]  }
0x4: {  	s4 =	srdreg.scid;
	s3 =	rddreg [dreg:$0x3]  }
0x5: {  	s12 =	stileid.u32;
	s7 =	simm.s32 $0x0;
	s19 =	simm.s32 $0x5000  }
0x6: {  	s20 =	simm.s32 $0x7;
	s21 =	simm.s32 $0x1;
	s28 =	simm.s32 $0x9000  }
0x7: {  	s29 =	simm.s32 $0x4;
	s30 =	simm.s32 $0x5;
	s10 =	smul.u32 $0xA000, s12  }
0x8: {  	s18 =	simm.s32 $0x0;
	s4 =	sand.u32 $0x1, s4;
	s11 =	smul.u32 $0x28000, s12  }
0x9: {  	[smem:$0x7FF] =	sst s7;
	s5 =	sshll.u32 s4, $0x4;
	s6 =	smul.u32 $0xA0000, s4  }
0xa: {  	_ =	strace $0x80000047;
	s4 =	ssub.s32 $0x2, s4;
	s5 =	sor.u32 s12, s5  }
0xb: {  	s22 =	sshrl.u32 s10, $0x3;
	s24 =	sshrl.u32 s4, $0x1;
	s17 =	sadd.s32 s10, s2  }
0xc: {  	s11 =	sshrl.u32 s11, $0x2;
	s8 =	smul.u32 $0x500, s5;
	s7 =	sadd.s32 s22, s0  }
0xd: {  	s23 =	sadd.s32 s10, s6;
	s4 =	ssub.s32 s4, s24;
	s31 =	sadd.s32 s11, s3  }
0xe: {  	s10 =	sadd.s32 s10, s3;
	s17 =	sshrl.u32 s17, $0x3;
	s22 =	simm.s32 $0x2  }
0xf: {  	s24 =	simm.s32 $0x80;
	s5 =	sshrl.u32 s23, $0x3;
	s25 =	sadd.s32 $0xAC00, s7  }
0x10: {  	s11 =	sadd.s32 $0x2000, s31;
	s13 =	sadd.s32 $0x6000, s31;
	s14 =	sadd.s32 $0x8000, s31  }
0x11: {  	s16 =	smax.u32 s4, $0x1;
	s23 =	simm.s32 $0x3;
	s9 =	sadd.s32 s8, s0  }
0x12: {  	s0 =	sadd.s32 s5, s0;
	s5 =	sshll.u32 s12, $0x6;
	[dreg:$0x5] =	wrdreg s25  }
0x13: {  	s1 =	sadd.s32 s1, s8;
	s12 =	sadd.s32 $0x4000, s31;
	s25 =	simm.s32 $0x7000  }
0x14: {  	s26 =	sor.u32 $0x1C01, s5;
	[dreg:$0x7] =	wrdreg s1;
	s9 =	sadd.s32 $0xC00, s9  }
0x15: {  	v0 =	vimm.f32 $0.0e+00;
	s15 =	sadd.s32 $0x1EC00, s0;
	s1 =	simm.s32 $0x6;
	[dreg:$0x6] =	wrdreg s26  }
.LBB2_1:
0x16: {  	s0 =	rddreg [dreg:$0x5]  }
0x17: {  	s4 =	rddreg [dreg:$0x6]  }
0x18: {  	[spmem:s17], [sflag:s4] =	dma.local [hbm:s0], $0x1400  }
0x19: {  	s26 =	simm.s32 $0x0;
	s4 =	rddreg [dreg:$0x7]  }
0x1a: {  	[tilespmem:s26], [sflag:$0x2] =	stream.linear.gather [hbm4b:s4+s26], $0x2800, $0x38;
	[tilespmem:$0x1F000] =	vst v63  }
0x1b: {  	s31 =	simm.s32 $0x2800  }
0x1c: {  	[tilespmem:s31], [sflag:$0x3] =	stream.linear.gather [hbm4b:s9+s26], $0x2800, $0x38;
	[tilespmem:$0x1F000] =	vst v63  }
0x1d: {  	s0 =	simm.s32 $0x0;
	s26 =	simm.s32 $0x100  }
.LBB2_2:
0x1e: {  	p0 =	sne.s32 s26, $0x7F00;
	[tilespmem:s0+$0x5030] =	vst v0;
	s4 =	smov.u32 s26;
	s26 =	sadd.s32 $0x100, s26  }
.Ltmp0:
0x1f: {  	[tilespmem:s0+$0x5020] =	vst v0;
	(pc) =	sbr.rel @p0 .LBB2_2-.Ltmp0, $3  }
0x20: {  	[tilespmem:s0+$0x5000] =	vst v0  }
0x21: {  	[tilespmem:s0+$0x5010] =	vst v0;
	_ =	sdelay $0x1  }
0x22: {  	s0 =	sshra.s32 s4, $0x2  }
0x23: {  	[tilespmem:s0+$0x5030] =	vst v0  }
0x24: {  	[tilespmem:s0+$0x5020] =	vst v0  }
0x25: {  	[tilespmem:s0+$0x5000] =	vst v0  }
0x26: {  	[tilespmem:s0+$0x5010] =	vst v0  }
0x27: {  	[spmem:s10] =	stream.linear.scatter [tilespmem:s19], [sflag:$0x7], $0x2000, $0x38;
	[tilespmem:$0x1F000] =	vst v63  }
0x28: {  	_ =	swait.ge [sflag:s20], $0x2000  }
0x29: {  	[sflag:s20] =	ssyncset.done $0x0  }
0x2a: {  	[sflag:s20] =	ssyncadd.s32 $0xFFFFE000  }
0x2b: {  	[spmem:s11] =	stream.linear.scatter [tilespmem:s19], [sflag:$0x7], $0x2000, $0x38;
	[tilespmem:$0x1F000] =	vst v63  }
0x2c: {  	_ =	swait.ge [sflag:s20], $0x2000  }
0x2d: {  	[sflag:s20] =	ssyncset.done $0x0  }
0x2e: {  	[sflag:s20] =	ssyncadd.s32 $0xFFFFE000  }
0x2f: {  	[spmem:s12] =	stream.linear.scatter [tilespmem:s19], [sflag:$0x7], $0x2000, $0x38;
	[tilespmem:$0x1F000] =	vst v63  }
0x30: {  	_ =	swait.ge [sflag:s20], $0x2000  }
0x31: {  	[sflag:s20] =	ssyncset.done $0x0  }
0x32: {  	[sflag:s20] =	ssyncadd.s32 $0xFFFFE000  }
0x33: {  	[spmem:s13] =	stream.linear.scatter [tilespmem:s19], [sflag:$0x7], $0x2000, $0x38;
	[tilespmem:$0x1F000] =	vst v63  }
0x34: {  	_ =	swait.ge [sflag:s20], $0x2000  }
0x35: {  	[sflag:s20] =	ssyncset.done $0x0  }
0x36: {  	[sflag:s20] =	ssyncadd.s32 $0xFFFFE000  }
0x37: {  	[spmem:s14] =	stream.linear.scatter [tilespmem:s19], [sflag:$0x7], $0x2000, $0x38;
	[tilespmem:$0x1F000] =	vst v63  }
0x38: {  	_ =	swait.ge [sflag:s20], $0x2000  }
0x39: {  	[sflag:s20] =	ssyncset.done $0x0  }
0x3a: {  	[sflag:s20] =	ssyncadd.s32 $0xFFFFE000  }
0x3b: {  	_ =	swait.ge [sflag:s21], $0x1400  }
0x3c: {  	[sflag:s21] =	ssyncset.done $0x0  }
0x3d: {  	[sflag:s21] =	ssyncadd.s32 $0xFFFFEC00  }
0x3e: {  	_ =	swait.ge [sflag:s22], $0x2800  }
0x3f: {  	[sflag:s22] =	ssyncset.done $0x0  }
0x40: {  	[sflag:s22] =	ssyncadd.s32 $0xFFFFD800  }
0x41: {  	_ =	swait.ge [sflag:s23], $0x2800  }
0x42: {  	[sflag:s23] =	ssyncset.done $0x0  }
0x43: {  	p0 =	por $0x1, $0x1;
	[sflag:s23] =	ssyncadd.s32 $0xFFFFD800  }
0x44: {  	s8 =	simm.s32 $0x0;
	p1 =	por @!p0 $0x0, $0x0;
	[bflag:$0x0] =	sbarrier.arrive $0xFFFF  }
0x45: {  	[tilespmem:s19], [sflag:$0x1] =	stream.indirect.gather [spmem:s2], $0x40, s8, s24, $0xb8;
	[tilespmem:$0x1F000] =	vst v63  }
0x46: {  	p0 =	por p1, p0  }
0x47: {  	[tilespmem:s25], [sflag:$0x2] =	stream.indirect.gather [spmem:s2], $0x40, s24, s24, $0xb8;
	[tilespmem:$0x1F000] =	vst v63  }
0x48: {  	s26 =	simm.s32 $0x100;
	s0 =	simm.s32 @!p0 $0x6  }
0x49: {  	[tilespmem:s28], [sflag:$0x3] =	stream.indirect.gather [spmem:s2], $0x40, s26, s24, $0xb8;
	[tilespmem:$0x1F000] =	vst v63  }
0x4a: {  	_ =	swait.ge @!p0 [sflag:s0], $0x2000  }
0x4b: {  	s4 =	simm.s32 @!p0 $0x9000;
	[sflag:s0] =	ssyncset.done @!p0 $0x0  }
0x4c: {  	s26 =	simm.s32 @!p0 $0x80;
	[sflag:s0] =	ssyncadd.s32 @!p0 $0xFFFFE000;
	s0 =	simm.s32 @!p0 $0x100  }
0x4d: {  	[tilespmem:s4], [sflag:$0x3] =	stream.indirect.gather @!p0 [spmem:s2], $0x40, s0, s26, $0xb8;
	[tilespmem:$0x1F000] =	vst v63  }
0x4e: {  	_ =	swait.ge [sflag:s21], $0x2000  }
0x4f: {  	[sflag:s21] =	ssyncset.done $0x0  }
0x50: {  	s4 =	simm.s32 $0x2800;
	[sflag:s21] =	ssyncadd.s32 $0xFFFFE000  }
0x51: {  	[spmem:s3] =	stream.indirect.scatter.add.f32 [tilespmem:s19], [sflag:$0x4], $0x40, s4, s24, $0xb8;
	[tilespmem:$0x1F000] =	vst v63  }
0x52: {  	_ =	swait.ge [sflag:s29], $0x2000  }
0x53: {  	[sflag:s29] =	ssyncset.done $0x0  }
0x54: {  	s6 =	simm.s32 $0x180;
	[sflag:s29] =	ssyncadd.s32 $0xFFFFE000  }
0x55: {  	[tilespmem:s19], [sflag:$0x1] =	stream.indirect.gather [spmem:s2], $0x40, s6, s24, $0xb8;
	[tilespmem:$0x1F000] =	vst v63  }
0x56: {  	_ =	swait.ge [sflag:s22], $0x2000  }
0x57: {  	[sflag:s22] =	ssyncset.done $0x0  }
0x58: {  	s7 =	simm.s32 $0x2880;
	[sflag:s22] =	ssyncadd.s32 $0xFFFFE000  }
0x59: {  	[spmem:s3] =	stream.indirect.scatter.add.f32 [tilespmem:s25], [sflag:$0x5], $0x40, s7, s24, $0xb8;
	[tilespmem:$0x1F000] =	vst v63  }
0x5a: {  	_ =	swait.ge [sflag:s30], $0x2000  }
0x5b: {  	s31 =	simm.s32 $0xC00;
	s8 =	simm.s32 $0x200;
	[sflag:s30] =	ssyncset.done $0x0  }
0x5c: {  	s26 =	simm.s32 $0x600;
	p0 =	por $0x0, $0x0;
	[sflag:s30] =	ssyncadd.s32 $0xFFFFE000  }
0x5d: {  	[tilespmem:s25], [sflag:$0x2] =	stream.indirect.gather [spmem:s2], $0x40, s8, s24, $0xb8;
	[tilespmem:$0x1F000] =	vst v63  }
0x5e: {  	s0 =	simm.s32 $0x1;
	p1 =	por @!p0 $0x0, $0x0;
	_ =	swait.ge [sflag:s23], $0x2000  }
0x5f: {  	p1 =	por p1, p0;
	s4 =	simm.s32 $0x2900;
	[sflag:s23] =	ssyncset.done $0x0  }
.LBB2_4:
0x60: {  	s6 =	simm.s32 @!p1 $0x6  }
0x61: {  	[sflag:s23] =	ssyncadd.s32 $0xFFFFE000;
	s7 =	smov.u32 s31;
	s31 =	sadd.s32 $0x600, s31  }
0x62: {  	[spmem:s3] =	stream.indirect.scatter.add.f32 [tilespmem:s28], [sflag:$0x6], $0x40, s4, s24, $0xb8;
	[tilespmem:$0x1F000] =	vst v63  }
0x63: {  	p0 =	sne.s32 s31, $0x9C00;
	_ =	swait.ge @!p1 [sflag:s6], $0x2000  }
0x64: {  	s8 =	simm.s32 @!p1 $0x9000;
	s4 =	sshra.s32 @!p1 s26, $0x2;
	[sflag:s6] =	ssyncset.done @!p1 $0x0  }
0x65: {  	s4 =	sadd.s32 @!p1 $0x100, s4;
	[sflag:s6] =	ssyncadd.s32 @!p1 $0xFFFFE000;
	s6 =	simm.s32 @!p1 $0x80  }
0x66: {  	[tilespmem:s8], [sflag:$0x3] =	stream.indirect.gather @!p1 [spmem:s2], $0x40, s4, s6, $0xb8;
	[tilespmem:$0x1F000] =	vst v63  }
0x67: {  	_ =	swait.ge [sflag:s21], $0x2000  }
0x68: {  	s4 =	sshra.s32 s26, $0x2;
	s26 =	smov.u32 s7;
	[sflag:s21] =	ssyncset.done $0x0  }
0x69: {  	s6 =	sadd.s32 $0x2800, s4;
	[sflag:s21] =	ssyncadd.s32 $0xFFFFE000  }
0x6a: {  	[spmem:s3] =	stream.indirect.scatter.add.f32 [tilespmem:s19], [sflag:$0x4], $0x40, s6, s24, $0xb8;
	[tilespmem:$0x1F000] =	vst v63  }
0x6b: {  	_ =	swait.ge [sflag:s29], $0x2000  }
0x6c: {  	[sflag:s29] =	ssyncset.done $0x0  }
0x6d: {  	s6 =	sadd.s32 $0x180, s4;
	[sflag:s29] =	ssyncadd.s32 $0xFFFFE000  }
0x6e: {  	[tilespmem:s19], [sflag:$0x1] =	stream.indirect.gather [spmem:s2], $0x40, s6, s24, $0xb8;
	[tilespmem:$0x1F000] =	vst v63  }
0x6f: {  	_ =	swait.ge [sflag:s22], $0x2000  }
0x70: {  	[sflag:s22] =	ssyncset.done $0x0  }
0x71: {  	s6 =	sadd.s32 $0x2880, s4;
	[sflag:s22] =	ssyncadd.s32 $0xFFFFE000  }
0x72: {  	[spmem:s3] =	stream.indirect.scatter.add.f32 [tilespmem:s25], [sflag:$0x5], $0x40, s6, s24, $0xb8;
	[tilespmem:$0x1F000] =	vst v63  }
0x73: {  	_ =	swait.ge [sflag:s30], $0x2000  }
.Ltmp1:
0x74: {  	s0 =	sadd.s32 $0x1, s0;
	[sflag:s30] =	ssyncset.done $0x0;
	(pc) =	sbr.rel @p0 .LBB2_4-.Ltmp1, $4  }
0x75: {  	p1 =	seq.s32 s0, $0x0;
	s6 =	sadd.s32 $0x200, s4;
	[sflag:s30] =	ssyncadd.s32 $0xFFFFE000  }
0x76: {  	[tilespmem:s25], [sflag:$0x2] =	stream.indirect.gather [spmem:s2], $0x40, s6, s24, $0xb8;
	[tilespmem:$0x1F000] =	vst v63  }
0x77: {  	p2 =	seq.s32 @!p1 s0, $0x1A;
	_ =	swait.ge [sflag:s23], $0x2000  }
0x78: {  	p1 =	por p2, p1;
	s4 =	sadd.s32 $0x2900, s4;
	[sflag:s23] =	ssyncset.done $0x0  }
0x79: {  	s0 =	simm.s32 @!p1 $0x6;
	[sflag:s23] =	ssyncadd.s32 $0xFFFFE000  }
0x7a: {  	[spmem:s3] =	stream.indirect.scatter.add.f32 [tilespmem:s28], [sflag:$0x6], $0x40, s4, s24, $0xb8;
	[tilespmem:$0x1F000] =	vst v63  }
0x7b: {  	_ =	swait.ge @!p1 [sflag:s0], $0x2000  }
0x7c: {  	s6 =	simm.s32 @!p1 $0x9000;
	s4 =	sshra.s32 @!p1 s26, $0x2;
	[sflag:s0] =	ssyncset.done @!p1 $0x0  }
0x7d: {  	[sflag:s0] =	ssyncadd.s32 @!p1 $0xFFFFE000;
	s0 =	sadd.s32 @!p1 $0x100, s4;
	s4 =	simm.s32 @!p1 $0x80  }
0x7e: {  	[tilespmem:s6], [sflag:$0x3] =	stream.indirect.gather @!p1 [spmem:s2], $0x40, s0, s4, $0xb8;
	[tilespmem:$0x1F000] =	vst v63  }
0x7f: {  	_ =	swait.ge [sflag:s21], $0x2000  }
0x80: {  	s7 =	sshra.s32 s26, $0x2;
	[sflag:s21] =	ssyncset.done $0x0  }
0x81: {  	s8 =	sadd.s32 $0x2800, s7;
	[sflag:s21] =	ssyncadd.s32 $0xFFFFE000  }
0x82: {  	[spmem:s3] =	stream.indirect.scatter.add.f32 [tilespmem:s19], [sflag:$0x4], $0x40, s8, s24, $0xb8;
	[tilespmem:$0x1F000] =	vst v63  }
0x83: {  	_ =	swait.ge [sflag:s29], $0x2000  }
0x84: {  	[sflag:s29] =	ssyncset.done $0x0  }
0x85: {  	s26 =	sadd.s32 $0x180, s7;
	[sflag:s29] =	ssyncadd.s32 $0xFFFFE000  }
0x86: {  	[tilespmem:s19], [sflag:$0x1] =	stream.indirect.gather [spmem:s2], $0x40, s26, s24, $0xb8;
	[tilespmem:$0x1F000] =	vst v63  }
0x87: {  	_ =	swait.ge [sflag:s22], $0x2000  }
0x88: {  	[sflag:s22] =	ssyncset.done $0x0  }
0x89: {  	s31 =	sadd.s32 $0x2880, s7;
	[sflag:s22] =	ssyncadd.s32 $0xFFFFE000  }
0x8a: {  	[spmem:s3] =	stream.indirect.scatter.add.f32 [tilespmem:s25], [sflag:$0x5], $0x40, s31, s24, $0xb8;
	[tilespmem:$0x1F000] =	vst v63  }
0x8b: {  	_ =	swait.ge [sflag:s30], $0x2000  }
0x8c: {  	[sflag:s30] =	ssyncset.done $0x0  }
0x8d: {  	s6 =	sadd.s32 $0x200, s7;
	[sflag:s30] =	ssyncadd.s32 $0xFFFFE000  }
0x8e: {  	[tilespmem:s25], [sflag:$0x2] =	stream.indirect.gather [spmem:s2], $0x40, s6, s24, $0xb8;
	[tilespmem:$0x1F000] =	vst v63  }
0x8f: {  	_ =	swait.ge [sflag:s23], $0x2000  }
0x90: {  	[sflag:s23] =	ssyncset.done $0x0  }
0x91: {  	s0 =	sadd.s32 $0x2900, s7;
	[sflag:s23] =	ssyncadd.s32 $0xFFFFE000  }
0x92: {  	[spmem:s3] =	stream.indirect.scatter.add.f32 [tilespmem:s28], [sflag:$0x6], $0x40, s0, s24, $0xb8;
	[tilespmem:$0x1F000] =	vst v63  }
0x93: {  	_ =	swait.ge [sflag:s21], $0x2000  }
0x94: {  	[sflag:s21] =	ssyncset.done $0x0  }
0x95: {  	s7 =	simm.s32 $0x4F00;
	[sflag:s21] =	ssyncadd.s32 $0xFFFFE000  }
0x96: {  	[spmem:s3] =	stream.indirect.scatter.add.f32 [tilespmem:s19], [sflag:$0x4], $0x40, s7, s24, $0xb8;
	[tilespmem:$0x1F000] =	vst v63  }
0x97: {  	_ =	swait.ge [sflag:s22], $0x2000  }
0x98: {  	[sflag:s22] =	ssyncset.done $0x0  }
0x99: {  	s8 =	simm.s32 $0x4F80;
	[sflag:s22] =	ssyncadd.s32 $0xFFFFE000  }
0x9a: {  	[spmem:s3] =	stream.indirect.scatter.add.f32 [tilespmem:s25], [sflag:$0x5], $0x40, s8, s24, $0xb8;
	[tilespmem:$0x1F000] =	vst v63  }
0x9b: {  	_ =	swait.ge [sflag:s29], $0x2000  }
0x9c: {  	[sflag:s29] =	ssyncset.done $0x0  }
0x9d: {  	[sflag:s29] =	ssyncadd.s32 $0xFFFFE000  }
0x9e: {  	_ =	swait.ge [sflag:s30], $0x2000  }
0x9f: {  	[sflag:s30] =	ssyncset.done $0x0  }
0xa0: {  	[sflag:s30] =	ssyncadd.s32 $0xFFFFE000  }
0xa1: {  	_ =	swait.ge [sflag:s1], $0x2000  }
0xa2: {  	s18 =	sadd.s32 $0x1, s18;
	[sflag:s1] =	ssyncset.done $0x0  }
0xa3: {  	p0 =	sne.s32 s18, s16;
	s26 =	sor.u32 $0x1C07, s5;
	[sflag:s1] =	ssyncadd.s32 $0xFFFFE000  }
.Ltmp2:
0xa4: {  	s31 =	sshrl.u32 s10, $0x3;
	[bflag:$0x0] =	sbarrier.arrive $0xFFFF;
	(pc) =	sbr.rel @p0 .LBB2_1-.Ltmp2, $4  }
0xa5: {  	[hbm:s15], [sflag:s26] =	dma.local [spmem:s31], $0x1400  }
0xa6: {  	_ =	swait.ge [sflag:s20], $0x1400  }
0xa7: {  	[sflag:s20] =	ssyncset.done $0x0  }
0xa8: {  	[sflag:s20] =	ssyncadd.s32 $0xFFFFEC00  }
0xa9: {  	_ =	sfence.sel $0x180000  }
0xaa: {  	[bflag:$0x0] =	sbarrier.arrive $0xFFFF  }
0xab: {  	_ =	strace $0x90000047  }
0xac: {  	s0 =	stileid.u32;
	[bflag:$0x2] =	sbarrier.arrive $0xFFFF  }
0xad: {  	p0 =	sne.s32 s0, $0x0;
	s0 =	rddreg [dreg:$0x4]  }
0xae: {  	s0 =	sadd.s32 @!p0 $0x100000, s0  }
0xaf: {  	[sflag:s0] =	ssyncadd.tile.s32 @!p0 $0x1;
	_ =	shalt  }
.Lfunc_end2:
_tile_overlayer_lowered:
.L_overlay_start_2:
0xb0: {  	(tag) =	ssettag $0x2  }
0xb1: {  	s0 =	rddreg [dreg:$0x0];
	s2 =	stileid.u32  }
0xb2: {  	s1 =	rddreg [dreg:$0x1];
	p0 =	sne.s32 s2, $0x0  }
0xb3: {  	s3 =	rddreg [dreg:$0x2];
	[bflag:$0x3] =	sbarrier.arrive $0xFFFF;
	s2 =	simm.s32 @!p0 $0x1C07  }
0xb4: {  	[timem:s3], [sflag:s2] =	dma.local @!p0 [hbm:s0], s1  }
0xb5: {  	s0 =	simm.s32 @!p0 $0x7  }
0xb6: {  	_ =	swait.ge @!p0 [sflag:s0], s1  }
0xb7: {  	s1 =	ssub.s32 @!p0 $0x0, s1;
	[sflag:s0] =	ssyncset.done @!p0 $0x0  }
0xb8: {  	[sflag:s0] =	ssyncadd.s32 @!p0 s1  }
0xb9: {  	[bflag:$0x3] =	sbarrier.arrive $0xFFFF  }
0xba: {  	_ =	shalt  }

// kernel: kernel.9.cloned.1.call-start
scs
__scs_entry_jumppad:
0x0: {  	(pc) =	sbr.rel $0x88, $3  }
0x1: {  	(tag) =	ssettag $0x0;
	lr =	simm.s32 $0x1  }
0x2: {  	[smem:$0x3F9C] =	sst lr;
	_ =	strace $0xD0000000  }
0x3: {  	_ = 	snop  }
0x4: {  	_ = 	snop  }
0x5: {  	_ = 	snop  }
0x6: {  	_ = 	snop  }
0x7: {  	_ = 	snop  }
__scs_overlays_trampoline_lowered:
0x8: {  	[smem:$0x3FAB] =	sst s0  }
0x9: {  	[smem:$0x3FAC] =	sst s1  }
0xa: {  	[smem:$0x3FAD] =	sst s2  }
0xb: {  	[smem:$0x3FAE] =	sst s3  }
0xc: {  	[smem:$0x3FAF] =	sst s4  }
0xd: {  	[smem:$0x3FB0] =	sst s5  }
0xe: {  	[smem:$0x3FB1] =	sst s6  }
0xf: {  	[smem:$0x3FB2] =	sst s7  }
0x10: {  	[smem:$0x3FB3] =	sst s8  }
0x11: {  	[smem:$0x3FB4] =	sst s9;
	s0 =	simm.s32 @!p0 $0x0  }
0x12: {  	s1 =	sld [smem:$0x3F9A];
	s0 =	simm.s32 @p0 $0x1  }
0x13: {  	[smem:$0x3FB5] =	sst s0;
	s0 =	simm.s32 @!p1 $0x0  }
0x14: {  	s2 =	sld [smem:$0x3F99];
	s0 =	simm.s32 @p1 $0x1  }
0x15: {  	[smem:$0x3FB6] =	sst s0;
	s0 =	simm.s32 @!p2 $0x0  }
0x16: {  	s3 =	sld [smem:$0x3FDB];
	s0 =	simm.s32 @p2 $0x1  }
0x17: {  	s4 =	simm.s32 $0x1BF5;
	[smem:$0x3FB8] =	sst s0  }
0x18: {  	s0 =	sld [smem:$0x3F9B];
	_ =	swait.ge [sflag:s4], $0x0  }
0x19: {  	s7 =	sld [smem:$0x3F9C]  }
0x1a: {  	s8 =	sadd.s32 $0xFFFFE003, lr  }
0x1b: {  	s9 =	sadd.s32 $0xFFFFFEF7, lr;
	s5 =	simm.s32 $0xFFFFFFFF;
	p2 =	slt.u32 s8, $0xFFFFF086  }
0x1c: {  	p1 =	slt.u32 s9, $0xF7A;
	s5 =	simm.s32 @!p2 $0x0  }
0x1d: {  	s5 =	simm.s32 @p1 $0x1;
	p0 =	seq.s32 s7, s2  }
0x1e: {  	s7 =	smul.u32 @!p0 $0xF7A, s2;
	p2 =	seq.s32 @!p0 s5, $0x0  }
0x1f: {  	s9 =	smul.u32 $0xF7A, s1;
	s8 =	simm.s32 @!p0 $0x1BF5;
	p2 =	por !p2, p0  }
0x20: {  	[sflag:s8] =	ssyncset.s32 @!p0 $0xFFFFF086;
	s6 =	sadd.s32 @!p0 s3, s7;
	s7 =	simm.s32 @!p0 $0x108  }
0x21: {  	s3 =	sadd.s32 s3, s9;
	s6 =	sadd.s32 @!p0 $0x88, s6;
	s7 =	simm.s32 @p2 $0x1082  }
0x22: {  	[simem:s7], [sflag:s8] =	dma.local @!p0 [hbm:s6], $0xF7A  }
0x23: {  	s9 =	sor.u32 $0xD0000000, s2;
	s6 =	simm.s32 $0x108;
	_ =	swait.ge @!p0 [sflag:s8], $0x0  }
0x24: {  	s3 =	sadd.s32 $0x88, s3;
	s6 =	simm.s32 @!p1 $0x1082;
	[sflag:s4] =	ssyncset.s32 $0xFFFFF086  }
0x25: {  	[simem:s6], [sflag:s4] =	dma.local [hbm:s3], $0xF7A  }
0x26: {  	[smem:$0x3F9C] =	sst s1;
	(tag) =	ssettag s2;
	_ =	strace s9  }
0x27: {  	s1 =	sld [smem:$0x3FAC]  }
0x28: {  	s2 =	sld [smem:$0x3FAD]  }
0x29: {  	s4 =	sld [smem:$0x3FAF]  }
0x2a: {  	p0 =	seq.s32 s5, $0x0;
	s5 =	sld [smem:$0x3FB0]  }
0x2b: {  	s6 =	sld [smem:$0x3FB1]  }
0x2c: {  	s7 =	sld [smem:$0x3FB2]  }
0x2d: {  	s3 =	simm.s32 $0x108;
	s8 =	sld [smem:$0x3FB3]  }
0x2e: {  	s3 =	simm.s32 @!p0 $0x1082;
	s9 =	sld [smem:$0x3FB4]  }
0x2f: {  	lr =	sadd.s32 s0, s3;
	s0 =	sld [smem:$0x3FAB]  }
0x30: {  	s3 =	sld [smem:$0x3FAE]  }
0x31: {  	[smem:$0x3FB7] =	sst s10  }
0x32: {  	s10 =	sld [smem:$0x3FB5];
	_ =	sdelay $0x3  }
0x33: {  	p0 =	seq.s32 s10, $0x1;
	s10 =	sld [smem:$0x3FB7];
	_ =	sdelay $0x3  }
0x34: {  	[smem:$0x3FB7] =	sst s10  }
0x35: {  	s10 =	sld [smem:$0x3FB6];
	_ =	sdelay $0x3  }
0x36: {  	p1 =	seq.s32 s10, $0x1;
	s10 =	sld [smem:$0x3FB7];
	_ =	sdelay $0x3  }
0x37: {  	[smem:$0x3FB7] =	sst s10  }
0x38: {  	s10 =	sld [smem:$0x3FB8]  }
0x39: {  	_ = 	snop;
	(pc) =	sbr.ind lr, $3  }
0x3a: {  	_ = 	snop  }
0x3b: {  	_ = 	snop  }
0x3c: {  	p2 =	seq.s32 s10, $0x1;
	s10 =	sld [smem:$0x3FB7]  }
0x3d: {  	_ =	shalt  }
0x3e: {  	_ =	shalt  }
0x3f: {  	_ =	shalt  }
0x40: {  	_ =	shalt  }
0x41: {  	_ =	shalt  }
0x42: {  	_ =	shalt  }
0x43: {  	_ =	shalt  }
0x44: {  	_ =	shalt  }
0x45: {  	_ =	shalt  }
0x46: {  	_ =	shalt  }
0x47: {  	_ =	shalt  }
0x48: {  	_ =	shalt  }
0x49: {  	_ =	shalt  }
0x4a: {  	_ =	shalt  }
0x4b: {  	_ =	shalt  }
0x4c: {  	_ =	shalt  }
0x4d: {  	_ =	shalt  }
0x4e: {  	_ =	shalt  }
0x4f: {  	_ =	shalt  }
0x50: {  	_ =	shalt  }
0x51: {  	_ =	shalt  }
0x52: {  	_ =	shalt  }
0x53: {  	_ =	shalt  }
0x54: {  	_ =	shalt  }
0x55: {  	_ =	shalt  }
0x56: {  	_ =	shalt  }
0x57: {  	_ =	shalt  }
0x58: {  	_ =	shalt  }
0x59: {  	_ =	shalt  }
0x5a: {  	_ =	shalt  }
0x5b: {  	_ =	shalt  }
0x5c: {  	_ =	shalt  }
0x5d: {  	_ =	shalt  }
0x5e: {  	_ =	shalt  }
0x5f: {  	_ =	shalt  }
0x60: {  	_ =	shalt  }
0x61: {  	_ =	shalt  }
0x62: {  	_ =	shalt  }
0x63: {  	_ =	shalt  }
0x64: {  	_ =	shalt  }
0x65: {  	_ =	shalt  }
0x66: {  	_ =	shalt  }
0x67: {  	_ =	shalt  }
0x68: {  	_ =	shalt  }
0x69: {  	_ =	shalt  }
0x6a: {  	_ =	shalt  }
0x6b: {  	_ =	shalt  }
0x6c: {  	_ =	shalt  }
0x6d: {  	_ =	shalt  }
0x6e: {  	_ =	shalt  }
0x6f: {  	_ =	shalt  }
0x70: {  	_ =	shalt  }
0x71: {  	_ =	shalt  }
0x72: {  	_ =	shalt  }
0x73: {  	_ =	shalt  }
0x74: {  	_ =	shalt  }
0x75: {  	_ =	shalt  }
0x76: {  	_ =	shalt  }
0x77: {  	_ =	shalt  }
0x78: {  	_ =	shalt  }
0x79: {  	_ =	shalt  }
0x7a: {  	_ =	shalt  }
0x7b: {  	_ =	shalt  }
0x7c: {  	_ =	shalt  }
0x7d: {  	_ =	shalt  }
0x7e: {  	_ =	shalt  }
0x7f: {  	_ =	shalt  }
0x80: {  	_ =	shalt  }
0x81: {  	_ =	shalt  }
0x82: {  	_ =	shalt  }
0x83: {  	_ =	shalt  }
0x84: {  	_ =	shalt  }
0x85: {  	_ =	shalt  }
0x86: {  	_ =	shalt  }
0x87: {  	_ =	shalt  }
.Lfunc_end0:
.L_simem_size_0:
called_computation.1_lowered:
.L_overlay_start_0:
0x88: {  	s2 =	sld [smem:$0x3FD9]  }
0x89: {  	s3 =	sld [smem:$0x3FFE];
	_ =	sdelay $0x1  }
0x8a: {  	s1 =	srdreg.scid  }
0x8b: {  	s0 =	sand.u32 $0x1, s1  }
0x8c: {  	s17 =	sshll.u32 s0, $0xA;
	s2 =	sadd.s32 s3, s2  }
0x8d: {  	s2 =	sadd.s32 s2, s17  }
0x8e: {  	[smem:$0x3FC3] =	sst s2  }
0x8f: {  	_ = 	snop  }
0x90: {  	s2 =	sld [smem:$0x3FD0];
	(tm) =	ssettm $0x1  }
0x91: {  	s18 =	sld [smem:$0x3FFB];
	_ =	sdelay $0x3  }
0x92: {  	_ =	strace s18  }
0x93: {  	s3 =	sld [smem:$0x3FFC];
	_ =	sdelay $0x3  }
0x94: {  	_ =	strace s3  }
0x95: {  	s3 =	sld [smem:$0x3FFD];
	_ =	sdelay $0x3  }
0x96: {  	_ =	strace s3  }
0x97: {  	_ =	strace $0x8FFFFFFF  }
0x98: {  	s19 =	sld [smem:$0x3FDB];
	_ =	sdelay $0x1  }
0x99: {  	s4 =	simm.s32 $_scs_section_size  }
0x9a: {  	s5 =	simm.s32 $_size__tile_overlayer_lowered;
	s6 =	simm.s32 $_tile_overlayer_lowered  }
0x9b: {  	s22 =	simm.s32 $0x1BFF;
	s21 =	sshll.u32 s6, $0x1;
	s3 =	sadd.s32 s4, s19  }
0x9c: {  	s7 =	simm.s32 $0x0;
	s20 =	sshll.u32 s5, $0x1;
	s5 =	sadd.s32 s21, s3  }
0x9d: {  	[timem:s7], [sflag:s22] =	dma.local [hbm:s5], s20  }
0x9e: {  	_ =	swait.ge [sflag:s22], s20  }
0x9f: {  	s4 =	ssub.s32 $0x0, s20;
	[sflag:s22] =	ssyncset.done $0x0  }
0xa0: {  	[sflag:s22] =	ssyncadd.s32 s4;
	_ =	sdelay $0x1  }
0xa1: {  	s23 =	simm.s32 $0x1B8B  }
0xa2: {  	_ =	swait.ge [sflag:s23], $0x1  }
0xa3: {  	[sflag:s23] =	ssyncset.done $0x0  }
0xa4: {  	s25 =	simm.s32 $0x1B8E;
	s24 =	sld [smem:$0x3FFE];
	[sflag:s23] =	ssyncadd.s32 $0xFFFFFFFF  }
0xa5: {  	s26 =	simm.s32 $execute0_lowered;
	[smem:$0x3FD2] =	sst s25  }
0xa6: {  	s5 =	sshll.u32 s26, $0x1;
	_ =	strace $0x80000049;
	[dreg:$0x1] =	wrdreg $0xFFFFFFFF  }
0xa7: {  	s28 =	simm.s32 $_size_execute0_lowered;
	s3 =	sadd.s32 s3, s5;
	[dreg:$0x0] =	wrdreg $0x0  }
0xa8: {  	s5 =	sshll.u32 s28, $0x1;
	[dreg:$0x2] =	wrdreg s3  }
0xa9: {  	[dreg:$0x3] =	wrdreg s5  }
0xaa: {  	[dreg:$0x4] =	wrdreg $0xC0  }
0xab: {  	_ =	task [dreg:s7], $0x5FFFF  }
0xac: {  	[dreg:$0x1] =	wrdreg $0xFFFFFFFF  }
0xad: {  	[dreg:$0x0] =	wrdreg $0x60  }
0xae: {  	[dreg:$0x2] =	wrdreg s24  }
0xaf: {  	[dreg:$0x3] =	wrdreg s2  }
0xb0: {  	[dreg:$0x4] =	wrdreg $0xB2800  }
0xb1: {  	[dreg:$0x5] =	wrdreg $0x152800  }
0xb2: {  	[dreg:$0x6] =	wrdreg $0x9  }
0xb3: {  	_ =	task.clear_ibuf [dreg:s7], $0x7FFFF;
	_ =	strace $0x90000049  }
0xb4: {  	s29 =	simm.s32 $0x9;
	_ =	strace $0x8000004B  }
0xb5: {  	_ =	swait.ge [sflag:s29], $0x1  }
0xb6: {  	[sflag:s29] =	ssyncadd.s32 $0xFFFFFFFF  }
0xb7: {  	_ =	strace $0x9000004B  }
0xb8: {  	_ =	sfence  }
0xb9: {  	s30 =	sld [smem:$0x0];
	_ =	sdelay $0x2  }
0xba: {  	s31 =	sshll.u32 s1, $0xD;
	s1 =	sshrl.u32 s1, $0x2  }
0xbb: {  	s3 =	sand.u32 $0x4000, s31;
	s1 =	sadd.s32 s1, s30  }
0xbc: {  	s0 =	sor.u32 s3, s0;
	s1 =	sshll.u32 s1, $0x11  }
0xbd: {  	s0 =	sor.u32 s1, s0  }
0xbe: {  	s0 =	sadd.s32 $0x8F2B, s0  }
0xbf: {  	[sflag:s0] =	ssyncadd.remote.s32 $0x1  }
0xc0: {  	_ =	sfence.sel $0xFFFF  }
0xc1: {  	[dreg:$0x0] =	wrdreg $0xFFFFFFFF;
	(pc) =	sbr.abs _section_cstart, $3  }
0xc2: {  	[dreg:$0x1] =	wrdreg $0xFFFFFFFF  }
0xc3: {  	_ =	task.clear_ibuf [dreg:s7], $0x2FFFF;
	_ =	strace $0x9FFFFFFF  }
0xc4: {  	(tm) =	ssettm $0x7FFFFFFF  }
0xc5: {  	_ =	shalt  }
tec
execute0_lowered:
.L_overlay_start_1:
0x0: {  	(tag) =	ssettag $0x1  }
0x1: {  	s0 =	rddreg [dreg:$0x0]  }
0x2: {  	s1 =	srdreg.scid;
	s11 =	stileid.u32  }
0x3: {  	s6 =	rddreg [dreg:$0x1];
	s5 =	smul.u32 $0xA000, s11  }
0x4: {  	s2 =	rddreg [dreg:$0x2];
	s1 =	sand.u32 $0x1, s1;
	s17 =	smul.u32 $0x280, s11  }
0x5: {  	s3 =	rddreg [dreg:$0x3];
	s4 =	sshll.u32 s1, $0x4;
	s9 =	smul.u32 $0xA0000, s1  }
0x6: {  	s1 =	ssub.s32 $0x2, s1;
	s7 =	sor.u32 s11, s4;
	s4 =	simm.s32 $0x0  }
0x7: {  	s8 =	sshrl.u32 s5, $0x3;
	s10 =	sshrl.u32 s1, $0x1;
	s18 =	sor.u32 $0x10, s17  }
0x8: {  	s20 =	sor.u32 $0x30, s17;
	s21 =	sor.u32 $0x40, s17;
	s23 =	sor.u32 $0x60, s17  }
0x9: {  	v39 =	vlaneseq.u32;
	s25 =	sadd.s32 $0x80, s17;
	s28 =	sadd.s32 $0x210, s17;
	[smem:$0x7FF] =	sst s4  }
0xa: {  	v4 =	vor.u32 s21, v39;
	s21 =	sadd.s32 s5, s2;
	_ =	strace $0x8000004A;
	[dreg:$0x1a] =	wrdreg s28  }
0xb: {  	s16 =	sadd.s32 s8, s0;
	s28 =	sadd.s32 $0x220, s17;
	[dreg:$0x11] =	wrdreg s21  }
0xc: {  	s7 =	smul.u32 $0x500, s7;
	v1 =	vor.u32 s18, v39;
	s18 =	sadd.s32 $0x32C00, s16;
	[dreg:$0x1b] =	wrdreg s28  }
0xd: {  	v3 =	vor.u32 s20, v39;
	v6 =	vor.u32 s23, v39;
	s23 =	sshll.u32 s25, $0x6;
	s20 =	sadd.s32 $0x33800, s16;
	[dreg:$0xc] =	wrdreg s18  }
0xe: {  	s8 =	sadd.s32 $0xA0, s17;
	v8 =	vor.u32 s25, v39;
	s25 =	sadd.s32 s23, s2;
	[dreg:$0xf] =	wrdreg s20  }
0xf: {  	s9 =	sadd.s32 s5, s9;
	v10 =	vor.u32 s8, v39;
	s8 =	sadd.s32 s23, s3;
	[dreg:$0x12] =	wrdreg s25  }
0x10: {  	s13 =	sadd.s32 $0xE0, s17;
	s9 =	sshrl.u32 s9, $0x3;
	[dreg:$0x13] =	wrdreg s8  }
0x11: {  	v14 =	vor.u32 s13, v39;
	s26 =	sadd.s32 s7, s0;
	s0 =	sadd.s32 s9, s0;
	s13 =	rddreg [dreg:$0x1a]  }
0x12: {  	s29 =	ssub.s32 s1, s10;
	s1 =	sadd.s32 s6, s7;
	[dreg:$0x14] =	wrdreg s0  }
0x13: {  	s7 =	sadd.s32 $0x160, s17;
	[dreg:$0x5] =	wrdreg s1  }
0x14: {  	s28 =	sadd.s32 $0x230, s17;
	[smem:$0x7F9] =	sst s7  }
0x15: {  	s18 =	sadd.s32 $0x33000, s16;
	[dreg:$0x17] =	wrdreg s28  }
0x16: {  	s14 =	sadd.s32 $0x120, s17;
	[dreg:$0xd] =	wrdreg s18  }
0x17: {  	v18 =	vor.u32 s14, v39;
	s6 =	sadd.s32 $0xC00, s26;
	s14 =	rddreg [dreg:$0x1b]  }
0x18: {  	s7 =	sadd.s32 $0x170, s17;
	[dreg:$0x6] =	wrdreg s6  }
0x19: {  	s28 =	sadd.s32 $0x240, s17;
	[smem:$0x7FA] =	sst s7  }
0x1a: {  	s18 =	sadd.s32 $0x33400, s16;
	[dreg:$0x18] =	wrdreg s28  }
0x1b: {  	s19 =	sor.u32 $0x20, s17;
	[dreg:$0xe] =	wrdreg s18  }
0x1c: {  	s15 =	sadd.s32 $0x130, s17;
	v2 =	vor.u32 s19, v39;
	s19 =	sld [smem:$0x7F9]  }
0x1d: {  	v19 =	vor.u32 s15, v39;
	s7 =	sadd.s32 $0x190, s17;
	s15 =	rddreg [dreg:$0x17]  }
0x1e: {  	s28 =	sadd.s32 $0x250, s17;
	[smem:$0x7FB] =	sst s7  }
0x1f: {  	[dreg:$0x19] =	wrdreg s28  }
0x20: {  	s7 =	sadd.s32 $0x1A0, s17;
	s20 =	sld [smem:$0x7FA]  }
0x21: {  	s28 =	sadd.s32 $0x260, s17;
	[dreg:$0x1f] =	wrdreg s7  }
0x22: {  	[dreg:$0x15] =	wrdreg s28  }
0x23: {  	s18 =	sadd.s32 s5, s3;
	s7 =	sadd.s32 $0x1B0, s17;
	s5 =	sld [smem:$0x7FB]  }
0x24: {  	s28 =	sadd.s32 $0x270, s17;
	[smem:$0x7FC] =	sst s7  }
0x25: {  	s11 =	sadd.s32 $0xB0, s17;
	s6 =	sadd.s32 $0x180, s17;
	[dreg:$0x16] =	wrdreg s28  }
0x26: {  	v11 =	vor.u32 s11, v39;
	s11 =	sshll.u32 s6, $0x6;
	v24 =	vor.u32 s6, v39;
	s6 =	rddreg [dreg:$0x1f]  }
0x27: {  	s22 =	sor.u32 $0x50, s17;
	s7 =	sadd.s32 $0x1C0, s17;
	v22 =	vor.u32 s19, v39;
	s19 =	rddreg [dreg:$0x15]  }
0x28: {  	s24 =	sor.u32 $0x70, s17;
	s28 =	sadd.s32 $0x1EC00, s16;
	[smem:$0x7FD] =	sst s7  }
0x29: {  	s12 =	sadd.s32 $0xF0, s17;
	s31 =	sadd.s32 $0x140, s17;
	[dreg:$0x7] =	wrdreg s28  }
0x2a: {  	s30 =	sadd.s32 $0x150, s17;
	s10 =	sadd.s32 $0xD0, s17;
	s8 =	sld [smem:$0x7FC]  }
0x2b: {  	v20 =	vor.u32 s31, v39;
	s31 =	simm.s32 $0x5000;
	s7 =	sadd.s32 $0x1D0, s17;
	v23 =	vor.u32 s20, v39;
	s20 =	rddreg [dreg:$0x16]  }
0x2c: {  	v21 =	vor.u32 s30, v39;
	s30 =	simm.s32 $0x80;
	s28 =	sadd.s32 $0x1F000, s16;
	[dreg:$0x1c] =	wrdreg s7  }
0x2d: {  	s29 =	smax.u32 s29, $0x1;
	s9 =	sadd.s32 $0xC0, s17;
	[dreg:$0x8] =	wrdreg s28  }
0x2e: {  	s1 =	sadd.s32 $0x90, s17;
	v12 =	vor.u32 s9, v39;
	s7 =	sadd.s32 $0x1E0, s17;
	s9 =	sld [smem:$0x7FD]  }
0x2f: {  	s0 =	sadd.s32 $0x100, s17;
	s28 =	sadd.s32 $0x1F400, s16;
	[dreg:$0x1d] =	wrdreg s7  }
0x30: {  	v7 =	vor.u32 s24, v39;
	s26 =	sadd.s32 $0x110, s17;
	s24 =	sshll.u32 s0, $0x6;
	[dreg:$0x9] =	wrdreg s28  }
0x31: {  	v13 =	vor.u32 s10, v39;
	v9 =	vor.u32 s1, v39;
	s1 =	simm.s32 $0x7;
	s7 =	sadd.s32 $0x1F0, s17;
	s10 =	rddreg [dreg:$0x1c]  }
0x32: {  	v16 =	vor.u32 s0, v39;
	s0 =	simm.s32 $0x7000;
	s28 =	sadd.s32 $0x1F800, s16;
	[dreg:$0x1e] =	wrdreg s7  }
0x33: {  	v5 =	vor.u32 s22, v39;
	s21 =	sadd.s32 s24, s2;
	s22 =	sadd.s32 s24, s3;
	[dreg:$0xa] =	wrdreg s28  }
0x34: {  	v0 =	vor.u32 s17, v39;
	s23 =	sadd.s32 s11, s2;
	s7 =	sadd.s32 $0x200, s17;
	s17 =	rddreg [dreg:$0x14]  }
0x35: {  	s24 =	sadd.s32 s11, s3;
	s28 =	sadd.s32 $0x1FC00, s16;
	s11 =	rddreg [dreg:$0x1d]  }
0x36: {  	v40 =	vimm.f32 $0.0e+00;
	v15 =	vor.u32 s12, v39;
	v26 =	vor.u32 s6, v39;
	s6 =	simm.s32 $0x2;
	s16 =	sadd.s32 $0x33C00, s16;
	[dreg:$0xb] =	wrdreg s28  }
0x37: {  	v33 =	vor.u32 s13, v39;
	v25 =	vor.u32 s5, v39;
	s5 =	simm.s32 $0x4;
	v27 =	vor.u32 s8, v39;
	s8 =	simm.s32 $0x9000;
	[dreg:$0x10] =	wrdreg s16  }
0x38: {  	v17 =	vor.u32 s26, v39;
	v34 =	vor.u32 s14, v39;
	v29 =	vor.u32 s10, v39;
	s10 =	simm.s32 $0x5;
	s16 =	sshll.u32 s7, $0x6;
	s12 =	rddreg [dreg:$0x1e]  }
0x39: {  	v35 =	vor.u32 s15, v39;
	v38 =	vor.u32 s19, v39;
	s28 =	sadd.s32 $0x46C00, s17;
	v32 =	vor.u32 s7, v39;
	s7 =	simm.s32 $0x3;
	s17 =	rddreg [dreg:$0x19]  }
0x3a: {  	v28 =	vor.u32 s9, v39;
	v30 =	vor.u32 s11, v39;
	s25 =	sadd.s32 s16, s2;
	s26 =	sadd.s32 s16, s3;
	v31 =	vor.u32 s12, v39;
	s16 =	rddreg [dreg:$0x18]  }
0x3b: {  	s9 =	simm.s32 $0x1;
	s11 =	simm.s32 $0x6;
	v37 =	vor.u32 s17, v39;
	s12 =	simm.s32 $0x0;
	v36 =	vor.u32 s16, v39;
	v39 =	vor.u32 s20, v39  }
.LBB2_1:
0x3c: {  	s13 =	rddreg [dreg:$0x5]  }
0x3d: {  	[tilespmem:s4], [sflag:$0x2] =	stream.linear.gather [hbm4b:s13+s4], $0x2800, $0x38;
	[tilespmem:$0x1F280] =	vst v63  }
0x3e: {  	s20 =	rddreg [dreg:$0x6];
	s14 =	simm.s32 $0x2800  }
0x3f: {  	[tilespmem:s14], [sflag:$0x3] =	stream.linear.gather [hbm4b:s20+s4], $0x2800, $0x38;
	[tilespmem:$0x1F280] =	vst v63  }
0x40: {  	[tilespmem:$0xB000] =	vst v0  }
0x41: {  	[tilespmem:$0xB010] =	vst v1  }
0x42: {  	[tilespmem:$0xB020] =	vst v2  }
0x43: {  	[tilespmem:$0xB030] =	vst v3  }
0x44: {  	[tilespmem:$0xB040] =	vst v4  }
0x45: {  	[tilespmem:$0xB050] =	vst v5  }
0x46: {  	[tilespmem:$0xB060] =	vst v6  }
0x47: {  	[tilespmem:$0xB070] =	vst v7  }
0x48: {  	[tilespmem:$0xB080] =	vst v8  }
0x49: {  	[tilespmem:$0xB090] =	vst v9  }
0x4a: {  	[tilespmem:$0xB0A0] =	vst v10  }
0x4b: {  	[tilespmem:$0xB0B0] =	vst v11  }
0x4c: {  	[tilespmem:$0xB0C0] =	vst v12  }
0x4d: {  	[tilespmem:$0xB0D0] =	vst v13  }
0x4e: {  	[tilespmem:$0xB0E0] =	vst v14  }
0x4f: {  	[tilespmem:$0xB0F0] =	vst v15  }
0x50: {  	[tilespmem:$0xB100] =	vst v16  }
0x51: {  	[tilespmem:$0xB110] =	vst v17  }
0x52: {  	[tilespmem:$0xB120] =	vst v18  }
0x53: {  	[tilespmem:$0xB130] =	vst v19  }
0x54: {  	[tilespmem:$0xB140] =	vst v20  }
0x55: {  	[tilespmem:$0xB150] =	vst v21  }
0x56: {  	[tilespmem:$0xB160] =	vst v22  }
0x57: {  	[tilespmem:$0xB170] =	vst v23  }
0x58: {  	[tilespmem:$0xB180] =	vst v24  }
0x59: {  	[tilespmem:$0xB190] =	vst v25  }
0x5a: {  	[tilespmem:$0xB1A0] =	vst v26  }
0x5b: {  	[tilespmem:$0xB1B0] =	vst v27  }
0x5c: {  	[tilespmem:$0xB1C0] =	vst v28  }
0x5d: {  	[tilespmem:$0xB1D0] =	vst v29  }
0x5e: {  	[tilespmem:$0xB1E0] =	vst v30  }
0x5f: {  	[tilespmem:$0xB1F0] =	vst v31  }
0x60: {  	[tilespmem:$0xB200] =	vst v32  }
0x61: {  	[tilespmem:$0xB210] =	vst v33  }
0x62: {  	[tilespmem:$0xB220] =	vst v34  }
0x63: {  	[tilespmem:$0xB230] =	vst v35  }
0x64: {  	[tilespmem:$0xB240] =	vst v36  }
0x65: {  	[tilespmem:$0xB250] =	vst v37  }
0x66: {  	[tilespmem:$0xB260] =	vst v38  }
0x67: {  	s15 =	rddreg [dreg:$0x7];
	[tilespmem:$0xB270] =	vst v39  }
0x68: {  	[tilespmem:s31], [sflag:$0x7] =	stream.linear.gather [hbm4b:s15+s4], $0x2000, $0x38;
	[tilespmem:$0x1F280] =	vst v63  }
0x69: {  	_ =	swait.ge [sflag:s1], $0x2000  }
0x6a: {  	[sflag:s1] =	ssyncset.done $0x0  }
0x6b: {  	s16 =	rddreg [dreg:$0x11];
	[sflag:s1] =	ssyncadd.s32 $0xFFFFE000  }
0x6c: {  	[spmem:s16] =	stream.linear.scatter [tilespmem:s31], [sflag:$0x7], $0x2000, $0x38;
	[tilespmem:$0x1F280] =	vst v63  }
0x6d: {  	_ =	swait.ge [sflag:s1], $0x2000  }
0x6e: {  	[sflag:s1] =	ssyncset.done $0x0  }
0x6f: {  	s17 =	rddreg [dreg:$0x8];
	[sflag:s1] =	ssyncadd.s32 $0xFFFFE000  }
0x70: {  	[tilespmem:s31], [sflag:$0x7] =	stream.linear.gather [hbm4b:s17+s4], $0x2000, $0x38;
	[tilespmem:$0x1F280] =	vst v63  }
0x71: {  	_ =	swait.ge [sflag:s1], $0x2000  }
0x72: {  	[sflag:s1] =	ssyncset.done $0x0  }
0x73: {  	s19 =	rddreg [dreg:$0x12];
	[sflag:s1] =	ssyncadd.s32 $0xFFFFE000  }
0x74: {  	[spmem:s19] =	stream.linear.scatter [tilespmem:s31], [sflag:$0x7], $0x2000, $0x38;
	[tilespmem:$0x1F280] =	vst v63  }
0x75: {  	_ =	swait.ge [sflag:s1], $0x2000  }
0x76: {  	[sflag:s1] =	ssyncset.done $0x0  }
0x77: {  	s20 =	rddreg [dreg:$0x9];
	[sflag:s1] =	ssyncadd.s32 $0xFFFFE000  }
0x78: {  	[tilespmem:s31], [sflag:$0x7] =	stream.linear.gather [hbm4b:s20+s4], $0x2000, $0x38;
	[tilespmem:$0x1F280] =	vst v63  }
0x79: {  	_ =	swait.ge [sflag:s1], $0x2000  }
0x7a: {  	[sflag:s1] =	ssyncset.done $0x0  }
0x7b: {  	[sflag:s1] =	ssyncadd.s32 $0xFFFFE000  }
0x7c: {  	[spmem:s21] =	stream.linear.scatter [tilespmem:s31], [sflag:$0x7], $0x2000, $0x38;
	[tilespmem:$0x1F280] =	vst v63  }
0x7d: {  	_ =	swait.ge [sflag:s1], $0x2000  }
0x7e: {  	[sflag:s1] =	ssyncset.done $0x0  }
0x7f: {  	s14 =	rddreg [dreg:$0xa];
	[sflag:s1] =	ssyncadd.s32 $0xFFFFE000  }
0x80: {  	[tilespmem:s31], [sflag:$0x7] =	stream.linear.gather [hbm4b:s14+s4], $0x2000, $0x38;
	[tilespmem:$0x1F280] =	vst v63  }
0x81: {  	_ =	swait.ge [sflag:s1], $0x2000  }
0x82: {  	[sflag:s1] =	ssyncset.done $0x0  }
0x83: {  	[sflag:s1] =	ssyncadd.s32 $0xFFFFE000  }
0x84: {  	[spmem:s23] =	stream.linear.scatter [tilespmem:s31], [sflag:$0x7], $0x2000, $0x38;
	[tilespmem:$0x1F280] =	vst v63  }
0x85: {  	_ =	swait.ge [sflag:s1], $0x2000  }
0x86: {  	[sflag:s1] =	ssyncset.done $0x0  }
0x87: {  	s15 =	rddreg [dreg:$0xb];
	[sflag:s1] =	ssyncadd.s32 $0xFFFFE000  }
0x88: {  	[tilespmem:s31], [sflag:$0x7] =	stream.linear.gather [hbm4b:s15+s4], $0x2000, $0x38;
	[tilespmem:$0x1F280] =	vst v63  }
0x89: {  	_ =	swait.ge [sflag:s1], $0x2000  }
0x8a: {  	[sflag:s1] =	ssyncset.done $0x0  }
0x8b: {  	[sflag:s1] =	ssyncadd.s32 $0xFFFFE000  }
0x8c: {  	[spmem:s25] =	stream.linear.scatter [tilespmem:s31], [sflag:$0x7], $0x2000, $0x38;
	[tilespmem:$0x1F280] =	vst v63  }
0x8d: {  	_ =	swait.ge [sflag:s1], $0x2000  }
0x8e: {  	[sflag:s1] =	ssyncset.done $0x0  }
0x8f: {  	s16 =	rddreg [dreg:$0xc];
	[sflag:s1] =	ssyncadd.s32 $0xFFFFE000  }
0x90: {  	[tilespmem:s0], [sflag:$0x7] =	stream.linear.gather [hbm4b:s16+s4], $0x2000, $0x38;
	[tilespmem:$0x1F280] =	vst v63  }
0x91: {  	_ =	swait.ge [sflag:s1], $0x2000  }
0x92: {  	[sflag:s1] =	ssyncset.done $0x0  }
0x93: {  	s17 =	simm.s32 $0xB000;
	[sflag:s1] =	ssyncadd.s32 $0xFFFFE000  }
0x94: {  	[spmem:s2] =	stream.indirect.scatter.add.f32 [tilespmem:s0], [sflag:$0x4], $0x40, s17, s30, $0xb8;
	[tilespmem:$0x1F280] =	vst v63  }
0x95: {  	_ =	swait.ge [sflag:s5], $0x2000  }
0x96: {  	[sflag:s5] =	ssyncset.done $0x0  }
0x97: {  	s19 =	rddreg [dreg:$0xd];
	[sflag:s5] =	ssyncadd.s32 $0xFFFFE000  }
0x98: {  	[tilespmem:s0], [sflag:$0x7] =	stream.linear.gather [hbm4b:s19+s4], $0x2000, $0x38;
	[tilespmem:$0x1F280] =	vst v63  }
0x99: {  	_ =	swait.ge [sflag:s1], $0x2000  }
0x9a: {  	[sflag:s1] =	ssyncset.done $0x0  }
0x9b: {  	s20 =	simm.s32 $0xB080;
	[sflag:s1] =	ssyncadd.s32 $0xFFFFE000  }
0x9c: {  	[spmem:s2] =	stream.indirect.scatter.add.f32 [tilespmem:s0], [sflag:$0x4], $0x40, s20, s30, $0xb8;
	[tilespmem:$0x1F280] =	vst v63  }
0x9d: {  	_ =	swait.ge [sflag:s5], $0x2000  }
0x9e: {  	[sflag:s5] =	ssyncset.done $0x0  }
0x9f: {  	s14 =	rddreg [dreg:$0xe];
	[sflag:s5] =	ssyncadd.s32 $0xFFFFE000  }
0xa0: {  	[tilespmem:s0], [sflag:$0x7] =	stream.linear.gather [hbm4b:s14+s4], $0x2000, $0x38;
	[tilespmem:$0x1F280] =	vst v63  }
0xa1: {  	_ =	swait.ge [sflag:s1], $0x2000  }
0xa2: {  	[sflag:s1] =	ssyncset.done $0x0  }
0xa3: {  	s15 =	simm.s32 $0xB100;
	[sflag:s1] =	ssyncadd.s32 $0xFFFFE000  }
0xa4: {  	[spmem:s2] =	stream.indirect.scatter.add.f32 [tilespmem:s0], [sflag:$0x4], $0x40, s15, s30, $0xb8;
	[tilespmem:$0x1F280] =	vst v63  }
0xa5: {  	_ =	swait.ge [sflag:s5], $0x2000  }
0xa6: {  	[sflag:s5] =	ssyncset.done $0x0  }
0xa7: {  	s16 =	rddreg [dreg:$0xf];
	[sflag:s5] =	ssyncadd.s32 $0xFFFFE000  }
0xa8: {  	[tilespmem:s0], [sflag:$0x7] =	stream.linear.gather [hbm4b:s16+s4], $0x2000, $0x38;
	[tilespmem:$0x1F280] =	vst v63  }
0xa9: {  	_ =	swait.ge [sflag:s1], $0x2000  }
0xaa: {  	[sflag:s1] =	ssyncset.done $0x0  }
0xab: {  	s17 =	simm.s32 $0xB180;
	[sflag:s1] =	ssyncadd.s32 $0xFFFFE000  }
0xac: {  	[spmem:s2] =	stream.indirect.scatter.add.f32 [tilespmem:s0], [sflag:$0x4], $0x40, s17, s30, $0xb8;
	[tilespmem:$0x1F280] =	vst v63  }
0xad: {  	_ =	swait.ge [sflag:s5], $0x2000  }
0xae: {  	[sflag:s5] =	ssyncset.done $0x0  }
0xaf: {  	s19 =	rddreg [dreg:$0x10];
	[sflag:s5] =	ssyncadd.s32 $0xFFFFE000  }
0xb0: {  	[tilespmem:s0], [sflag:$0x7] =	stream.linear.gather [hbm4b:s19+s4], $0x2000, $0x38;
	[tilespmem:$0x1F280] =	vst v63  }
0xb1: {  	_ =	swait.ge [sflag:s1], $0x2000  }
0xb2: {  	[sflag:s1] =	ssyncset.done $0x0  }
0xb3: {  	s20 =	simm.s32 $0xB200;
	[sflag:s1] =	ssyncadd.s32 $0xFFFFE000  }
0xb4: {  	[spmem:s2] =	stream.indirect.scatter.add.f32 [tilespmem:s0], [sflag:$0x4], $0x40, s20, s30, $0xb8;
	[tilespmem:$0x1F280] =	vst v63  }
0xb5: {  	_ =	swait.ge [sflag:s5], $0x2000  }
0xb6: {  	[sflag:s5] =	ssyncset.done $0x0  }
0xb7: {  	s13 =	simm.s32 $0x0;
	s14 =	simm.s32 $0x100;
	[sflag:s5] =	ssyncadd.s32 $0xFFFFE000  }
.LBB2_2:
0xb8: {  	p0 =	sne.s32 s14, $0x7F00;
	[tilespmem:s13+$0x5030] =	vst v40;
	s15 =	smov.u32 s14;
	s14 =	sadd.s32 $0x100, s14  }
.Ltmp0:
0xb9: {  	[tilespmem:s13+$0x5020] =	vst v40;
	(pc) =	sbr.rel @p0 .LBB2_2-.Ltmp0, $3  }
0xba: {  	[tilespmem:s13+$0x5000] =	vst v40  }
0xbb: {  	[tilespmem:s13+$0x5010] =	vst v40;
	_ =	sdelay $0x1  }
0xbc: {  	s13 =	sshra.s32 s15, $0x2  }
0xbd: {  	[tilespmem:s13+$0x5030] =	vst v40  }
0xbe: {  	[tilespmem:s13+$0x5020] =	vst v40  }
0xbf: {  	[tilespmem:s13+$0x5000] =	vst v40  }
0xc0: {  	[tilespmem:s13+$0x5010] =	vst v40  }
0xc1: {  	[spmem:s18] =	stream.linear.scatter [tilespmem:s31], [sflag:$0x7], $0x2000, $0x38;
	[tilespmem:$0x1F280] =	vst v63  }
0xc2: {  	_ =	swait.ge [sflag:s1], $0x2000  }
0xc3: {  	[sflag:s1] =	ssyncset.done $0x0  }
0xc4: {  	s20 =	rddreg [dreg:$0x13];
	[sflag:s1] =	ssyncadd.s32 $0xFFFFE000  }
0xc5: {  	[spmem:s20] =	stream.linear.scatter [tilespmem:s31], [sflag:$0x7], $0x2000, $0x38;
	[tilespmem:$0x1F280] =	vst v63  }
0xc6: {  	_ =	swait.ge [sflag:s1], $0x2000  }
0xc7: {  	[sflag:s1] =	ssyncset.done $0x0  }
0xc8: {  	[sflag:s1] =	ssyncadd.s32 $0xFFFFE000  }
0xc9: {  	[spmem:s22] =	stream.linear.scatter [tilespmem:s31], [sflag:$0x7], $0x2000, $0x38;
	[tilespmem:$0x1F280] =	vst v63  }
0xca: {  	_ =	swait.ge [sflag:s1], $0x2000  }
0xcb: {  	[sflag:s1] =	ssyncset.done $0x0  }
0xcc: {  	[sflag:s1] =	ssyncadd.s32 $0xFFFFE000  }
0xcd: {  	[spmem:s24] =	stream.linear.scatter [tilespmem:s31], [sflag:$0x7], $0x2000, $0x38;
	[tilespmem:$0x1F280] =	vst v63  }
0xce: {  	_ =	swait.ge [sflag:s1], $0x2000  }
0xcf: {  	[sflag:s1] =	ssyncset.done $0x0  }
0xd0: {  	[sflag:s1] =	ssyncadd.s32 $0xFFFFE000  }
0xd1: {  	[spmem:s26] =	stream.linear.scatter [tilespmem:s31], [sflag:$0x7], $0x2000, $0x38;
	[tilespmem:$0x1F280] =	vst v63  }
0xd2: {  	_ =	swait.ge [sflag:s1], $0x2000  }
0xd3: {  	[sflag:s1] =	ssyncset.done $0x0  }
0xd4: {  	[sflag:s1] =	ssyncadd.s32 $0xFFFFE000  }
0xd5: {  	_ =	swait.ge [sflag:s6], $0x2800  }
0xd6: {  	[sflag:s6] =	ssyncset.done $0x0  }
0xd7: {  	[sflag:s6] =	ssyncadd.s32 $0xFFFFD800  }
0xd8: {  	_ =	swait.ge [sflag:s7], $0x2800  }
0xd9: {  	[sflag:s7] =	ssyncset.done $0x0  }
0xda: {  	p0 =	por $0x1, $0x1;
	[sflag:s7] =	ssyncadd.s32 $0xFFFFD800  }
0xdb: {  	s14 =	simm.s32 $0x0;
	p1 =	por @!p0 $0x0, $0x0;
	[bflag:$0x0] =	sbarrier.arrive $0xFFFF  }
0xdc: {  	[tilespmem:s31], [sflag:$0x1] =	stream.indirect.gather [spmem:s2], $0x40, s14, s30, $0xb8;
	[tilespmem:$0x1F280] =	vst v63  }
0xdd: {  	p0 =	por p1, p0  }
0xde: {  	[tilespmem:s0], [sflag:$0x2] =	stream.indirect.gather [spmem:s2], $0x40, s30, s30, $0xb8;
	[tilespmem:$0x1F280] =	vst v63  }
0xdf: {  	s15 =	simm.s32 $0x100;
	s13 =	simm.s32 @!p0 $0x6  }
0xe0: {  	[tilespmem:s8], [sflag:$0x3] =	stream.indirect.gather [spmem:s2], $0x40, s15, s30, $0xb8;
	[tilespmem:$0x1F280] =	vst v63  }
0xe1: {  	_ =	swait.ge @!p0 [sflag:s13], $0x2000  }
0xe2: {  	s14 =	simm.s32 @!p0 $0x9000;
	[sflag:s13] =	ssyncset.done @!p0 $0x0  }
0xe3: {  	s15 =	simm.s32 @!p0 $0x80;
	[sflag:s13] =	ssyncadd.s32 @!p0 $0xFFFFE000;
	s13 =	simm.s32 @!p0 $0x100  }
0xe4: {  	[tilespmem:s14], [sflag:$0x3] =	stream.indirect.gather @!p0 [spmem:s2], $0x40, s13, s15, $0xb8;
	[tilespmem:$0x1F280] =	vst v63  }
0xe5: {  	_ =	swait.ge [sflag:s9], $0x2000  }
0xe6: {  	[sflag:s9] =	ssyncset.done $0x0  }
0xe7: {  	s16 =	simm.s32 $0x2800;
	[sflag:s9] =	ssyncadd.s32 $0xFFFFE000  }
0xe8: {  	[spmem:s3] =	stream.indirect.scatter.add.f32 [tilespmem:s31], [sflag:$0x4], $0x40, s16, s30, $0xb8;
	[tilespmem:$0x1F280] =	vst v63  }
0xe9: {  	_ =	swait.ge [sflag:s5], $0x2000  }
0xea: {  	[sflag:s5] =	ssyncset.done $0x0  }
0xeb: {  	s17 =	simm.s32 $0x180;
	[sflag:s5] =	ssyncadd.s32 $0xFFFFE000  }
0xec: {  	[tilespmem:s31], [sflag:$0x1] =	stream.indirect.gather [spmem:s2], $0x40, s17, s30, $0xb8;
	[tilespmem:$0x1F280] =	vst v63  }
0xed: {  	_ =	swait.ge [sflag:s6], $0x2000  }
0xee: {  	[sflag:s6] =	ssyncset.done $0x0  }
0xef: {  	s19 =	simm.s32 $0x2880;
	[sflag:s6] =	ssyncadd.s32 $0xFFFFE000  }
0xf0: {  	[spmem:s3] =	stream.indirect.scatter.add.f32 [tilespmem:s0], [sflag:$0x5], $0x40, s19, s30, $0xb8;
	[tilespmem:$0x1F280] =	vst v63  }
0xf1: {  	_ =	swait.ge [sflag:s10], $0x2000  }
0xf2: {  	s20 =	simm.s32 $0x200;
	s13 =	simm.s32 $0x600;
	[sflag:s10] =	ssyncset.done $0x0  }
0xf3: {  	s14 =	simm.s32 $0xC00;
	p0 =	por $0x0, $0x0;
	[sflag:s10] =	ssyncadd.s32 $0xFFFFE000  }
0xf4: {  	[tilespmem:s0], [sflag:$0x2] =	stream.indirect.gather [spmem:s2], $0x40, s20, s30, $0xb8;
	[tilespmem:$0x1F280] =	vst v63  }
0xf5: {  	s15 =	simm.s32 $0x1;
	p1 =	por @!p0 $0x0, $0x0;
	_ =	swait.ge [sflag:s7], $0x2000  }
0xf6: {  	p1 =	por p1, p0;
	s16 =	simm.s32 $0x2900;
	[sflag:s7] =	ssyncset.done $0x0  }
.LBB2_4:
0xf7: {  	s17 =	simm.s32 @!p1 $0x6  }
0xf8: {  	[sflag:s7] =	ssyncadd.s32 $0xFFFFE000;
	s19 =	smov.u32 s14;
	s14 =	sadd.s32 $0x600, s14  }
0xf9: {  	[spmem:s3] =	stream.indirect.scatter.add.f32 [tilespmem:s8], [sflag:$0x6], $0x40, s16, s30, $0xb8;
	[tilespmem:$0x1F280] =	vst v63  }
0xfa: {  	p0 =	sne.s32 s14, $0x9C00;
	_ =	swait.ge @!p1 [sflag:s17], $0x2000  }
0xfb: {  	s20 =	simm.s32 @!p1 $0x9000;
	s16 =	sshra.s32 @!p1 s13, $0x2;
	[sflag:s17] =	ssyncset.done @!p1 $0x0  }
0xfc: {  	s16 =	sadd.s32 @!p1 $0x100, s16;
	[sflag:s17] =	ssyncadd.s32 @!p1 $0xFFFFE000;
	s17 =	simm.s32 @!p1 $0x80  }
0xfd: {  	[tilespmem:s20], [sflag:$0x3] =	stream.indirect.gather @!p1 [spmem:s2], $0x40, s16, s17, $0xb8;
	[tilespmem:$0x1F280] =	vst v63  }
0xfe: {  	_ =	swait.ge [sflag:s9], $0x2000  }
0xff: {  	s16 =	sshra.s32 s13, $0x2;
	s13 =	smov.u32 s19;
	[sflag:s9] =	ssyncset.done $0x0  }
0x100: {  	s17 =	sadd.s32 $0x2800, s16;
	[sflag:s9] =	ssyncadd.s32 $0xFFFFE000  }
0x101: {  	[spmem:s3] =	stream.indirect.scatter.add.f32 [tilespmem:s31], [sflag:$0x4], $0x40, s17, s30, $0xb8;
	[tilespmem:$0x1F280] =	vst v63  }
0x102: {  	_ =	swait.ge [sflag:s5], $0x2000  }
0x103: {  	[sflag:s5] =	ssyncset.done $0x0  }
0x104: {  	s17 =	sadd.s32 $0x180, s16;
	[sflag:s5] =	ssyncadd.s32 $0xFFFFE000  }
0x105: {  	[tilespmem:s31], [sflag:$0x1] =	stream.indirect.gather [spmem:s2], $0x40, s17, s30, $0xb8;
	[tilespmem:$0x1F280] =	vst v63  }
0x106: {  	_ =	swait.ge [sflag:s6], $0x2000  }
0x107: {  	[sflag:s6] =	ssyncset.done $0x0  }
0x108: {  	s17 =	sadd.s32 $0x2880, s16;
	[sflag:s6] =	ssyncadd.s32 $0xFFFFE000  }
0x109: {  	[spmem:s3] =	stream.indirect.scatter.add.f32 [tilespmem:s0], [sflag:$0x5], $0x40, s17, s30, $0xb8;
	[tilespmem:$0x1F280] =	vst v63  }
0x10a: {  	_ =	swait.ge [sflag:s10], $0x2000  }
.Ltmp1:
0x10b: {  	s15 =	sadd.s32 $0x1, s15;
	[sflag:s10] =	ssyncset.done $0x0;
	(pc) =	sbr.rel @p0 .LBB2_4-.Ltmp1, $4  }
0x10c: {  	p1 =	seq.s32 s15, $0x0;
	s17 =	sadd.s32 $0x200, s16;
	[sflag:s10] =	ssyncadd.s32 $0xFFFFE000  }
0x10d: {  	[tilespmem:s0], [sflag:$0x2] =	stream.indirect.gather [spmem:s2], $0x40, s17, s30, $0xb8;
	[tilespmem:$0x1F280] =	vst v63  }
0x10e: {  	p2 =	seq.s32 @!p1 s15, $0x1A;
	_ =	swait.ge [sflag:s7], $0x2000  }
0x10f: {  	p1 =	por p2, p1;
	s16 =	sadd.s32 $0x2900, s16;
	[sflag:s7] =	ssyncset.done $0x0  }
0x110: {  	s14 =	simm.s32 @!p1 $0x6;
	[sflag:s7] =	ssyncadd.s32 $0xFFFFE000  }
0x111: {  	[spmem:s3] =	stream.indirect.scatter.add.f32 [tilespmem:s8], [sflag:$0x6], $0x40, s16, s30, $0xb8;
	[tilespmem:$0x1F280] =	vst v63  }
0x112: {  	_ =	swait.ge @!p1 [sflag:s14], $0x2000  }
0x113: {  	s15 =	sshra.s32 @!p1 s13, $0x2;
	s16 =	simm.s32 @!p1 $0x9000;
	[sflag:s14] =	ssyncset.done @!p1 $0x0  }
0x114: {  	[sflag:s14] =	ssyncadd.s32 @!p1 $0xFFFFE000;
	s14 =	sadd.s32 @!p1 $0x100, s15;
	s15 =	simm.s32 @!p1 $0x80  }
0x115: {  	[tilespmem:s16], [sflag:$0x3] =	stream.indirect.gather @!p1 [spmem:s2], $0x40, s14, s15, $0xb8;
	[tilespmem:$0x1F280] =	vst v63  }
0x116: {  	_ =	swait.ge [sflag:s9], $0x2000  }
0x117: {  	s16 =	sshra.s32 s13, $0x2;
	[sflag:s9] =	ssyncset.done $0x0  }
0x118: {  	s17 =	sadd.s32 $0x2800, s16;
	[sflag:s9] =	ssyncadd.s32 $0xFFFFE000  }
0x119: {  	[spmem:s3] =	stream.indirect.scatter.add.f32 [tilespmem:s31], [sflag:$0x4], $0x40, s17, s30, $0xb8;
	[tilespmem:$0x1F280] =	vst v63  }
0x11a: {  	_ =	swait.ge [sflag:s5], $0x2000  }
0x11b: {  	[sflag:s5] =	ssyncset.done $0x0  }
0x11c: {  	s19 =	sadd.s32 $0x180, s16;
	[sflag:s5] =	ssyncadd.s32 $0xFFFFE000  }
0x11d: {  	[tilespmem:s31], [sflag:$0x1] =	stream.indirect.gather [spmem:s2], $0x40, s19, s30, $0xb8;
	[tilespmem:$0x1F280] =	vst v63  }
0x11e: {  	_ =	swait.ge [sflag:s6], $0x2000  }
0x11f: {  	[sflag:s6] =	ssyncset.done $0x0  }
0x120: {  	s20 =	sadd.s32 $0x2880, s16;
	[sflag:s6] =	ssyncadd.s32 $0xFFFFE000  }
0x121: {  	[spmem:s3] =	stream.indirect.scatter.add.f32 [tilespmem:s0], [sflag:$0x5], $0x40, s20, s30, $0xb8;
	[tilespmem:$0x1F280] =	vst v63  }
0x122: {  	_ =	swait.ge [sflag:s10], $0x2000  }
0x123: {  	[sflag:s10] =	ssyncset.done $0x0  }
0x124: {  	s15 =	sadd.s32 $0x200, s16;
	[sflag:s10] =	ssyncadd.s32 $0xFFFFE000  }
0x125: {  	[tilespmem:s0], [sflag:$0x2] =	stream.indirect.gather [spmem:s2], $0x40, s15, s30, $0xb8;
	[tilespmem:$0x1F280] =	vst v63  }
0x126: {  	_ =	swait.ge [sflag:s7], $0x2000  }
0x127: {  	[sflag:s7] =	ssyncset.done $0x0  }
0x128: {  	s13 =	sadd.s32 $0x2900, s16;
	[sflag:s7] =	ssyncadd.s32 $0xFFFFE000  }
0x129: {  	[spmem:s3] =	stream.indirect.scatter.add.f32 [tilespmem:s8], [sflag:$0x6], $0x40, s13, s30, $0xb8;
	[tilespmem:$0x1F280] =	vst v63  }
0x12a: {  	_ =	swait.ge [sflag:s9], $0x2000  }
0x12b: {  	[sflag:s9] =	ssyncset.done $0x0  }
0x12c: {  	s16 =	simm.s32 $0x4F00;
	[sflag:s9] =	ssyncadd.s32 $0xFFFFE000  }
0x12d: {  	[spmem:s3] =	stream.indirect.scatter.add.f32 [tilespmem:s31], [sflag:$0x4], $0x40, s16, s30, $0xb8;
	[tilespmem:$0x1F280] =	vst v63  }
0x12e: {  	_ =	swait.ge [sflag:s6], $0x2000  }
0x12f: {  	[sflag:s6] =	ssyncset.done $0x0  }
0x130: {  	s17 =	simm.s32 $0x4F80;
	[sflag:s6] =	ssyncadd.s32 $0xFFFFE000  }
0x131: {  	[spmem:s3] =	stream.indirect.scatter.add.f32 [tilespmem:s0], [sflag:$0x5], $0x40, s17, s30, $0xb8;
	[tilespmem:$0x1F280] =	vst v63  }
0x132: {  	_ =	swait.ge [sflag:s5], $0x2000  }
0x133: {  	[sflag:s5] =	ssyncset.done $0x0  }
0x134: {  	[sflag:s5] =	ssyncadd.s32 $0xFFFFE000  }
0x135: {  	_ =	swait.ge [sflag:s10], $0x2000  }
0x136: {  	[sflag:s10] =	ssyncset.done $0x0  }
0x137: {  	[sflag:s10] =	ssyncadd.s32 $0xFFFFE000  }
0x138: {  	s12 =	sadd.s32 $0x1, s12;
	_ =	swait.ge [sflag:s11], $0x2000  }
0x139: {  	p0 =	sne.s32 s12, s29;
	s19 =	stileid.u32;
	[sflag:s11] =	ssyncset.done $0x0  }
0x13a: {  	s20 =	sshrl.u32 s18, $0x3;
	s13 =	sshll.u32 s19, $0x6;
	[sflag:s11] =	ssyncadd.s32 $0xFFFFE000  }
.Ltmp2:
0x13b: {  	s13 =	sor.u32 $0x1C07, s13;
	[bflag:$0x0] =	sbarrier.arrive $0xFFFF;
	(pc) =	sbr.rel @p0 .LBB2_1-.Ltmp2, $4  }
0x13c: {  	[hbm:s28], [sflag:s13] =	dma.local [spmem:s20], $0x1400  }
0x13d: {  	_ =	swait.ge [sflag:s1], $0x1400  }
0x13e: {  	[sflag:s1] =	ssyncset.done $0x0  }
0x13f: {  	[sflag:s1] =	ssyncadd.s32 $0xFFFFEC00  }
0x140: {  	_ =	sfence.sel $0x180000  }
0x141: {  	[bflag:$0x0] =	sbarrier.arrive $0xFFFF  }
0x142: {  	_ =	strace $0x9000004A  }
0x143: {  	s0 =	stileid.u32;
	[bflag:$0x2] =	sbarrier.arrive $0xFFFF  }
0x144: {  	p0 =	sne.s32 s0, $0x0;
	s0 =	rddreg [dreg:$0x4]  }
0x145: {  	s0 =	sadd.s32 @!p0 $0x100000, s0  }
0x146: {  	[sflag:s0] =	ssyncadd.tile.s32 @!p0 $0x1;
	_ =	shalt  }
.Lfunc_end2:
_tile_overlayer_lowered:
.L_overlay_start_2:
0x147: {  	(tag) =	ssettag $0x2  }
0x148: {  	s0 =	rddreg [dreg:$0x0];
	s2 =	stileid.u32  }
0x149: {  	s1 =	rddreg [dreg:$0x1];
	p0 =	sne.s32 s2, $0x0  }
0x14a: {  	s3 =	rddreg [dreg:$0x2];
	[bflag:$0x3] =	sbarrier.arrive $0xFFFF;
	s2 =	simm.s32 @!p0 $0x1C07  }
0x14b: {  	[timem:s3], [sflag:s2] =	dma.local @!p0 [hbm:s0], s1  }
0x14c: {  	s0 =	simm.s32 @!p0 $0x7  }
0x14d: {  	_ =	swait.ge @!p0 [sflag:s0], s1  }
0x14e: {  	s1 =	ssub.s32 @!p0 $0x0, s1;
	[sflag:s0] =	ssyncset.done @!p0 $0x0  }
0x14f: {  	[sflag:s0] =	ssyncadd.s32 @!p0 s1  }
0x150: {  	[bflag:$0x3] =	sbarrier.arrive $0xFFFF  }
0x151: {  	_ =	shalt  }

</sc_bundles>
